<compile_context>
chip_gen: v7x
topology: tpu7x:2x2x1
jax: 0.10.2.dev20260603
libtpu: 0.0.44.dev20260713+nightly
codegen_flags: <defaults>
</compile_context>

<pallas_src>
import jax
import jax.numpy as jnp
from jax import lax
from jax.experimental import pallas as pl
from jax.experimental.pallas import tpu as pltpu
from jax.experimental.pallas import tpu_sc as plsc

_NUM_FIELDS = 26
_FIELD_W = 38462
_BATCH = 16384
_LANES = 16
_NC, _NS = 2, 16
_NW = _NC * _NS
_ROWS = _BATCH // _NW
_FLAT = _ROWS * _NUM_FIELDS
_CH = 8
_CROWS = _ROWS // _CH
_CFLAT = _CROWS * _NUM_FIELDS
_WRAP = _NUM_FIELDS * _FIELD_W
_STEP = _LANES * _FIELD_W


def _body(x_hbm, w_hbm, bias_hbm, out_hbm,
          xv, idx_a, idx_b, vals_a, vals_b, out_v, bias_v, sem_a, sem_b):
    wid = lax.axis_index("s") * _NC + lax.axis_index("c")
    fbase = wid * _FLAT

    pltpu.sync_copy(x_hbm.at[pl.ds(fbase, _FLAT)], xv)
    pltpu.sync_copy(bias_hbm, bias_v)
    bvec = plsc.load_gather(bias_v, [jnp.zeros((_LANES,), jnp.int32)])

    idxb = (idx_a, idx_b)
    valsb = (vals_a, vals_b)
    sems = (sem_a, sem_b)
    handles = [None, None]

    def compute_offsets(k, idx_p):
        cbase = k * _CFLAT

        def off_body(j, f):
            o = j * 2 * _LANES
            idx_p[pl.ds(o, _LANES)] = xv[pl.ds(cbase + o, _LANES)] + f
            f2 = f + _STEP
            f2 = f2 - (f2 >= _WRAP).astype(jnp.int32) * _WRAP
            o2 = o + _LANES
            idx_p[pl.ds(o2, _LANES)] = xv[pl.ds(cbase + o2, _LANES)] + f2
            f3 = f2 + _STEP
            return f3 - (f3 >= _WRAP).astype(jnp.int32) * _WRAP

        lax.fori_loop(0, _CFLAT // (2 * _LANES), off_body,
                      lax.iota(jnp.int32, _LANES) * _FIELD_W)

    def reduce_chunk(k, vals_p):
        rlocal = k * _CROWS

        def red_body(c, _):
            j = c * _LANES + lax.iota(jnp.int32, _LANES)
            base_idx = j * _NUM_FIELDS
            acc = bvec
            for f in range(_NUM_FIELDS):
                acc = acc + plsc.load_gather(vals_p, [base_idx + f])
            out_v[pl.ds(rlocal + c * _LANES, _LANES)] = acc
            return 0

        lax.fori_loop(0, _CROWS // _LANES, red_body, 0)

    for k in range(_CH):
        p = k % 2
        compute_offsets(k, idxb[p])
        handles[p] = pltpu.async_copy(w_hbm.at[idxb[p]], valsb[p], sems[p])
        if k >= 1:
            q = 1 - p
            handles[q].wait()
            reduce_chunk(k - 1, valsb[q])

    last = (_CH - 1) % 2
    handles[last].wait()
    reduce_chunk(_CH - 1, valsb[last])

    pltpu.sync_copy(out_v, out_hbm.at[pl.ds(wid * _ROWS, _ROWS)])


def kernel(x, W, bias):
    x_flat = x.reshape(-1)
    w_flat = W.reshape(-1)
    bias1 = bias.reshape(1)

    run = pl.kernel(
        _body,
        out_type=jax.ShapeDtypeStruct((_BATCH,), jnp.float32),
        mesh=plsc.VectorSubcoreMesh(core_axis_name="c", subcore_axis_name="s"),
        compiler_params=pltpu.CompilerParams(needs_layout_passes=False),
        scratch_types=[
            pltpu.VMEM((_FLAT,), jnp.int32),
            pltpu.VMEM((_CFLAT,), jnp.int32),
            pltpu.VMEM((_CFLAT,), jnp.int32),
            pltpu.VMEM((_CFLAT,), jnp.float32),
            pltpu.VMEM((_CFLAT,), jnp.float32),
            pltpu.VMEM((_ROWS,), jnp.float32),
            pltpu.VMEM((1,), jnp.float32),
            pltpu.SemaphoreType.DMA,
            pltpu.SemaphoreType.DMA,
        ],
    )
    out = run(x_flat, w_flat, bias1)
    return out.reshape(_BATCH, 1)

# --- scband reference (transcript-rebuilt; emitter-appended) ---
"""Pipeline reference for scband-linear-layer-13357348291032 (READ-ONLY COPY).

The authoritative reference and input builder live on the scoring server;
editing this copy changes nothing except your own understanding.
"""

import jax, jax.numpy as jnp
import numpy as np

FIELD_DIMS = [38462] * 26
OFFSETS = np.concatenate([[0], np.cumsum(FIELD_DIMS)[:-1]]).astype(np.int32)
NUM_EMB = int(sum(FIELD_DIMS))
OUTPUT_DIM = 1
BATCH = 16384
NUM_FIELDS = 26


def setup_inputs(seed: int = 0) -> dict:
    key = jax.random.key(seed)
    k1, k2 = jax.random.split(key)
    x = jax.random.randint(k1, (BATCH, NUM_FIELDS), 0, FIELD_DIMS[0], dtype=jnp.int32)
    # xavier_uniform for embedding weight of shape (NUM_EMB, OUTPUT_DIM)
    bound = float(np.sqrt(6.0 / (NUM_EMB + OUTPUT_DIM)))
    W = jax.random.uniform(k2, (NUM_EMB, OUTPUT_DIM), minval=-bound, maxval=bound, dtype=jnp.float32)
    bias = jnp.zeros((OUTPUT_DIM,), dtype=jnp.float32)
    return {"x": x, "W": W, "bias": bias}


def reference(x, W, bias):
    # x: int32[B, F] per-field indices; add per-field offsets into the unified table
    idx = x + jnp.asarray(OFFSETS)[None, :]
    emb = jnp.take(W, idx, axis=0)          # [B, F, OUTPUT_DIM] gather
    out = jnp.sum(emb, axis=1) + bias        # [B, OUTPUT_DIM]
    return out

if __name__ == "__main__":
    import jax
    _d = setup_inputs()
    print(jax.jit(kernel)(*tuple(_d.values())))

</pallas_src>

<mosaic_0001>
#map = affine_map<(d0, d1) -> (0)>
module attributes {stable_mosaic.version = 14 : i64} {
  func.func @_body(%arg0: i32, %arg1: i32, %arg2: memref<425984xi32, #tpu.memory_space<hbm>>, %arg3: memref<1000012xf32, #tpu.memory_space<hbm>>, %arg4: memref<1xf32, #tpu.memory_space<hbm>>, %arg5: memref<16384xf32, #tpu.memory_space<hbm>>, %arg6: memref<13312xi32, #tpu.memory_space<vmem>>, %arg7: memref<1664xi32, #tpu.memory_space<vmem>>, %arg8: memref<1664xi32, #tpu.memory_space<vmem>>, %arg9: memref<1664xf32, #tpu.memory_space<vmem>>, %arg10: memref<1664xf32, #tpu.memory_space<vmem>>, %arg11: memref<512xf32, #tpu.memory_space<vmem>>, %arg12: memref<1xf32, #tpu.memory_space<vmem>>, %arg13: memref<!tpu.dma_semaphore, #tpu.memory_space<semaphore_mem>>, %arg14: memref<!tpu.dma_semaphore, #tpu.memory_space<semaphore_mem>>) attributes {dimension_semantics = [#tpu.dimension_semantics<core_parallel>, #tpu.dimension_semantics<subcore_parallel>], iteration_bounds = array<i64: 2, 16>, scalar_prefetch = 0 : i64, scratch_operands = 9 : i64, tpu.core_type = #tpu.core_type<sc_vector_subcore>, window_params = [{transform_indices = #map}, {transform_indices = #map}, {transform_indices = #map}, {transform_indices = #map}]} {
    %mul3A = arith.constant 2 : i32
    %mul3A_0 = arith.muli %arg1, %mul3A : i32
    %add3A = arith.addi %mul3A_0, %arg0 : i32
    %mul3A_1 = arith.constant 13312 : i32
    %mul3A_2 = arith.muli %add3A, %mul3A_1 : i32
    "tpu.region"() ({
      %run_scoped3A = tpu.sem_alloc : memref<!tpu.dma_semaphore, #tpu.memory_space<semaphore_mem>>
      %dma_start3A_170 = tpu.memref_slice %arg2[%mul3A_2] : memref<425984xi32, #tpu.memory_space<hbm>> -> memref<13312xi32, #tpu.memory_space<hbm>>
      %dma_start3A_171 = tpu.memref_slice %arg2[%mul3A_2] : memref<425984xi32, #tpu.memory_space<hbm>> -> memref<13312xi32, #tpu.memory_space<hbm>>
      tpu.enqueue_dma source(%dma_start3A_171 : memref<13312xi32, #tpu.memory_space<hbm>>) target(%arg6 : memref<13312xi32, #tpu.memory_space<vmem>>) target_semaphore(%run_scoped3A : memref<!tpu.dma_semaphore, #tpu.memory_space<semaphore_mem>>)
      %dma_wait3A_172 = tpu.memref_slice %arg2[%mul3A_2] : memref<425984xi32, #tpu.memory_space<hbm>> -> memref<13312xi32, #tpu.memory_space<hbm>>
      %dma_wait3A_173 = tpu.memref_slice %arg2[%mul3A_2] : memref<425984xi32, #tpu.memory_space<hbm>> -> memref<13312xi32, #tpu.memory_space<hbm>>
      tpu.wait_dma2 semaphore(%run_scoped3A : memref<!tpu.dma_semaphore, #tpu.memory_space<semaphore_mem>>) src(%dma_wait3A_173 : memref<13312xi32, #tpu.memory_space<hbm>>) dst(%arg6 : memref<13312xi32, #tpu.memory_space<vmem>>)
      tpu.yield
    }) : () -> ()
    "tpu.region"() ({
      %run_scoped3A = tpu.sem_alloc : memref<!tpu.dma_semaphore, #tpu.memory_space<semaphore_mem>>
      tpu.enqueue_dma source(%arg4 : memref<1xf32, #tpu.memory_space<hbm>>) target(%arg12 : memref<1xf32, #tpu.memory_space<vmem>>) target_semaphore(%run_scoped3A : memref<!tpu.dma_semaphore, #tpu.memory_space<semaphore_mem>>)
      tpu.wait_dma2 semaphore(%run_scoped3A : memref<!tpu.dma_semaphore, #tpu.memory_space<semaphore_mem>>) src(%arg4 : memref<1xf32, #tpu.memory_space<hbm>>) dst(%arg12 : memref<1xf32, #tpu.memory_space<vmem>>)
      tpu.yield
    }) : () -> ()
    %broadcast_in_dim3A = arith.constant 0 : i32
    %broadcast_in_dim3A_3 = vector.broadcast %broadcast_in_dim3A : i32 to vector<16xi32>
    %gather3A = tpu.vector_load_idx %arg12[%broadcast_in_dim3A_3] : memref<1xf32, #tpu.memory_space<vmem>>[vector<16xi32>], vector<16xf32>,
    %iota3A = tpu.iota {dimensions = array<i32: 0>} : vector<16xi32>
    %mul3A_4 = arith.constant 38462 : i32
    %mul3A_5 = vector.broadcast %mul3A_4 : i32 to vector<16xi32>
    %mul3A_6 = arith.muli %iota3A, %mul3A_5 : vector<16xi32>
    %scan3A = arith.constant 0 : i32
    %scan3A_7 = arith.constant 52 : i32
    %scan3A_8 = arith.addi %scan3A, %scan3A_7 : i32
    %scan3A_9 = arith.constant 1 : i32
    %scan3A_10 = scf.for %scan3A_170 = %scan3A to %scan3A_8 step %scan3A_9 iter_args(%scan3A_171 = %mul3A_6) -> (vector<16xi32>)  : i32 {
      %mul3A_172 = arith.constant 2 : i32
      %mul3A_173 = arith.muli %scan3A_170, %mul3A_172 : i32
      %mul3A_174 = arith.constant 16 : i32
      %mul3A_175 = arith.muli %mul3A_173, %mul3A_174 : i32
      %add3A_176 = arith.constant 0 : i32
      %add3A_177 = arith.addi %add3A_176, %mul3A_175 : i32
      %get3A = arith.index_cast %add3A_177 : i32 to index
      %get3A_178 = tpu.vector_load %arg6[%get3A] {strides = array<i32>} : memref<13312xi32, #tpu.memory_space<vmem>>, vector<16xi32>,
      %add3A_179 = arith.addi %get3A_178, %scan3A_171 : vector<16xi32>
      %swap3A = arith.index_cast %mul3A_175 : i32 to index
      %swap3A_180 = tpu.vector_load %arg7[%swap3A] {strides = array<i32>} : memref<1664xi32, #tpu.memory_space<vmem>>, vector<16xi32>,
      tpu.vector_store %arg7[%swap3A], %add3A_179 {strides = array<i32>} : memref<1664xi32, #tpu.memory_space<vmem>>, vector<16xi32>,
      %add3A_181 = arith.constant 615392 : i32
      %add3A_182 = vector.broadcast %add3A_181 : i32 to vector<16xi32>
      %add3A_183 = arith.addi %scan3A_171, %add3A_182 : vector<16xi32>
      %ge3A = arith.constant 1000012 : i32
      %ge3A_184 = vector.broadcast %ge3A : i32 to vector<16xi32>
      %ge3A_185 = arith.cmpi sge, %add3A_183, %ge3A_184 : vector<16xi32>
      %convert_element_type3A = arith.extui %ge3A_185 : vector<16xi1> to vector<16xi32>
      %mul3A_186 = arith.constant 1000012 : i32
      %mul3A_187 = vector.broadcast %mul3A_186 : i32 to vector<16xi32>
      %mul3A_188 = arith.muli %convert_element_type3A, %mul3A_187 : vector<16xi32>
      %sub3A = arith.subi %add3A_183, %mul3A_188 : vector<16xi32>
      %add3A_189 = arith.constant 16 : i32
      %add3A_190 = arith.addi %mul3A_175, %add3A_189 : i32
      %add3A_191 = arith.constant 0 : i32
      %add3A_192 = arith.addi %add3A_191, %add3A_190 : i32
      %get3A_193 = arith.index_cast %add3A_192 : i32 to index
      %get3A_194 = tpu.vector_load %arg6[%get3A_193] {strides = array<i32>} : memref<13312xi32, #tpu.memory_space<vmem>>, vector<16xi32>,
      %add3A_195 = arith.addi %get3A_194, %sub3A : vector<16xi32>
      %swap3A_196 = arith.index_cast %add3A_190 : i32 to index
      %swap3A_197 = tpu.vector_load %arg7[%swap3A_196] {strides = array<i32>} : memref<1664xi32, #tpu.memory_space<vmem>>, vector<16xi32>,
      tpu.vector_store %arg7[%swap3A_196], %add3A_195 {strides = array<i32>} : memref<1664xi32, #tpu.memory_space<vmem>>, vector<16xi32>,
      %add3A_198 = arith.constant 615392 : i32
      %add3A_199 = vector.broadcast %add3A_198 : i32 to vector<16xi32>
      %add3A_200 = arith.addi %sub3A, %add3A_199 : vector<16xi32>
      %ge3A_201 = arith.constant 1000012 : i32
      %ge3A_202 = vector.broadcast %ge3A_201 : i32 to vector<16xi32>
      %ge3A_203 = arith.cmpi sge, %add3A_200, %ge3A_202 : vector<16xi32>
      %convert_element_type3A_204 = arith.extui %ge3A_203 : vector<16xi1> to vector<16xi32>
      %mul3A_205 = arith.constant 1000012 : i32
      %mul3A_206 = vector.broadcast %mul3A_205 : i32 to vector<16xi32>
      %mul3A_207 = arith.muli %convert_element_type3A_204, %mul3A_206 : vector<16xi32>
      %sub3A_208 = arith.subi %add3A_200, %mul3A_207 : vector<16xi32>
      scf.yield %sub3A_208 : vector<16xi32>
    }
    %scan3A_11 = arith.constant 52 : i32
    %dma_start3A = arith.constant 0 : i32
    %dma_start3A_12 = tpu.memref_slice %arg3[%dma_start3A] : memref<1000012xf32, #tpu.memory_space<hbm>> -> memref<1000012xf32, #tpu.memory_space<hbm>>
    tpu.enqueue_indirect_dma source(%dma_start3A_12 : memref<1000012xf32, #tpu.memory_space<hbm>>) target(%arg9 : memref<1664xf32, #tpu.memory_space<vmem>>) offsets(%arg7 : memref<1664xi32, #tpu.memory_space<vmem>>) semaphore(%arg13 : memref<!tpu.dma_semaphore, #tpu.memory_space<semaphore_mem>>)
    %iota3A_13 = tpu.iota {dimensions = array<i32: 0>} : vector<16xi32>
    %mul3A_14 = arith.constant 38462 : i32
    %mul3A_15 = vector.broadcast %mul3A_14 : i32 to vector<16xi32>
    %mul3A_16 = arith.muli %iota3A_13, %mul3A_15 : vector<16xi32>
    %scan3A_17 = arith.constant 0 : i32
    %scan3A_18 = arith.constant 52 : i32
    %scan3A_19 = arith.addi %scan3A_17, %scan3A_18 : i32
    %scan3A_20 = arith.constant 1 : i32
    %scan3A_21 = scf.for %scan3A_170 = %scan3A_17 to %scan3A_19 step %scan3A_20 iter_args(%scan3A_171 = %mul3A_16) -> (vector<16xi32>)  : i32 {
      %mul3A_172 = arith.constant 2 : i32
      %mul3A_173 = arith.muli %scan3A_170, %mul3A_172 : i32
      %mul3A_174 = arith.constant 16 : i32
      %mul3A_175 = arith.muli %mul3A_173, %mul3A_174 : i32
      %add3A_176 = arith.constant 1664 : i32
      %add3A_177 = arith.addi %add3A_176, %mul3A_175 : i32
      %get3A = arith.index_cast %add3A_177 : i32 to index
      %get3A_178 = tpu.vector_load %arg6[%get3A] {strides = array<i32>} : memref<13312xi32, #tpu.memory_space<vmem>>, vector<16xi32>,
      %add3A_179 = arith.addi %get3A_178, %scan3A_171 : vector<16xi32>
      %swap3A = arith.index_cast %mul3A_175 : i32 to index
      %swap3A_180 = tpu.vector_load %arg8[%swap3A] {strides = array<i32>} : memref<1664xi32, #tpu.memory_space<vmem>>, vector<16xi32>,
      tpu.vector_store %arg8[%swap3A], %add3A_179 {strides = array<i32>} : memref<1664xi32, #tpu.memory_space<vmem>>, vector<16xi32>,
      %add3A_181 = arith.constant 615392 : i32
      %add3A_182 = vector.broadcast %add3A_181 : i32 to vector<16xi32>
      %add3A_183 = arith.addi %scan3A_171, %add3A_182 : vector<16xi32>
      %ge3A = arith.constant 1000012 : i32
      %ge3A_184 = vector.broadcast %ge3A : i32 to vector<16xi32>
      %ge3A_185 = arith.cmpi sge, %add3A_183, %ge3A_184 : vector<16xi32>
      %convert_element_type3A = arith.extui %ge3A_185 : vector<16xi1> to vector<16xi32>
      %mul3A_186 = arith.constant 1000012 : i32
      %mul3A_187 = vector.broadcast %mul3A_186 : i32 to vector<16xi32>
      %mul3A_188 = arith.muli %convert_element_type3A, %mul3A_187 : vector<16xi32>
      %sub3A = arith.subi %add3A_183, %mul3A_188 : vector<16xi32>
      %add3A_189 = arith.constant 16 : i32
      %add3A_190 = arith.addi %mul3A_175, %add3A_189 : i32
      %add3A_191 = arith.constant 1664 : i32
      %add3A_192 = arith.addi %add3A_191, %add3A_190 : i32
      %get3A_193 = arith.index_cast %add3A_192 : i32 to index
      %get3A_194 = tpu.vector_load %arg6[%get3A_193] {strides = array<i32>} : memref<13312xi32, #tpu.memory_space<vmem>>, vector<16xi32>,
      %add3A_195 = arith.addi %get3A_194, %sub3A : vector<16xi32>
      %swap3A_196 = arith.index_cast %add3A_190 : i32 to index
      %swap3A_197 = tpu.vector_load %arg8[%swap3A_196] {strides = array<i32>} : memref<1664xi32, #tpu.memory_space<vmem>>, vector<16xi32>,
      tpu.vector_store %arg8[%swap3A_196], %add3A_195 {strides = array<i32>} : memref<1664xi32, #tpu.memory_space<vmem>>, vector<16xi32>,
      %add3A_198 = arith.constant 615392 : i32
      %add3A_199 = vector.broadcast %add3A_198 : i32 to vector<16xi32>
      %add3A_200 = arith.addi %sub3A, %add3A_199 : vector<16xi32>
      %ge3A_201 = arith.constant 1000012 : i32
      %ge3A_202 = vector.broadcast %ge3A_201 : i32 to vector<16xi32>
      %ge3A_203 = arith.cmpi sge, %add3A_200, %ge3A_202 : vector<16xi32>
      %convert_element_type3A_204 = arith.extui %ge3A_203 : vector<16xi1> to vector<16xi32>
      %mul3A_205 = arith.constant 1000012 : i32
      %mul3A_206 = vector.broadcast %mul3A_205 : i32 to vector<16xi32>
      %mul3A_207 = arith.muli %convert_element_type3A_204, %mul3A_206 : vector<16xi32>
      %sub3A_208 = arith.subi %add3A_200, %mul3A_207 : vector<16xi32>
      scf.yield %sub3A_208 : vector<16xi32>
    }
    %scan3A_22 = arith.constant 52 : i32
    %dma_start3A_23 = arith.constant 0 : i32
    %dma_start3A_24 = tpu.memref_slice %arg3[%dma_start3A_23] : memref<1000012xf32, #tpu.memory_space<hbm>> -> memref<1000012xf32, #tpu.memory_space<hbm>>
    tpu.enqueue_indirect_dma source(%dma_start3A_24 : memref<1000012xf32, #tpu.memory_space<hbm>>) target(%arg10 : memref<1664xf32, #tpu.memory_space<vmem>>) offsets(%arg8 : memref<1664xi32, #tpu.memory_space<vmem>>) semaphore(%arg14 : memref<!tpu.dma_semaphore, #tpu.memory_space<semaphore_mem>>)
    %dma_wait3A = arith.constant 0 : i32
    %dma_wait3A_25 = tpu.memref_slice %arg3[%dma_wait3A] : memref<1000012xf32, #tpu.memory_space<hbm>> -> memref<1000012xf32, #tpu.memory_space<hbm>>
    tpu.wait_indirect_dma semaphore(%arg13 : memref<!tpu.dma_semaphore, #tpu.memory_space<semaphore_mem>>) src(%dma_wait3A_25 : memref<1000012xf32, #tpu.memory_space<hbm>>) dst(%arg9 : memref<1664xf32, #tpu.memory_space<vmem>>)
    %scan3A_26 = arith.constant 0 : i32
    %scan3A_27 = arith.constant 0 : i32
    %scan3A_28 = arith.constant 4 : i32
    %scan3A_29 = arith.addi %scan3A_27, %scan3A_28 : i32
    %scan3A_30 = arith.constant 1 : i32
    %scan3A_31 = scf.for %scan3A_170 = %scan3A_27 to %scan3A_29 step %scan3A_30 iter_args(%scan3A_171 = %scan3A_26) -> (i32)  : i32 {
      %mul3A_172 = arith.constant 16 : i32
      %mul3A_173 = arith.muli %scan3A_170, %mul3A_172 : i32
      %iota3A_174 = tpu.iota {dimensions = array<i32: 0>} : vector<16xi32>
      %add3A_175 = vector.broadcast %mul3A_173 : i32 to vector<16xi32>
      %add3A_176 = arith.addi %add3A_175, %iota3A_174 : vector<16xi32>
      %mul3A_177 = arith.constant 26 : i32
      %mul3A_178 = vector.broadcast %mul3A_177 : i32 to vector<16xi32>
      %mul3A_179 = arith.muli %add3A_176, %mul3A_178 : vector<16xi32>
      %add3A_180 = arith.constant 0 : i32
      %add3A_181 = vector.broadcast %add3A_180 : i32 to vector<16xi32>
      %add3A_182 = arith.addi %mul3A_179, %add3A_181 : vector<16xi32>
      %gather3A_183 = tpu.vector_load_idx %arg9[%add3A_182] : memref<1664xf32, #tpu.memory_space<vmem>>[vector<16xi32>], vector<16xf32>,
      %add3A_184 = arith.addf %gather3A, %gather3A_183 : vector<16xf32>
      %add3A_185 = arith.constant 1 : i32
      %add3A_186 = vector.broadcast %add3A_185 : i32 to vector<16xi32>
      %add3A_187 = arith.addi %mul3A_179, %add3A_186 : vector<16xi32>
      %gather3A_188 = tpu.vector_load_idx %arg9[%add3A_187] : memref<1664xf32, #tpu.memory_space<vmem>>[vector<16xi32>], vector<16xf32>,
      %add3A_189 = arith.addf %add3A_184, %gather3A_188 : vector<16xf32>
      %add3A_190 = arith.constant 2 : i32
      %add3A_191 = vector.broadcast %add3A_190 : i32 to vector<16xi32>
      %add3A_192 = arith.addi %mul3A_179, %add3A_191 : vector<16xi32>
      %gather3A_193 = tpu.vector_load_idx %arg9[%add3A_192] : memref<1664xf32, #tpu.memory_space<vmem>>[vector<16xi32>], vector<16xf32>,
      %add3A_194 = arith.addf %add3A_189, %gather3A_193 : vector<16xf32>
      %add3A_195 = arith.constant 3 : i32
      %add3A_196 = vector.broadcast %add3A_195 : i32 to vector<16xi32>
      %add3A_197 = arith.addi %mul3A_179, %add3A_196 : vector<16xi32>
      %gather3A_198 = tpu.vector_load_idx %arg9[%add3A_197] : memref<1664xf32, #tpu.memory_space<vmem>>[vector<16xi32>], vector<16xf32>,
      %add3A_199 = arith.addf %add3A_194, %gather3A_198 : vector<16xf32>
      %add3A_200 = arith.constant 4 : i32
      %add3A_201 = vector.broadcast %add3A_200 : i32 to vector<16xi32>
      %add3A_202 = arith.addi %mul3A_179, %add3A_201 : vector<16xi32>
      %gather3A_203 = tpu.vector_load_idx %arg9[%add3A_202] : memref<1664xf32, #tpu.memory_space<vmem>>[vector<16xi32>], vector<16xf32>,
      %add3A_204 = arith.addf %add3A_199, %gather3A_203 : vector<16xf32>
      %add3A_205 = arith.constant 5 : i32
      %add3A_206 = vector.broadcast %add3A_205 : i32 to vector<16xi32>
      %add3A_207 = arith.addi %mul3A_179, %add3A_206 : vector<16xi32>
      %gather3A_208 = tpu.vector_load_idx %arg9[%add3A_207] : memref<1664xf32, #tpu.memory_space<vmem>>[vector<16xi32>], vector<16xf32>,
      %add3A_209 = arith.addf %add3A_204, %gather3A_208 : vector<16xf32>
      %add3A_210 = arith.constant 6 : i32
      %add3A_211 = vector.broadcast %add3A_210 : i32 to vector<16xi32>
      %add3A_212 = arith.addi %mul3A_179, %add3A_211 : vector<16xi32>
      %gather3A_213 = tpu.vector_load_idx %arg9[%add3A_212] : memref<1664xf32, #tpu.memory_space<vmem>>[vector<16xi32>], vector<16xf32>,
      %add3A_214 = arith.addf %add3A_209, %gather3A_213 : vector<16xf32>
      %add3A_215 = arith.constant 7 : i32
      %add3A_216 = vector.broadcast %add3A_215 : i32 to vector<16xi32>
      %add3A_217 = arith.addi %mul3A_179, %add3A_216 : vector<16xi32>
      %gather3A_218 = tpu.vector_load_idx %arg9[%add3A_217] : memref<1664xf32, #tpu.memory_space<vmem>>[vector<16xi32>], vector<16xf32>,
      %add3A_219 = arith.addf %add3A_214, %gather3A_218 : vector<16xf32>
      %add3A_220 = arith.constant 8 : i32
      %add3A_221 = vector.broadcast %add3A_220 : i32 to vector<16xi32>
      %add3A_222 = arith.addi %mul3A_179, %add3A_221 : vector<16xi32>
      %gather3A_223 = tpu.vector_load_idx %arg9[%add3A_222] : memref<1664xf32, #tpu.memory_space<vmem>>[vector<16xi32>], vector<16xf32>,
      %add3A_224 = arith.addf %add3A_219, %gather3A_223 : vector<16xf32>
      %add3A_225 = arith.constant 9 : i32
      %add3A_226 = vector.broadcast %add3A_225 : i32 to vector<16xi32>
      %add3A_227 = arith.addi %mul3A_179, %add3A_226 : vector<16xi32>
      %gather3A_228 = tpu.vector_load_idx %arg9[%add3A_227] : memref<1664xf32, #tpu.memory_space<vmem>>[vector<16xi32>], vector<16xf32>,
      %add3A_229 = arith.addf %add3A_224, %gather3A_228 : vector<16xf32>
      %add3A_230 = arith.constant 10 : i32
      %add3A_231 = vector.broadcast %add3A_230 : i32 to vector<16xi32>
      %add3A_232 = arith.addi %mul3A_179, %add3A_231 : vector<16xi32>
      %gather3A_233 = tpu.vector_load_idx %arg9[%add3A_232] : memref<1664xf32, #tpu.memory_space<vmem>>[vector<16xi32>], vector<16xf32>,
      %add3A_234 = arith.addf %add3A_229, %gather3A_233 : vector<16xf32>
      %add3A_235 = arith.constant 11 : i32
      %add3A_236 = vector.broadcast %add3A_235 : i32 to vector<16xi32>
      %add3A_237 = arith.addi %mul3A_179, %add3A_236 : vector<16xi32>
      %gather3A_238 = tpu.vector_load_idx %arg9[%add3A_237] : memref<1664xf32, #tpu.memory_space<vmem>>[vector<16xi32>], vector<16xf32>,
      %add3A_239 = arith.addf %add3A_234, %gather3A_238 : vector<16xf32>
      %add3A_240 = arith.constant 12 : i32
      %add3A_241 = vector.broadcast %add3A_240 : i32 to vector<16xi32>
      %add3A_242 = arith.addi %mul3A_179, %add3A_241 : vector<16xi32>
      %gather3A_243 = tpu.vector_load_idx %arg9[%add3A_242] : memref<1664xf32, #tpu.memory_space<vmem>>[vector<16xi32>], vector<16xf32>,
      %add3A_244 = arith.addf %add3A_239, %gather3A_243 : vector<16xf32>
      %add3A_245 = arith.constant 13 : i32
      %add3A_246 = vector.broadcast %add3A_245 : i32 to vector<16xi32>
      %add3A_247 = arith.addi %mul3A_179, %add3A_246 : vector<16xi32>
      %gather3A_248 = tpu.vector_load_idx %arg9[%add3A_247] : memref<1664xf32, #tpu.memory_space<vmem>>[vector<16xi32>], vector<16xf32>,
      %add3A_249 = arith.addf %add3A_244, %gather3A_248 : vector<16xf32>
      %add3A_250 = arith.constant 14 : i32
      %add3A_251 = vector.broadcast %add3A_250 : i32 to vector<16xi32>
      %add3A_252 = arith.addi %mul3A_179, %add3A_251 : vector<16xi32>
      %gather3A_253 = tpu.vector_load_idx %arg9[%add3A_252] : memref<1664xf32, #tpu.memory_space<vmem>>[vector<16xi32>], vector<16xf32>,
      %add3A_254 = arith.addf %add3A_249, %gather3A_253 : vector<16xf32>
      %add3A_255 = arith.constant 15 : i32
      %add3A_256 = vector.broadcast %add3A_255 : i32 to vector<16xi32>
      %add3A_257 = arith.addi %mul3A_179, %add3A_256 : vector<16xi32>
      %gather3A_258 = tpu.vector_load_idx %arg9[%add3A_257] : memref<1664xf32, #tpu.memory_space<vmem>>[vector<16xi32>], vector<16xf32>,
      %add3A_259 = arith.addf %add3A_254, %gather3A_258 : vector<16xf32>
      %add3A_260 = arith.constant 16 : i32
      %add3A_261 = vector.broadcast %add3A_260 : i32 to vector<16xi32>
      %add3A_262 = arith.addi %mul3A_179, %add3A_261 : vector<16xi32>
      %gather3A_263 = tpu.vector_load_idx %arg9[%add3A_262] : memref<1664xf32, #tpu.memory_space<vmem>>[vector<16xi32>], vector<16xf32>,
      %add3A_264 = arith.addf %add3A_259, %gather3A_263 : vector<16xf32>
      %add3A_265 = arith.constant 17 : i32
      %add3A_266 = vector.broadcast %add3A_265 : i32 to vector<16xi32>
      %add3A_267 = arith.addi %mul3A_179, %add3A_266 : vector<16xi32>
      %gather3A_268 = tpu.vector_load_idx %arg9[%add3A_267] : memref<1664xf32, #tpu.memory_space<vmem>>[vector<16xi32>], vector<16xf32>,
      %add3A_269 = arith.addf %add3A_264, %gather3A_268 : vector<16xf32>
      %add3A_270 = arith.constant 18 : i32
      %add3A_271 = vector.broadcast %add3A_270 : i32 to vector<16xi32>
      %add3A_272 = arith.addi %mul3A_179, %add3A_271 : vector<16xi32>
      %gather3A_273 = tpu.vector_load_idx %arg9[%add3A_272] : memref<1664xf32, #tpu.memory_space<vmem>>[vector<16xi32>], vector<16xf32>,
      %add3A_274 = arith.addf %add3A_269, %gather3A_273 : vector<16xf32>
      %add3A_275 = arith.constant 19 : i32
      %add3A_276 = vector.broadcast %add3A_275 : i32 to vector<16xi32>
      %add3A_277 = arith.addi %mul3A_179, %add3A_276 : vector<16xi32>
      %gather3A_278 = tpu.vector_load_idx %arg9[%add3A_277] : memref<1664xf32, #tpu.memory_space<vmem>>[vector<16xi32>], vector<16xf32>,
      %add3A_279 = arith.addf %add3A_274, %gather3A_278 : vector<16xf32>
      %add3A_280 = arith.constant 20 : i32
      %add3A_281 = vector.broadcast %add3A_280 : i32 to vector<16xi32>
      %add3A_282 = arith.addi %mul3A_179, %add3A_281 : vector<16xi32>
      %gather3A_283 = tpu.vector_load_idx %arg9[%add3A_282] : memref<1664xf32, #tpu.memory_space<vmem>>[vector<16xi32>], vector<16xf32>,
      %add3A_284 = arith.addf %add3A_279, %gather3A_283 : vector<16xf32>
      %add3A_285 = arith.constant 21 : i32
      %add3A_286 = vector.broadcast %add3A_285 : i32 to vector<16xi32>
      %add3A_287 = arith.addi %mul3A_179, %add3A_286 : vector<16xi32>
      %gather3A_288 = tpu.vector_load_idx %arg9[%add3A_287] : memref<1664xf32, #tpu.memory_space<vmem>>[vector<16xi32>], vector<16xf32>,
      %add3A_289 = arith.addf %add3A_284, %gather3A_288 : vector<16xf32>
      %add3A_290 = arith.constant 22 : i32
      %add3A_291 = vector.broadcast %add3A_290 : i32 to vector<16xi32>
      %add3A_292 = arith.addi %mul3A_179, %add3A_291 : vector<16xi32>
      %gather3A_293 = tpu.vector_load_idx %arg9[%add3A_292] : memref<1664xf32, #tpu.memory_space<vmem>>[vector<16xi32>], vector<16xf32>,
      %add3A_294 = arith.addf %add3A_289, %gather3A_293 : vector<16xf32>
      %add3A_295 = arith.constant 23 : i32
      %add3A_296 = vector.broadcast %add3A_295 : i32 to vector<16xi32>
      %add3A_297 = arith.addi %mul3A_179, %add3A_296 : vector<16xi32>
      %gather3A_298 = tpu.vector_load_idx %arg9[%add3A_297] : memref<1664xf32, #tpu.memory_space<vmem>>[vector<16xi32>], vector<16xf32>,
      %add3A_299 = arith.addf %add3A_294, %gather3A_298 : vector<16xf32>
      %add3A_300 = arith.constant 24 : i32
      %add3A_301 = vector.broadcast %add3A_300 : i32 to vector<16xi32>
      %add3A_302 = arith.addi %mul3A_179, %add3A_301 : vector<16xi32>
      %gather3A_303 = tpu.vector_load_idx %arg9[%add3A_302] : memref<1664xf32, #tpu.memory_space<vmem>>[vector<16xi32>], vector<16xf32>,
      %add3A_304 = arith.addf %add3A_299, %gather3A_303 : vector<16xf32>
      %add3A_305 = arith.constant 25 : i32
      %add3A_306 = vector.broadcast %add3A_305 : i32 to vector<16xi32>
      %add3A_307 = arith.addi %mul3A_179, %add3A_306 : vector<16xi32>
      %gather3A_308 = tpu.vector_load_idx %arg9[%add3A_307] : memref<1664xf32, #tpu.memory_space<vmem>>[vector<16xi32>], vector<16xf32>,
      %add3A_309 = arith.addf %add3A_304, %gather3A_308 : vector<16xf32>
      %mul3A_310 = arith.constant 16 : i32
      %mul3A_311 = arith.muli %scan3A_170, %mul3A_310 : i32
      %add3A_312 = arith.constant 0 : i32
      %add3A_313 = arith.addi %add3A_312, %mul3A_311 : i32
      %swap3A = arith.index_cast %add3A_313 : i32 to index
      %swap3A_314 = tpu.vector_load %arg11[%swap3A] {strides = array<i32>} : memref<512xf32, #tpu.memory_space<vmem>>, vector<16xf32>,
      tpu.vector_store %arg11[%swap3A], %add3A_309 {strides = array<i32>} : memref<512xf32, #tpu.memory_space<vmem>>, vector<16xf32>,
      %scan3A_315 = arith.constant 0 : i32
      scf.yield %scan3A_315 : i32
    }
    %scan3A_32 = arith.constant 4 : i32
    %iota3A_33 = tpu.iota {dimensions = array<i32: 0>} : vector<16xi32>
    %mul3A_34 = arith.constant 38462 : i32
    %mul3A_35 = vector.broadcast %mul3A_34 : i32 to vector<16xi32>
    %mul3A_36 = arith.muli %iota3A_33, %mul3A_35 : vector<16xi32>
    %scan3A_37 = arith.constant 0 : i32
    %scan3A_38 = arith.constant 52 : i32
    %scan3A_39 = arith.addi %scan3A_37, %scan3A_38 : i32
    %scan3A_40 = arith.constant 1 : i32
    %scan3A_41 = scf.for %scan3A_170 = %scan3A_37 to %scan3A_39 step %scan3A_40 iter_args(%scan3A_171 = %mul3A_36) -> (vector<16xi32>)  : i32 {
      %mul3A_172 = arith.constant 2 : i32
      %mul3A_173 = arith.muli %scan3A_170, %mul3A_172 : i32
      %mul3A_174 = arith.constant 16 : i32
      %mul3A_175 = arith.muli %mul3A_173, %mul3A_174 : i32
      %add3A_176 = arith.constant 3328 : i32
      %add3A_177 = arith.addi %add3A_176, %mul3A_175 : i32
      %get3A = arith.index_cast %add3A_177 : i32 to index
      %get3A_178 = tpu.vector_load %arg6[%get3A] {strides = array<i32>} : memref<13312xi32, #tpu.memory_space<vmem>>, vector<16xi32>,
      %add3A_179 = arith.addi %get3A_178, %scan3A_171 : vector<16xi32>
      %swap3A = arith.index_cast %mul3A_175 : i32 to index
      %swap3A_180 = tpu.vector_load %arg7[%swap3A] {strides = array<i32>} : memref<1664xi32, #tpu.memory_space<vmem>>, vector<16xi32>,
      tpu.vector_store %arg7[%swap3A], %add3A_179 {strides = array<i32>} : memref<1664xi32, #tpu.memory_space<vmem>>, vector<16xi32>,
      %add3A_181 = arith.constant 615392 : i32
      %add3A_182 = vector.broadcast %add3A_181 : i32 to vector<16xi32>
      %add3A_183 = arith.addi %scan3A_171, %add3A_182 : vector<16xi32>
      %ge3A = arith.constant 1000012 : i32
      %ge3A_184 = vector.broadcast %ge3A : i32 to vector<16xi32>
      %ge3A_185 = arith.cmpi sge, %add3A_183, %ge3A_184 : vector<16xi32>
      %convert_element_type3A = arith.extui %ge3A_185 : vector<16xi1> to vector<16xi32>
      %mul3A_186 = arith.constant 1000012 : i32
      %mul3A_187 = vector.broadcast %mul3A_186 : i32 to vector<16xi32>
      %mul3A_188 = arith.muli %convert_element_type3A, %mul3A_187 : vector<16xi32>
      %sub3A = arith.subi %add3A_183, %mul3A_188 : vector<16xi32>
      %add3A_189 = arith.constant 16 : i32
      %add3A_190 = arith.addi %mul3A_175, %add3A_189 : i32
      %add3A_191 = arith.constant 3328 : i32
      %add3A_192 = arith.addi %add3A_191, %add3A_190 : i32
      %get3A_193 = arith.index_cast %add3A_192 : i32 to index
      %get3A_194 = tpu.vector_load %arg6[%get3A_193] {strides = array<i32>} : memref<13312xi32, #tpu.memory_space<vmem>>, vector<16xi32>,
      %add3A_195 = arith.addi %get3A_194, %sub3A : vector<16xi32>
      %swap3A_196 = arith.index_cast %add3A_190 : i32 to index
      %swap3A_197 = tpu.vector_load %arg7[%swap3A_196] {strides = array<i32>} : memref<1664xi32, #tpu.memory_space<vmem>>, vector<16xi32>,
      tpu.vector_store %arg7[%swap3A_196], %add3A_195 {strides = array<i32>} : memref<1664xi32, #tpu.memory_space<vmem>>, vector<16xi32>,
      %add3A_198 = arith.constant 615392 : i32
      %add3A_199 = vector.broadcast %add3A_198 : i32 to vector<16xi32>
      %add3A_200 = arith.addi %sub3A, %add3A_199 : vector<16xi32>
      %ge3A_201 = arith.constant 1000012 : i32
      %ge3A_202 = vector.broadcast %ge3A_201 : i32 to vector<16xi32>
      %ge3A_203 = arith.cmpi sge, %add3A_200, %ge3A_202 : vector<16xi32>
      %convert_element_type3A_204 = arith.extui %ge3A_203 : vector<16xi1> to vector<16xi32>
      %mul3A_205 = arith.constant 1000012 : i32
      %mul3A_206 = vector.broadcast %mul3A_205 : i32 to vector<16xi32>
      %mul3A_207 = arith.muli %convert_element_type3A_204, %mul3A_206 : vector<16xi32>
      %sub3A_208 = arith.subi %add3A_200, %mul3A_207 : vector<16xi32>
      scf.yield %sub3A_208 : vector<16xi32>
    }
    %scan3A_42 = arith.constant 52 : i32
    %dma_start3A_43 = arith.constant 0 : i32
    %dma_start3A_44 = tpu.memref_slice %arg3[%dma_start3A_43] : memref<1000012xf32, #tpu.memory_space<hbm>> -> memref<1000012xf32, #tpu.memory_space<hbm>>
    tpu.enqueue_indirect_dma source(%dma_start3A_44 : memref<1000012xf32, #tpu.memory_space<hbm>>) target(%arg9 : memref<1664xf32, #tpu.memory_space<vmem>>) offsets(%arg7 : memref<1664xi32, #tpu.memory_space<vmem>>) semaphore(%arg13 : memref<!tpu.dma_semaphore, #tpu.memory_space<semaphore_mem>>)
    %dma_wait3A_45 = arith.constant 0 : i32
    %dma_wait3A_46 = tpu.memref_slice %arg3[%dma_wait3A_45] : memref<1000012xf32, #tpu.memory_space<hbm>> -> memref<1000012xf32, #tpu.memory_space<hbm>>
    tpu.wait_indirect_dma semaphore(%arg14 : memref<!tpu.dma_semaphore, #tpu.memory_space<semaphore_mem>>) src(%dma_wait3A_46 : memref<1000012xf32, #tpu.memory_space<hbm>>) dst(%arg10 : memref<1664xf32, #tpu.memory_space<vmem>>)
    %scan3A_47 = arith.constant 0 : i32
    %scan3A_48 = arith.constant 0 : i32
    %scan3A_49 = arith.constant 4 : i32
    %scan3A_50 = arith.addi %scan3A_48, %scan3A_49 : i32
    %scan3A_51 = arith.constant 1 : i32
    %scan3A_52 = scf.for %scan3A_170 = %scan3A_48 to %scan3A_50 step %scan3A_51 iter_args(%scan3A_171 = %scan3A_47) -> (i32)  : i32 {
      %mul3A_172 = arith.constant 16 : i32
      %mul3A_173 = arith.muli %scan3A_170, %mul3A_172 : i32
      %iota3A_174 = tpu.iota {dimensions = array<i32: 0>} : vector<16xi32>
      %add3A_175 = vector.broadcast %mul3A_173 : i32 to vector<16xi32>
      %add3A_176 = arith.addi %add3A_175, %iota3A_174 : vector<16xi32>
      %mul3A_177 = arith.constant 26 : i32
      %mul3A_178 = vector.broadcast %mul3A_177 : i32 to vector<16xi32>
      %mul3A_179 = arith.muli %add3A_176, %mul3A_178 : vector<16xi32>
      %add3A_180 = arith.constant 0 : i32
      %add3A_181 = vector.broadcast %add3A_180 : i32 to vector<16xi32>
      %add3A_182 = arith.addi %mul3A_179, %add3A_181 : vector<16xi32>
      %gather3A_183 = tpu.vector_load_idx %arg10[%add3A_182] : memref<1664xf32, #tpu.memory_space<vmem>>[vector<16xi32>], vector<16xf32>,
      %add3A_184 = arith.addf %gather3A, %gather3A_183 : vector<16xf32>
      %add3A_185 = arith.constant 1 : i32
      %add3A_186 = vector.broadcast %add3A_185 : i32 to vector<16xi32>
      %add3A_187 = arith.addi %mul3A_179, %add3A_186 : vector<16xi32>
      %gather3A_188 = tpu.vector_load_idx %arg10[%add3A_187] : memref<1664xf32, #tpu.memory_space<vmem>>[vector<16xi32>], vector<16xf32>,
      %add3A_189 = arith.addf %add3A_184, %gather3A_188 : vector<16xf32>
      %add3A_190 = arith.constant 2 : i32
      %add3A_191 = vector.broadcast %add3A_190 : i32 to vector<16xi32>
      %add3A_192 = arith.addi %mul3A_179, %add3A_191 : vector<16xi32>
      %gather3A_193 = tpu.vector_load_idx %arg10[%add3A_192] : memref<1664xf32, #tpu.memory_space<vmem>>[vector<16xi32>], vector<16xf32>,
      %add3A_194 = arith.addf %add3A_189, %gather3A_193 : vector<16xf32>
      %add3A_195 = arith.constant 3 : i32
      %add3A_196 = vector.broadcast %add3A_195 : i32 to vector<16xi32>
      %add3A_197 = arith.addi %mul3A_179, %add3A_196 : vector<16xi32>
      %gather3A_198 = tpu.vector_load_idx %arg10[%add3A_197] : memref<1664xf32, #tpu.memory_space<vmem>>[vector<16xi32>], vector<16xf32>,
      %add3A_199 = arith.addf %add3A_194, %gather3A_198 : vector<16xf32>
      %add3A_200 = arith.constant 4 : i32
      %add3A_201 = vector.broadcast %add3A_200 : i32 to vector<16xi32>
      %add3A_202 = arith.addi %mul3A_179, %add3A_201 : vector<16xi32>
      %gather3A_203 = tpu.vector_load_idx %arg10[%add3A_202] : memref<1664xf32, #tpu.memory_space<vmem>>[vector<16xi32>], vector<16xf32>,
      %add3A_204 = arith.addf %add3A_199, %gather3A_203 : vector<16xf32>
      %add3A_205 = arith.constant 5 : i32
      %add3A_206 = vector.broadcast %add3A_205 : i32 to vector<16xi32>
      %add3A_207 = arith.addi %mul3A_179, %add3A_206 : vector<16xi32>
      %gather3A_208 = tpu.vector_load_idx %arg10[%add3A_207] : memref<1664xf32, #tpu.memory_space<vmem>>[vector<16xi32>], vector<16xf32>,
      %add3A_209 = arith.addf %add3A_204, %gather3A_208 : vector<16xf32>
      %add3A_210 = arith.constant 6 : i32
      %add3A_211 = vector.broadcast %add3A_210 : i32 to vector<16xi32>
      %add3A_212 = arith.addi %mul3A_179, %add3A_211 : vector<16xi32>
      %gather3A_213 = tpu.vector_load_idx %arg10[%add3A_212] : memref<1664xf32, #tpu.memory_space<vmem>>[vector<16xi32>], vector<16xf32>,
      %add3A_214 = arith.addf %add3A_209, %gather3A_213 : vector<16xf32>
      %add3A_215 = arith.constant 7 : i32
      %add3A_216 = vector.broadcast %add3A_215 : i32 to vector<16xi32>
      %add3A_217 = arith.addi %mul3A_179, %add3A_216 : vector<16xi32>
      %gather3A_218 = tpu.vector_load_idx %arg10[%add3A_217] : memref<1664xf32, #tpu.memory_space<vmem>>[vector<16xi32>], vector<16xf32>,
      %add3A_219 = arith.addf %add3A_214, %gather3A_218 : vector<16xf32>
      %add3A_220 = arith.constant 8 : i32
      %add3A_221 = vector.broadcast %add3A_220 : i32 to vector<16xi32>
      %add3A_222 = arith.addi %mul3A_179, %add3A_221 : vector<16xi32>
      %gather3A_223 = tpu.vector_load_idx %arg10[%add3A_222] : memref<1664xf32, #tpu.memory_space<vmem>>[vector<16xi32>], vector<16xf32>,
      %add3A_224 = arith.addf %add3A_219, %gather3A_223 : vector<16xf32>
      %add3A_225 = arith.constant 9 : i32
      %add3A_226 = vector.broadcast %add3A_225 : i32 to vector<16xi32>
      %add3A_227 = arith.addi %mul3A_179, %add3A_226 : vector<16xi32>
      %gather3A_228 = tpu.vector_load_idx %arg10[%add3A_227] : memref<1664xf32, #tpu.memory_space<vmem>>[vector<16xi32>], vector<16xf32>,
      %add3A_229 = arith.addf %add3A_224, %gather3A_228 : vector<16xf32>
      %add3A_230 = arith.constant 10 : i32
      %add3A_231 = vector.broadcast %add3A_230 : i32 to vector<16xi32>
      %add3A_232 = arith.addi %mul3A_179, %add3A_231 : vector<16xi32>
      %gather3A_233 = tpu.vector_load_idx %arg10[%add3A_232] : memref<1664xf32, #tpu.memory_space<vmem>>[vector<16xi32>], vector<16xf32>,
      %add3A_234 = arith.addf %add3A_229, %gather3A_233 : vector<16xf32>
      %add3A_235 = arith.constant 11 : i32
      %add3A_236 = vector.broadcast %add3A_235 : i32 to vector<16xi32>
      %add3A_237 = arith.addi %mul3A_179, %add3A_236 : vector<16xi32>
      %gather3A_238 = tpu.vector_load_idx %arg10[%add3A_237] : memref<1664xf32, #tpu.memory_space<vmem>>[vector<16xi32>], vector<16xf32>,
      %add3A_239 = arith.addf %add3A_234, %gather3A_238 : vector<16xf32>
      %add3A_240 = arith.constant 12 : i32
      %add3A_241 = vector.broadcast %add3A_240 : i32 to vector<16xi32>
      %add3A_242 = arith.addi %mul3A_179, %add3A_241 : vector<16xi32>
      %gather3A_243 = tpu.vector_load_idx %arg10[%add3A_242] : memref<1664xf32, #tpu.memory_space<vmem>>[vector<16xi32>], vector<16xf32>,
      %add3A_244 = arith.addf %add3A_239, %gather3A_243 : vector<16xf32>
      %add3A_245 = arith.constant 13 : i32
      %add3A_246 = vector.broadcast %add3A_245 : i32 to vector<16xi32>
      %add3A_247 = arith.addi %mul3A_179, %add3A_246 : vector<16xi32>
      %gather3A_248 = tpu.vector_load_idx %arg10[%add3A_247] : memref<1664xf32, #tpu.memory_space<vmem>>[vector<16xi32>], vector<16xf32>,
      %add3A_249 = arith.addf %add3A_244, %gather3A_248 : vector<16xf32>
      %add3A_250 = arith.constant 14 : i32
      %add3A_251 = vector.broadcast %add3A_250 : i32 to vector<16xi32>
      %add3A_252 = arith.addi %mul3A_179, %add3A_251 : vector<16xi32>
      %gather3A_253 = tpu.vector_load_idx %arg10[%add3A_252] : memref<1664xf32, #tpu.memory_space<vmem>>[vector<16xi32>], vector<16xf32>,
      %add3A_254 = arith.addf %add3A_249, %gather3A_253 : vector<16xf32>
      %add3A_255 = arith.constant 15 : i32
      %add3A_256 = vector.broadcast %add3A_255 : i32 to vector<16xi32>
      %add3A_257 = arith.addi %mul3A_179, %add3A_256 : vector<16xi32>
      %gather3A_258 = tpu.vector_load_idx %arg10[%add3A_257] : memref<1664xf32, #tpu.memory_space<vmem>>[vector<16xi32>], vector<16xf32>,
      %add3A_259 = arith.addf %add3A_254, %gather3A_258 : vector<16xf32>
      %add3A_260 = arith.constant 16 : i32
      %add3A_261 = vector.broadcast %add3A_260 : i32 to vector<16xi32>
      %add3A_262 = arith.addi %mul3A_179, %add3A_261 : vector<16xi32>
      %gather3A_263 = tpu.vector_load_idx %arg10[%add3A_262] : memref<1664xf32, #tpu.memory_space<vmem>>[vector<16xi32>], vector<16xf32>,
      %add3A_264 = arith.addf %add3A_259, %gather3A_263 : vector<16xf32>
      %add3A_265 = arith.constant 17 : i32
      %add3A_266 = vector.broadcast %add3A_265 : i32 to vector<16xi32>
      %add3A_267 = arith.addi %mul3A_179, %add3A_266 : vector<16xi32>
      %gather3A_268 = tpu.vector_load_idx %arg10[%add3A_267] : memref<1664xf32, #tpu.memory_space<vmem>>[vector<16xi32>], vector<16xf32>,
      %add3A_269 = arith.addf %add3A_264, %gather3A_268 : vector<16xf32>
      %add3A_270 = arith.constant 18 : i32
      %add3A_271 = vector.broadcast %add3A_270 : i32 to vector<16xi32>
      %add3A_272 = arith.addi %mul3A_179, %add3A_271 : vector<16xi32>
      %gather3A_273 = tpu.vector_load_idx %arg10[%add3A_272] : memref<1664xf32, #tpu.memory_space<vmem>>[vector<16xi32>], vector<16xf32>,
      %add3A_274 = arith.addf %add3A_269, %gather3A_273 : vector<16xf32>
      %add3A_275 = arith.constant 19 : i32
      %add3A_276 = vector.broadcast %add3A_275 : i32 to vector<16xi32>
      %add3A_277 = arith.addi %mul3A_179, %add3A_276 : vector<16xi32>
      %gather3A_278 = tpu.vector_load_idx %arg10[%add3A_277] : memref<1664xf32, #tpu.memory_space<vmem>>[vector<16xi32>], vector<16xf32>,
      %add3A_279 = arith.addf %add3A_274, %gather3A_278 : vector<16xf32>
      %add3A_280 = arith.constant 20 : i32
      %add3A_281 = vector.broadcast %add3A_280 : i32 to vector<16xi32>
      %add3A_282 = arith.addi %mul3A_179, %add3A_281 : vector<16xi32>
      %gather3A_283 = tpu.vector_load_idx %arg10[%add3A_282] : memref<1664xf32, #tpu.memory_space<vmem>>[vector<16xi32>], vector<16xf32>,
      %add3A_284 = arith.addf %add3A_279, %gather3A_283 : vector<16xf32>
      %add3A_285 = arith.constant 21 : i32
      %add3A_286 = vector.broadcast %add3A_285 : i32 to vector<16xi32>
      %add3A_287 = arith.addi %mul3A_179, %add3A_286 : vector<16xi32>
      %gather3A_288 = tpu.vector_load_idx %arg10[%add3A_287] : memref<1664xf32, #tpu.memory_space<vmem>>[vector<16xi32>], vector<16xf32>,
      %add3A_289 = arith.addf %add3A_284, %gather3A_288 : vector<16xf32>
      %add3A_290 = arith.constant 22 : i32
      %add3A_291 = vector.broadcast %add3A_290 : i32 to vector<16xi32>
      %add3A_292 = arith.addi %mul3A_179, %add3A_291 : vector<16xi32>
      %gather3A_293 = tpu.vector_load_idx %arg10[%add3A_292] : memref<1664xf32, #tpu.memory_space<vmem>>[vector<16xi32>], vector<16xf32>,
      %add3A_294 = arith.addf %add3A_289, %gather3A_293 : vector<16xf32>
      %add3A_295 = arith.constant 23 : i32
      %add3A_296 = vector.broadcast %add3A_295 : i32 to vector<16xi32>
      %add3A_297 = arith.addi %mul3A_179, %add3A_296 : vector<16xi32>
      %gather3A_298 = tpu.vector_load_idx %arg10[%add3A_297] : memref<1664xf32, #tpu.memory_space<vmem>>[vector<16xi32>], vector<16xf32>,
      %add3A_299 = arith.addf %add3A_294, %gather3A_298 : vector<16xf32>
      %add3A_300 = arith.constant 24 : i32
      %add3A_301 = vector.broadcast %add3A_300 : i32 to vector<16xi32>
      %add3A_302 = arith.addi %mul3A_179, %add3A_301 : vector<16xi32>
      %gather3A_303 = tpu.vector_load_idx %arg10[%add3A_302] : memref<1664xf32, #tpu.memory_space<vmem>>[vector<16xi32>], vector<16xf32>,
      %add3A_304 = arith.addf %add3A_299, %gather3A_303 : vector<16xf32>
      %add3A_305 = arith.constant 25 : i32
      %add3A_306 = vector.broadcast %add3A_305 : i32 to vector<16xi32>
      %add3A_307 = arith.addi %mul3A_179, %add3A_306 : vector<16xi32>
      %gather3A_308 = tpu.vector_load_idx %arg10[%add3A_307] : memref<1664xf32, #tpu.memory_space<vmem>>[vector<16xi32>], vector<16xf32>,
      %add3A_309 = arith.addf %add3A_304, %gather3A_308 : vector<16xf32>
      %mul3A_310 = arith.constant 16 : i32
      %mul3A_311 = arith.muli %scan3A_170, %mul3A_310 : i32
      %add3A_312 = arith.constant 64 : i32
      %add3A_313 = arith.addi %add3A_312, %mul3A_311 : i32
      %swap3A = arith.index_cast %add3A_313 : i32 to index
      %swap3A_314 = tpu.vector_load %arg11[%swap3A] {strides = array<i32>} : memref<512xf32, #tpu.memory_space<vmem>>, vector<16xf32>,
      tpu.vector_store %arg11[%swap3A], %add3A_309 {strides = array<i32>} : memref<512xf32, #tpu.memory_space<vmem>>, vector<16xf32>,
      %scan3A_315 = arith.constant 0 : i32
      scf.yield %scan3A_315 : i32
    }
    %scan3A_53 = arith.constant 4 : i32
    %iota3A_54 = tpu.iota {dimensions = array<i32: 0>} : vector<16xi32>
    %mul3A_55 = arith.constant 38462 : i32
    %mul3A_56 = vector.broadcast %mul3A_55 : i32 to vector<16xi32>
    %mul3A_57 = arith.muli %iota3A_54, %mul3A_56 : vector<16xi32>
    %scan3A_58 = arith.constant 0 : i32
    %scan3A_59 = arith.constant 52 : i32
    %scan3A_60 = arith.addi %scan3A_58, %scan3A_59 : i32
    %scan3A_61 = arith.constant 1 : i32
    %scan3A_62 = scf.for %scan3A_170 = %scan3A_58 to %scan3A_60 step %scan3A_61 iter_args(%scan3A_171 = %mul3A_57) -> (vector<16xi32>)  : i32 {
      %mul3A_172 = arith.constant 2 : i32
      %mul3A_173 = arith.muli %scan3A_170, %mul3A_172 : i32
      %mul3A_174 = arith.constant 16 : i32
      %mul3A_175 = arith.muli %mul3A_173, %mul3A_174 : i32
      %add3A_176 = arith.constant 4992 : i32
      %add3A_177 = arith.addi %add3A_176, %mul3A_175 : i32
      %get3A = arith.index_cast %add3A_177 : i32 to index
      %get3A_178 = tpu.vector_load %arg6[%get3A] {strides = array<i32>} : memref<13312xi32, #tpu.memory_space<vmem>>, vector<16xi32>,
      %add3A_179 = arith.addi %get3A_178, %scan3A_171 : vector<16xi32>
      %swap3A = arith.index_cast %mul3A_175 : i32 to index
      %swap3A_180 = tpu.vector_load %arg8[%swap3A] {strides = array<i32>} : memref<1664xi32, #tpu.memory_space<vmem>>, vector<16xi32>,
      tpu.vector_store %arg8[%swap3A], %add3A_179 {strides = array<i32>} : memref<1664xi32, #tpu.memory_space<vmem>>, vector<16xi32>,
      %add3A_181 = arith.constant 615392 : i32
      %add3A_182 = vector.broadcast %add3A_181 : i32 to vector<16xi32>
      %add3A_183 = arith.addi %scan3A_171, %add3A_182 : vector<16xi32>
      %ge3A = arith.constant 1000012 : i32
      %ge3A_184 = vector.broadcast %ge3A : i32 to vector<16xi32>
      %ge3A_185 = arith.cmpi sge, %add3A_183, %ge3A_184 : vector<16xi32>
      %convert_element_type3A = arith.extui %ge3A_185 : vector<16xi1> to vector<16xi32>
      %mul3A_186 = arith.constant 1000012 : i32
      %mul3A_187 = vector.broadcast %mul3A_186 : i32 to vector<16xi32>
      %mul3A_188 = arith.muli %convert_element_type3A, %mul3A_187 : vector<16xi32>
      %sub3A = arith.subi %add3A_183, %mul3A_188 : vector<16xi32>
      %add3A_189 = arith.constant 16 : i32
      %add3A_190 = arith.addi %mul3A_175, %add3A_189 : i32
      %add3A_191 = arith.constant 4992 : i32
      %add3A_192 = arith.addi %add3A_191, %add3A_190 : i32
      %get3A_193 = arith.index_cast %add3A_192 : i32 to index
      %get3A_194 = tpu.vector_load %arg6[%get3A_193] {strides = array<i32>} : memref<13312xi32, #tpu.memory_space<vmem>>, vector<16xi32>,
      %add3A_195 = arith.addi %get3A_194, %sub3A : vector<16xi32>
      %swap3A_196 = arith.index_cast %add3A_190 : i32 to index
      %swap3A_197 = tpu.vector_load %arg8[%swap3A_196] {strides = array<i32>} : memref<1664xi32, #tpu.memory_space<vmem>>, vector<16xi32>,
      tpu.vector_store %arg8[%swap3A_196], %add3A_195 {strides = array<i32>} : memref<1664xi32, #tpu.memory_space<vmem>>, vector<16xi32>,
      %add3A_198 = arith.constant 615392 : i32
      %add3A_199 = vector.broadcast %add3A_198 : i32 to vector<16xi32>
      %add3A_200 = arith.addi %sub3A, %add3A_199 : vector<16xi32>
      %ge3A_201 = arith.constant 1000012 : i32
      %ge3A_202 = vector.broadcast %ge3A_201 : i32 to vector<16xi32>
      %ge3A_203 = arith.cmpi sge, %add3A_200, %ge3A_202 : vector<16xi32>
      %convert_element_type3A_204 = arith.extui %ge3A_203 : vector<16xi1> to vector<16xi32>
      %mul3A_205 = arith.constant 1000012 : i32
      %mul3A_206 = vector.broadcast %mul3A_205 : i32 to vector<16xi32>
      %mul3A_207 = arith.muli %convert_element_type3A_204, %mul3A_206 : vector<16xi32>
      %sub3A_208 = arith.subi %add3A_200, %mul3A_207 : vector<16xi32>
      scf.yield %sub3A_208 : vector<16xi32>
    }
    %scan3A_63 = arith.constant 52 : i32
    %dma_start3A_64 = arith.constant 0 : i32
    %dma_start3A_65 = tpu.memref_slice %arg3[%dma_start3A_64] : memref<1000012xf32, #tpu.memory_space<hbm>> -> memref<1000012xf32, #tpu.memory_space<hbm>>
    tpu.enqueue_indirect_dma source(%dma_start3A_65 : memref<1000012xf32, #tpu.memory_space<hbm>>) target(%arg10 : memref<1664xf32, #tpu.memory_space<vmem>>) offsets(%arg8 : memref<1664xi32, #tpu.memory_space<vmem>>) semaphore(%arg14 : memref<!tpu.dma_semaphore, #tpu.memory_space<semaphore_mem>>)
    %dma_wait3A_66 = arith.constant 0 : i32
    %dma_wait3A_67 = tpu.memref_slice %arg3[%dma_wait3A_66] : memref<1000012xf32, #tpu.memory_space<hbm>> -> memref<1000012xf32, #tpu.memory_space<hbm>>
    tpu.wait_indirect_dma semaphore(%arg13 : memref<!tpu.dma_semaphore, #tpu.memory_space<semaphore_mem>>) src(%dma_wait3A_67 : memref<1000012xf32, #tpu.memory_space<hbm>>) dst(%arg9 : memref<1664xf32, #tpu.memory_space<vmem>>)
    %scan3A_68 = arith.constant 0 : i32
    %scan3A_69 = arith.constant 0 : i32
    %scan3A_70 = arith.constant 4 : i32
    %scan3A_71 = arith.addi %scan3A_69, %scan3A_70 : i32
    %scan3A_72 = arith.constant 1 : i32
    %scan3A_73 = scf.for %scan3A_170 = %scan3A_69 to %scan3A_71 step %scan3A_72 iter_args(%scan3A_171 = %scan3A_68) -> (i32)  : i32 {
      %mul3A_172 = arith.constant 16 : i32
      %mul3A_173 = arith.muli %scan3A_170, %mul3A_172 : i32
      %iota3A_174 = tpu.iota {dimensions = array<i32: 0>} : vector<16xi32>
      %add3A_175 = vector.broadcast %mul3A_173 : i32 to vector<16xi32>
      %add3A_176 = arith.addi %add3A_175, %iota3A_174 : vector<16xi32>
      %mul3A_177 = arith.constant 26 : i32
      %mul3A_178 = vector.broadcast %mul3A_177 : i32 to vector<16xi32>
      %mul3A_179 = arith.muli %add3A_176, %mul3A_178 : vector<16xi32>
      %add3A_180 = arith.constant 0 : i32
      %add3A_181 = vector.broadcast %add3A_180 : i32 to vector<16xi32>
      %add3A_182 = arith.addi %mul3A_179, %add3A_181 : vector<16xi32>
      %gather3A_183 = tpu.vector_load_idx %arg9[%add3A_182] : memref<1664xf32, #tpu.memory_space<vmem>>[vector<16xi32>], vector<16xf32>,
      %add3A_184 = arith.addf %gather3A, %gather3A_183 : vector<16xf32>
      %add3A_185 = arith.constant 1 : i32
      %add3A_186 = vector.broadcast %add3A_185 : i32 to vector<16xi32>
      %add3A_187 = arith.addi %mul3A_179, %add3A_186 : vector<16xi32>
      %gather3A_188 = tpu.vector_load_idx %arg9[%add3A_187] : memref<1664xf32, #tpu.memory_space<vmem>>[vector<16xi32>], vector<16xf32>,
      %add3A_189 = arith.addf %add3A_184, %gather3A_188 : vector<16xf32>
      %add3A_190 = arith.constant 2 : i32
      %add3A_191 = vector.broadcast %add3A_190 : i32 to vector<16xi32>
      %add3A_192 = arith.addi %mul3A_179, %add3A_191 : vector<16xi32>
      %gather3A_193 = tpu.vector_load_idx %arg9[%add3A_192] : memref<1664xf32, #tpu.memory_space<vmem>>[vector<16xi32>], vector<16xf32>,
      %add3A_194 = arith.addf %add3A_189, %gather3A_193 : vector<16xf32>
      %add3A_195 = arith.constant 3 : i32
      %add3A_196 = vector.broadcast %add3A_195 : i32 to vector<16xi32>
      %add3A_197 = arith.addi %mul3A_179, %add3A_196 : vector<16xi32>
      %gather3A_198 = tpu.vector_load_idx %arg9[%add3A_197] : memref<1664xf32, #tpu.memory_space<vmem>>[vector<16xi32>], vector<16xf32>,
      %add3A_199 = arith.addf %add3A_194, %gather3A_198 : vector<16xf32>
      %add3A_200 = arith.constant 4 : i32
      %add3A_201 = vector.broadcast %add3A_200 : i32 to vector<16xi32>
      %add3A_202 = arith.addi %mul3A_179, %add3A_201 : vector<16xi32>
      %gather3A_203 = tpu.vector_load_idx %arg9[%add3A_202] : memref<1664xf32, #tpu.memory_space<vmem>>[vector<16xi32>], vector<16xf32>,
      %add3A_204 = arith.addf %add3A_199, %gather3A_203 : vector<16xf32>
      %add3A_205 = arith.constant 5 : i32
      %add3A_206 = vector.broadcast %add3A_205 : i32 to vector<16xi32>
      %add3A_207 = arith.addi %mul3A_179, %add3A_206 : vector<16xi32>
      %gather3A_208 = tpu.vector_load_idx %arg9[%add3A_207] : memref<1664xf32, #tpu.memory_space<vmem>>[vector<16xi32>], vector<16xf32>,
      %add3A_209 = arith.addf %add3A_204, %gather3A_208 : vector<16xf32>
      %add3A_210 = arith.constant 6 : i32
      %add3A_211 = vector.broadcast %add3A_210 : i32 to vector<16xi32>
      %add3A_212 = arith.addi %mul3A_179, %add3A_211 : vector<16xi32>
      %gather3A_213 = tpu.vector_load_idx %arg9[%add3A_212] : memref<1664xf32, #tpu.memory_space<vmem>>[vector<16xi32>], vector<16xf32>,
      %add3A_214 = arith.addf %add3A_209, %gather3A_213 : vector<16xf32>
      %add3A_215 = arith.constant 7 : i32
      %add3A_216 = vector.broadcast %add3A_215 : i32 to vector<16xi32>
      %add3A_217 = arith.addi %mul3A_179, %add3A_216 : vector<16xi32>
      %gather3A_218 = tpu.vector_load_idx %arg9[%add3A_217] : memref<1664xf32, #tpu.memory_space<vmem>>[vector<16xi32>], vector<16xf32>,
      %add3A_219 = arith.addf %add3A_214, %gather3A_218 : vector<16xf32>
      %add3A_220 = arith.constant 8 : i32
      %add3A_221 = vector.broadcast %add3A_220 : i32 to vector<16xi32>
      %add3A_222 = arith.addi %mul3A_179, %add3A_221 : vector<16xi32>
      %gather3A_223 = tpu.vector_load_idx %arg9[%add3A_222] : memref<1664xf32, #tpu.memory_space<vmem>>[vector<16xi32>], vector<16xf32>,
      %add3A_224 = arith.addf %add3A_219, %gather3A_223 : vector<16xf32>
      %add3A_225 = arith.constant 9 : i32
      %add3A_226 = vector.broadcast %add3A_225 : i32 to vector<16xi32>
      %add3A_227 = arith.addi %mul3A_179, %add3A_226 : vector<16xi32>
      %gather3A_228 = tpu.vector_load_idx %arg9[%add3A_227] : memref<1664xf32, #tpu.memory_space<vmem>>[vector<16xi32>], vector<16xf32>,
      %add3A_229 = arith.addf %add3A_224, %gather3A_228 : vector<16xf32>
      %add3A_230 = arith.constant 10 : i32
      %add3A_231 = vector.broadcast %add3A_230 : i32 to vector<16xi32>
      %add3A_232 = arith.addi %mul3A_179, %add3A_231 : vector<16xi32>
      %gather3A_233 = tpu.vector_load_idx %arg9[%add3A_232] : memref<1664xf32, #tpu.memory_space<vmem>>[vector<16xi32>], vector<16xf32>,
      %add3A_234 = arith.addf %add3A_229, %gather3A_233 : vector<16xf32>
      %add3A_235 = arith.constant 11 : i32
      %add3A_236 = vector.broadcast %add3A_235 : i32 to vector<16xi32>
      %add3A_237 = arith.addi %mul3A_179, %add3A_236 : vector<16xi32>
      %gather3A_238 = tpu.vector_load_idx %arg9[%add3A_237] : memref<1664xf32, #tpu.memory_space<vmem>>[vector<16xi32>], vector<16xf32>,
      %add3A_239 = arith.addf %add3A_234, %gather3A_238 : vector<16xf32>
      %add3A_240 = arith.constant 12 : i32
      %add3A_241 = vector.broadcast %add3A_240 : i32 to vector<16xi32>
      %add3A_242 = arith.addi %mul3A_179, %add3A_241 : vector<16xi32>
      %gather3A_243 = tpu.vector_load_idx %arg9[%add3A_242] : memref<1664xf32, #tpu.memory_space<vmem>>[vector<16xi32>], vector<16xf32>,
      %add3A_244 = arith.addf %add3A_239, %gather3A_243 : vector<16xf32>
      %add3A_245 = arith.constant 13 : i32
      %add3A_246 = vector.broadcast %add3A_245 : i32 to vector<16xi32>
      %add3A_247 = arith.addi %mul3A_179, %add3A_246 : vector<16xi32>
      %gather3A_248 = tpu.vector_load_idx %arg9[%add3A_247] : memref<1664xf32, #tpu.memory_space<vmem>>[vector<16xi32>], vector<16xf32>,
      %add3A_249 = arith.addf %add3A_244, %gather3A_248 : vector<16xf32>
      %add3A_250 = arith.constant 14 : i32
      %add3A_251 = vector.broadcast %add3A_250 : i32 to vector<16xi32>
      %add3A_252 = arith.addi %mul3A_179, %add3A_251 : vector<16xi32>
      %gather3A_253 = tpu.vector_load_idx %arg9[%add3A_252] : memref<1664xf32, #tpu.memory_space<vmem>>[vector<16xi32>], vector<16xf32>,
      %add3A_254 = arith.addf %add3A_249, %gather3A_253 : vector<16xf32>
      %add3A_255 = arith.constant 15 : i32
      %add3A_256 = vector.broadcast %add3A_255 : i32 to vector<16xi32>
      %add3A_257 = arith.addi %mul3A_179, %add3A_256 : vector<16xi32>
      %gather3A_258 = tpu.vector_load_idx %arg9[%add3A_257] : memref<1664xf32, #tpu.memory_space<vmem>>[vector<16xi32>], vector<16xf32>,
      %add3A_259 = arith.addf %add3A_254, %gather3A_258 : vector<16xf32>
      %add3A_260 = arith.constant 16 : i32
      %add3A_261 = vector.broadcast %add3A_260 : i32 to vector<16xi32>
      %add3A_262 = arith.addi %mul3A_179, %add3A_261 : vector<16xi32>
      %gather3A_263 = tpu.vector_load_idx %arg9[%add3A_262] : memref<1664xf32, #tpu.memory_space<vmem>>[vector<16xi32>], vector<16xf32>,
      %add3A_264 = arith.addf %add3A_259, %gather3A_263 : vector<16xf32>
      %add3A_265 = arith.constant 17 : i32
      %add3A_266 = vector.broadcast %add3A_265 : i32 to vector<16xi32>
      %add3A_267 = arith.addi %mul3A_179, %add3A_266 : vector<16xi32>
      %gather3A_268 = tpu.vector_load_idx %arg9[%add3A_267] : memref<1664xf32, #tpu.memory_space<vmem>>[vector<16xi32>], vector<16xf32>,
      %add3A_269 = arith.addf %add3A_264, %gather3A_268 : vector<16xf32>
      %add3A_270 = arith.constant 18 : i32
      %add3A_271 = vector.broadcast %add3A_270 : i32 to vector<16xi32>
      %add3A_272 = arith.addi %mul3A_179, %add3A_271 : vector<16xi32>
      %gather3A_273 = tpu.vector_load_idx %arg9[%add3A_272] : memref<1664xf32, #tpu.memory_space<vmem>>[vector<16xi32>], vector<16xf32>,
      %add3A_274 = arith.addf %add3A_269, %gather3A_273 : vector<16xf32>
      %add3A_275 = arith.constant 19 : i32
      %add3A_276 = vector.broadcast %add3A_275 : i32 to vector<16xi32>
      %add3A_277 = arith.addi %mul3A_179, %add3A_276 : vector<16xi32>
      %gather3A_278 = tpu.vector_load_idx %arg9[%add3A_277] : memref<1664xf32, #tpu.memory_space<vmem>>[vector<16xi32>], vector<16xf32>,
      %add3A_279 = arith.addf %add3A_274, %gather3A_278 : vector<16xf32>
      %add3A_280 = arith.constant 20 : i32
      %add3A_281 = vector.broadcast %add3A_280 : i32 to vector<16xi32>
      %add3A_282 = arith.addi %mul3A_179, %add3A_281 : vector<16xi32>
      %gather3A_283 = tpu.vector_load_idx %arg9[%add3A_282] : memref<1664xf32, #tpu.memory_space<vmem>>[vector<16xi32>], vector<16xf32>,
      %add3A_284 = arith.addf %add3A_279, %gather3A_283 : vector<16xf32>
      %add3A_285 = arith.constant 21 : i32
      %add3A_286 = vector.broadcast %add3A_285 : i32 to vector<16xi32>
      %add3A_287 = arith.addi %mul3A_179, %add3A_286 : vector<16xi32>
      %gather3A_288 = tpu.vector_load_idx %arg9[%add3A_287] : memref<1664xf32, #tpu.memory_space<vmem>>[vector<16xi32>], vector<16xf32>,
      %add3A_289 = arith.addf %add3A_284, %gather3A_288 : vector<16xf32>
      %add3A_290 = arith.constant 22 : i32
      %add3A_291 = vector.broadcast %add3A_290 : i32 to vector<16xi32>
      %add3A_292 = arith.addi %mul3A_179, %add3A_291 : vector<16xi32>
      %gather3A_293 = tpu.vector_load_idx %arg9[%add3A_292] : memref<1664xf32, #tpu.memory_space<vmem>>[vector<16xi32>], vector<16xf32>,
      %add3A_294 = arith.addf %add3A_289, %gather3A_293 : vector<16xf32>
      %add3A_295 = arith.constant 23 : i32
      %add3A_296 = vector.broadcast %add3A_295 : i32 to vector<16xi32>
      %add3A_297 = arith.addi %mul3A_179, %add3A_296 : vector<16xi32>
      %gather3A_298 = tpu.vector_load_idx %arg9[%add3A_297] : memref<1664xf32, #tpu.memory_space<vmem>>[vector<16xi32>], vector<16xf32>,
      %add3A_299 = arith.addf %add3A_294, %gather3A_298 : vector<16xf32>
      %add3A_300 = arith.constant 24 : i32
      %add3A_301 = vector.broadcast %add3A_300 : i32 to vector<16xi32>
      %add3A_302 = arith.addi %mul3A_179, %add3A_301 : vector<16xi32>
      %gather3A_303 = tpu.vector_load_idx %arg9[%add3A_302] : memref<1664xf32, #tpu.memory_space<vmem>>[vector<16xi32>], vector<16xf32>,
      %add3A_304 = arith.addf %add3A_299, %gather3A_303 : vector<16xf32>
      %add3A_305 = arith.constant 25 : i32
      %add3A_306 = vector.broadcast %add3A_305 : i32 to vector<16xi32>
      %add3A_307 = arith.addi %mul3A_179, %add3A_306 : vector<16xi32>
      %gather3A_308 = tpu.vector_load_idx %arg9[%add3A_307] : memref<1664xf32, #tpu.memory_space<vmem>>[vector<16xi32>], vector<16xf32>,
      %add3A_309 = arith.addf %add3A_304, %gather3A_308 : vector<16xf32>
      %mul3A_310 = arith.constant 16 : i32
      %mul3A_311 = arith.muli %scan3A_170, %mul3A_310 : i32
      %add3A_312 = arith.constant 128 : i32
      %add3A_313 = arith.addi %add3A_312, %mul3A_311 : i32
      %swap3A = arith.index_cast %add3A_313 : i32 to index
      %swap3A_314 = tpu.vector_load %arg11[%swap3A] {strides = array<i32>} : memref<512xf32, #tpu.memory_space<vmem>>, vector<16xf32>,
      tpu.vector_store %arg11[%swap3A], %add3A_309 {strides = array<i32>} : memref<512xf32, #tpu.memory_space<vmem>>, vector<16xf32>,
      %scan3A_315 = arith.constant 0 : i32
      scf.yield %scan3A_315 : i32
    }
    %scan3A_74 = arith.constant 4 : i32
    %iota3A_75 = tpu.iota {dimensions = array<i32: 0>} : vector<16xi32>
    %mul3A_76 = arith.constant 38462 : i32
    %mul3A_77 = vector.broadcast %mul3A_76 : i32 to vector<16xi32>
    %mul3A_78 = arith.muli %iota3A_75, %mul3A_77 : vector<16xi32>
    %scan3A_79 = arith.constant 0 : i32
    %scan3A_80 = arith.constant 52 : i32
    %scan3A_81 = arith.addi %scan3A_79, %scan3A_80 : i32
    %scan3A_82 = arith.constant 1 : i32
    %scan3A_83 = scf.for %scan3A_170 = %scan3A_79 to %scan3A_81 step %scan3A_82 iter_args(%scan3A_171 = %mul3A_78) -> (vector<16xi32>)  : i32 {
      %mul3A_172 = arith.constant 2 : i32
      %mul3A_173 = arith.muli %scan3A_170, %mul3A_172 : i32
      %mul3A_174 = arith.constant 16 : i32
      %mul3A_175 = arith.muli %mul3A_173, %mul3A_174 : i32
      %add3A_176 = arith.constant 6656 : i32
      %add3A_177 = arith.addi %add3A_176, %mul3A_175 : i32
      %get3A = arith.index_cast %add3A_177 : i32 to index
      %get3A_178 = tpu.vector_load %arg6[%get3A] {strides = array<i32>} : memref<13312xi32, #tpu.memory_space<vmem>>, vector<16xi32>,
      %add3A_179 = arith.addi %get3A_178, %scan3A_171 : vector<16xi32>
      %swap3A = arith.index_cast %mul3A_175 : i32 to index
      %swap3A_180 = tpu.vector_load %arg7[%swap3A] {strides = array<i32>} : memref<1664xi32, #tpu.memory_space<vmem>>, vector<16xi32>,
      tpu.vector_store %arg7[%swap3A], %add3A_179 {strides = array<i32>} : memref<1664xi32, #tpu.memory_space<vmem>>, vector<16xi32>,
      %add3A_181 = arith.constant 615392 : i32
      %add3A_182 = vector.broadcast %add3A_181 : i32 to vector<16xi32>
      %add3A_183 = arith.addi %scan3A_171, %add3A_182 : vector<16xi32>
      %ge3A = arith.constant 1000012 : i32
      %ge3A_184 = vector.broadcast %ge3A : i32 to vector<16xi32>
      %ge3A_185 = arith.cmpi sge, %add3A_183, %ge3A_184 : vector<16xi32>
      %convert_element_type3A = arith.extui %ge3A_185 : vector<16xi1> to vector<16xi32>
      %mul3A_186 = arith.constant 1000012 : i32
      %mul3A_187 = vector.broadcast %mul3A_186 : i32 to vector<16xi32>
      %mul3A_188 = arith.muli %convert_element_type3A, %mul3A_187 : vector<16xi32>
      %sub3A = arith.subi %add3A_183, %mul3A_188 : vector<16xi32>
      %add3A_189 = arith.constant 16 : i32
      %add3A_190 = arith.addi %mul3A_175, %add3A_189 : i32
      %add3A_191 = arith.constant 6656 : i32
      %add3A_192 = arith.addi %add3A_191, %add3A_190 : i32
      %get3A_193 = arith.index_cast %add3A_192 : i32 to index
      %get3A_194 = tpu.vector_load %arg6[%get3A_193] {strides = array<i32>} : memref<13312xi32, #tpu.memory_space<vmem>>, vector<16xi32>,
      %add3A_195 = arith.addi %get3A_194, %sub3A : vector<16xi32>
      %swap3A_196 = arith.index_cast %add3A_190 : i32 to index
      %swap3A_197 = tpu.vector_load %arg7[%swap3A_196] {strides = array<i32>} : memref<1664xi32, #tpu.memory_space<vmem>>, vector<16xi32>,
      tpu.vector_store %arg7[%swap3A_196], %add3A_195 {strides = array<i32>} : memref<1664xi32, #tpu.memory_space<vmem>>, vector<16xi32>,
      %add3A_198 = arith.constant 615392 : i32
      %add3A_199 = vector.broadcast %add3A_198 : i32 to vector<16xi32>
      %add3A_200 = arith.addi %sub3A, %add3A_199 : vector<16xi32>
      %ge3A_201 = arith.constant 1000012 : i32
      %ge3A_202 = vector.broadcast %ge3A_201 : i32 to vector<16xi32>
      %ge3A_203 = arith.cmpi sge, %add3A_200, %ge3A_202 : vector<16xi32>
      %convert_element_type3A_204 = arith.extui %ge3A_203 : vector<16xi1> to vector<16xi32>
      %mul3A_205 = arith.constant 1000012 : i32
      %mul3A_206 = vector.broadcast %mul3A_205 : i32 to vector<16xi32>
      %mul3A_207 = arith.muli %convert_element_type3A_204, %mul3A_206 : vector<16xi32>
      %sub3A_208 = arith.subi %add3A_200, %mul3A_207 : vector<16xi32>
      scf.yield %sub3A_208 : vector<16xi32>
    }
    %scan3A_84 = arith.constant 52 : i32
    %dma_start3A_85 = arith.constant 0 : i32
    %dma_start3A_86 = tpu.memref_slice %arg3[%dma_start3A_85] : memref<1000012xf32, #tpu.memory_space<hbm>> -> memref<1000012xf32, #tpu.memory_space<hbm>>
    tpu.enqueue_indirect_dma source(%dma_start3A_86 : memref<1000012xf32, #tpu.memory_space<hbm>>) target(%arg9 : memref<1664xf32, #tpu.memory_space<vmem>>) offsets(%arg7 : memref<1664xi32, #tpu.memory_space<vmem>>) semaphore(%arg13 : memref<!tpu.dma_semaphore, #tpu.memory_space<semaphore_mem>>)
    %dma_wait3A_87 = arith.constant 0 : i32
    %dma_wait3A_88 = tpu.memref_slice %arg3[%dma_wait3A_87] : memref<1000012xf32, #tpu.memory_space<hbm>> -> memref<1000012xf32, #tpu.memory_space<hbm>>
    tpu.wait_indirect_dma semaphore(%arg14 : memref<!tpu.dma_semaphore, #tpu.memory_space<semaphore_mem>>) src(%dma_wait3A_88 : memref<1000012xf32, #tpu.memory_space<hbm>>) dst(%arg10 : memref<1664xf32, #tpu.memory_space<vmem>>)
    %scan3A_89 = arith.constant 0 : i32
    %scan3A_90 = arith.constant 0 : i32
    %scan3A_91 = arith.constant 4 : i32
    %scan3A_92 = arith.addi %scan3A_90, %scan3A_91 : i32
    %scan3A_93 = arith.constant 1 : i32
    %scan3A_94 = scf.for %scan3A_170 = %scan3A_90 to %scan3A_92 step %scan3A_93 iter_args(%scan3A_171 = %scan3A_89) -> (i32)  : i32 {
      %mul3A_172 = arith.constant 16 : i32
      %mul3A_173 = arith.muli %scan3A_170, %mul3A_172 : i32
      %iota3A_174 = tpu.iota {dimensions = array<i32: 0>} : vector<16xi32>
      %add3A_175 = vector.broadcast %mul3A_173 : i32 to vector<16xi32>
      %add3A_176 = arith.addi %add3A_175, %iota3A_174 : vector<16xi32>
      %mul3A_177 = arith.constant 26 : i32
      %mul3A_178 = vector.broadcast %mul3A_177 : i32 to vector<16xi32>
      %mul3A_179 = arith.muli %add3A_176, %mul3A_178 : vector<16xi32>
      %add3A_180 = arith.constant 0 : i32
      %add3A_181 = vector.broadcast %add3A_180 : i32 to vector<16xi32>
      %add3A_182 = arith.addi %mul3A_179, %add3A_181 : vector<16xi32>
      %gather3A_183 = tpu.vector_load_idx %arg10[%add3A_182] : memref<1664xf32, #tpu.memory_space<vmem>>[vector<16xi32>], vector<16xf32>,
      %add3A_184 = arith.addf %gather3A, %gather3A_183 : vector<16xf32>
      %add3A_185 = arith.constant 1 : i32
      %add3A_186 = vector.broadcast %add3A_185 : i32 to vector<16xi32>
      %add3A_187 = arith.addi %mul3A_179, %add3A_186 : vector<16xi32>
      %gather3A_188 = tpu.vector_load_idx %arg10[%add3A_187] : memref<1664xf32, #tpu.memory_space<vmem>>[vector<16xi32>], vector<16xf32>,
      %add3A_189 = arith.addf %add3A_184, %gather3A_188 : vector<16xf32>
      %add3A_190 = arith.constant 2 : i32
      %add3A_191 = vector.broadcast %add3A_190 : i32 to vector<16xi32>
      %add3A_192 = arith.addi %mul3A_179, %add3A_191 : vector<16xi32>
      %gather3A_193 = tpu.vector_load_idx %arg10[%add3A_192] : memref<1664xf32, #tpu.memory_space<vmem>>[vector<16xi32>], vector<16xf32>,
      %add3A_194 = arith.addf %add3A_189, %gather3A_193 : vector<16xf32>
      %add3A_195 = arith.constant 3 : i32
      %add3A_196 = vector.broadcast %add3A_195 : i32 to vector<16xi32>
      %add3A_197 = arith.addi %mul3A_179, %add3A_196 : vector<16xi32>
      %gather3A_198 = tpu.vector_load_idx %arg10[%add3A_197] : memref<1664xf32, #tpu.memory_space<vmem>>[vector<16xi32>], vector<16xf32>,
      %add3A_199 = arith.addf %add3A_194, %gather3A_198 : vector<16xf32>
      %add3A_200 = arith.constant 4 : i32
      %add3A_201 = vector.broadcast %add3A_200 : i32 to vector<16xi32>
      %add3A_202 = arith.addi %mul3A_179, %add3A_201 : vector<16xi32>
      %gather3A_203 = tpu.vector_load_idx %arg10[%add3A_202] : memref<1664xf32, #tpu.memory_space<vmem>>[vector<16xi32>], vector<16xf32>,
      %add3A_204 = arith.addf %add3A_199, %gather3A_203 : vector<16xf32>
      %add3A_205 = arith.constant 5 : i32
      %add3A_206 = vector.broadcast %add3A_205 : i32 to vector<16xi32>
      %add3A_207 = arith.addi %mul3A_179, %add3A_206 : vector<16xi32>
      %gather3A_208 = tpu.vector_load_idx %arg10[%add3A_207] : memref<1664xf32, #tpu.memory_space<vmem>>[vector<16xi32>], vector<16xf32>,
      %add3A_209 = arith.addf %add3A_204, %gather3A_208 : vector<16xf32>
      %add3A_210 = arith.constant 6 : i32
      %add3A_211 = vector.broadcast %add3A_210 : i32 to vector<16xi32>
      %add3A_212 = arith.addi %mul3A_179, %add3A_211 : vector<16xi32>
      %gather3A_213 = tpu.vector_load_idx %arg10[%add3A_212] : memref<1664xf32, #tpu.memory_space<vmem>>[vector<16xi32>], vector<16xf32>,
      %add3A_214 = arith.addf %add3A_209, %gather3A_213 : vector<16xf32>
      %add3A_215 = arith.constant 7 : i32
      %add3A_216 = vector.broadcast %add3A_215 : i32 to vector<16xi32>
      %add3A_217 = arith.addi %mul3A_179, %add3A_216 : vector<16xi32>
      %gather3A_218 = tpu.vector_load_idx %arg10[%add3A_217] : memref<1664xf32, #tpu.memory_space<vmem>>[vector<16xi32>], vector<16xf32>,
      %add3A_219 = arith.addf %add3A_214, %gather3A_218 : vector<16xf32>
      %add3A_220 = arith.constant 8 : i32
      %add3A_221 = vector.broadcast %add3A_220 : i32 to vector<16xi32>
      %add3A_222 = arith.addi %mul3A_179, %add3A_221 : vector<16xi32>
      %gather3A_223 = tpu.vector_load_idx %arg10[%add3A_222] : memref<1664xf32, #tpu.memory_space<vmem>>[vector<16xi32>], vector<16xf32>,
      %add3A_224 = arith.addf %add3A_219, %gather3A_223 : vector<16xf32>
      %add3A_225 = arith.constant 9 : i32
      %add3A_226 = vector.broadcast %add3A_225 : i32 to vector<16xi32>
      %add3A_227 = arith.addi %mul3A_179, %add3A_226 : vector<16xi32>
      %gather3A_228 = tpu.vector_load_idx %arg10[%add3A_227] : memref<1664xf32, #tpu.memory_space<vmem>>[vector<16xi32>], vector<16xf32>,
      %add3A_229 = arith.addf %add3A_224, %gather3A_228 : vector<16xf32>
      %add3A_230 = arith.constant 10 : i32
      %add3A_231 = vector.broadcast %add3A_230 : i32 to vector<16xi32>
      %add3A_232 = arith.addi %mul3A_179, %add3A_231 : vector<16xi32>
      %gather3A_233 = tpu.vector_load_idx %arg10[%add3A_232] : memref<1664xf32, #tpu.memory_space<vmem>>[vector<16xi32>], vector<16xf32>,
      %add3A_234 = arith.addf %add3A_229, %gather3A_233 : vector<16xf32>
      %add3A_235 = arith.constant 11 : i32
      %add3A_236 = vector.broadcast %add3A_235 : i32 to vector<16xi32>
      %add3A_237 = arith.addi %mul3A_179, %add3A_236 : vector<16xi32>
      %gather3A_238 = tpu.vector_load_idx %arg10[%add3A_237] : memref<1664xf32, #tpu.memory_space<vmem>>[vector<16xi32>], vector<16xf32>,
      %add3A_239 = arith.addf %add3A_234, %gather3A_238 : vector<16xf32>
      %add3A_240 = arith.constant 12 : i32
      %add3A_241 = vector.broadcast %add3A_240 : i32 to vector<16xi32>
      %add3A_242 = arith.addi %mul3A_179, %add3A_241 : vector<16xi32>
      %gather3A_243 = tpu.vector_load_idx %arg10[%add3A_242] : memref<1664xf32, #tpu.memory_space<vmem>>[vector<16xi32>], vector<16xf32>,
      %add3A_244 = arith.addf %add3A_239, %gather3A_243 : vector<16xf32>
      %add3A_245 = arith.constant 13 : i32
      %add3A_246 = vector.broadcast %add3A_245 : i32 to vector<16xi32>
      %add3A_247 = arith.addi %mul3A_179, %add3A_246 : vector<16xi32>
      %gather3A_248 = tpu.vector_load_idx %arg10[%add3A_247] : memref<1664xf32, #tpu.memory_space<vmem>>[vector<16xi32>], vector<16xf32>,
      %add3A_249 = arith.addf %add3A_244, %gather3A_248 : vector<16xf32>
      %add3A_250 = arith.constant 14 : i32
      %add3A_251 = vector.broadcast %add3A_250 : i32 to vector<16xi32>
      %add3A_252 = arith.addi %mul3A_179, %add3A_251 : vector<16xi32>
      %gather3A_253 = tpu.vector_load_idx %arg10[%add3A_252] : memref<1664xf32, #tpu.memory_space<vmem>>[vector<16xi32>], vector<16xf32>,
      %add3A_254 = arith.addf %add3A_249, %gather3A_253 : vector<16xf32>
      %add3A_255 = arith.constant 15 : i32
      %add3A_256 = vector.broadcast %add3A_255 : i32 to vector<16xi32>
      %add3A_257 = arith.addi %mul3A_179, %add3A_256 : vector<16xi32>
      %gather3A_258 = tpu.vector_load_idx %arg10[%add3A_257] : memref<1664xf32, #tpu.memory_space<vmem>>[vector<16xi32>], vector<16xf32>,
      %add3A_259 = arith.addf %add3A_254, %gather3A_258 : vector<16xf32>
      %add3A_260 = arith.constant 16 : i32
      %add3A_261 = vector.broadcast %add3A_260 : i32 to vector<16xi32>
      %add3A_262 = arith.addi %mul3A_179, %add3A_261 : vector<16xi32>
      %gather3A_263 = tpu.vector_load_idx %arg10[%add3A_262] : memref<1664xf32, #tpu.memory_space<vmem>>[vector<16xi32>], vector<16xf32>,
      %add3A_264 = arith.addf %add3A_259, %gather3A_263 : vector<16xf32>
      %add3A_265 = arith.constant 17 : i32
      %add3A_266 = vector.broadcast %add3A_265 : i32 to vector<16xi32>
      %add3A_267 = arith.addi %mul3A_179, %add3A_266 : vector<16xi32>
      %gather3A_268 = tpu.vector_load_idx %arg10[%add3A_267] : memref<1664xf32, #tpu.memory_space<vmem>>[vector<16xi32>], vector<16xf32>,
      %add3A_269 = arith.addf %add3A_264, %gather3A_268 : vector<16xf32>
      %add3A_270 = arith.constant 18 : i32
      %add3A_271 = vector.broadcast %add3A_270 : i32 to vector<16xi32>
      %add3A_272 = arith.addi %mul3A_179, %add3A_271 : vector<16xi32>
      %gather3A_273 = tpu.vector_load_idx %arg10[%add3A_272] : memref<1664xf32, #tpu.memory_space<vmem>>[vector<16xi32>], vector<16xf32>,
      %add3A_274 = arith.addf %add3A_269, %gather3A_273 : vector<16xf32>
      %add3A_275 = arith.constant 19 : i32
      %add3A_276 = vector.broadcast %add3A_275 : i32 to vector<16xi32>
      %add3A_277 = arith.addi %mul3A_179, %add3A_276 : vector<16xi32>
      %gather3A_278 = tpu.vector_load_idx %arg10[%add3A_277] : memref<1664xf32, #tpu.memory_space<vmem>>[vector<16xi32>], vector<16xf32>,
      %add3A_279 = arith.addf %add3A_274, %gather3A_278 : vector<16xf32>
      %add3A_280 = arith.constant 20 : i32
      %add3A_281 = vector.broadcast %add3A_280 : i32 to vector<16xi32>
      %add3A_282 = arith.addi %mul3A_179, %add3A_281 : vector<16xi32>
      %gather3A_283 = tpu.vector_load_idx %arg10[%add3A_282] : memref<1664xf32, #tpu.memory_space<vmem>>[vector<16xi32>], vector<16xf32>,
      %add3A_284 = arith.addf %add3A_279, %gather3A_283 : vector<16xf32>
      %add3A_285 = arith.constant 21 : i32
      %add3A_286 = vector.broadcast %add3A_285 : i32 to vector<16xi32>
      %add3A_287 = arith.addi %mul3A_179, %add3A_286 : vector<16xi32>
      %gather3A_288 = tpu.vector_load_idx %arg10[%add3A_287] : memref<1664xf32, #tpu.memory_space<vmem>>[vector<16xi32>], vector<16xf32>,
      %add3A_289 = arith.addf %add3A_284, %gather3A_288 : vector<16xf32>
      %add3A_290 = arith.constant 22 : i32
      %add3A_291 = vector.broadcast %add3A_290 : i32 to vector<16xi32>
      %add3A_292 = arith.addi %mul3A_179, %add3A_291 : vector<16xi32>
      %gather3A_293 = tpu.vector_load_idx %arg10[%add3A_292] : memref<1664xf32, #tpu.memory_space<vmem>>[vector<16xi32>], vector<16xf32>,
      %add3A_294 = arith.addf %add3A_289, %gather3A_293 : vector<16xf32>
      %add3A_295 = arith.constant 23 : i32
      %add3A_296 = vector.broadcast %add3A_295 : i32 to vector<16xi32>
      %add3A_297 = arith.addi %mul3A_179, %add3A_296 : vector<16xi32>
      %gather3A_298 = tpu.vector_load_idx %arg10[%add3A_297] : memref<1664xf32, #tpu.memory_space<vmem>>[vector<16xi32>], vector<16xf32>,
      %add3A_299 = arith.addf %add3A_294, %gather3A_298 : vector<16xf32>
      %add3A_300 = arith.constant 24 : i32
      %add3A_301 = vector.broadcast %add3A_300 : i32 to vector<16xi32>
      %add3A_302 = arith.addi %mul3A_179, %add3A_301 : vector<16xi32>
      %gather3A_303 = tpu.vector_load_idx %arg10[%add3A_302] : memref<1664xf32, #tpu.memory_space<vmem>>[vector<16xi32>], vector<16xf32>,
      %add3A_304 = arith.addf %add3A_299, %gather3A_303 : vector<16xf32>
      %add3A_305 = arith.constant 25 : i32
      %add3A_306 = vector.broadcast %add3A_305 : i32 to vector<16xi32>
      %add3A_307 = arith.addi %mul3A_179, %add3A_306 : vector<16xi32>
      %gather3A_308 = tpu.vector_load_idx %arg10[%add3A_307] : memref<1664xf32, #tpu.memory_space<vmem>>[vector<16xi32>], vector<16xf32>,
      %add3A_309 = arith.addf %add3A_304, %gather3A_308 : vector<16xf32>
      %mul3A_310 = arith.constant 16 : i32
      %mul3A_311 = arith.muli %scan3A_170, %mul3A_310 : i32
      %add3A_312 = arith.constant 192 : i32
      %add3A_313 = arith.addi %add3A_312, %mul3A_311 : i32
      %swap3A = arith.index_cast %add3A_313 : i32 to index
      %swap3A_314 = tpu.vector_load %arg11[%swap3A] {strides = array<i32>} : memref<512xf32, #tpu.memory_space<vmem>>, vector<16xf32>,
      tpu.vector_store %arg11[%swap3A], %add3A_309 {strides = array<i32>} : memref<512xf32, #tpu.memory_space<vmem>>, vector<16xf32>,
      %scan3A_315 = arith.constant 0 : i32
      scf.yield %scan3A_315 : i32
    }
    %scan3A_95 = arith.constant 4 : i32
    %iota3A_96 = tpu.iota {dimensions = array<i32: 0>} : vector<16xi32>
    %mul3A_97 = arith.constant 38462 : i32
    %mul3A_98 = vector.broadcast %mul3A_97 : i32 to vector<16xi32>
    %mul3A_99 = arith.muli %iota3A_96, %mul3A_98 : vector<16xi32>
    %scan3A_100 = arith.constant 0 : i32
    %scan3A_101 = arith.constant 52 : i32
    %scan3A_102 = arith.addi %scan3A_100, %scan3A_101 : i32
    %scan3A_103 = arith.constant 1 : i32
    %scan3A_104 = scf.for %scan3A_170 = %scan3A_100 to %scan3A_102 step %scan3A_103 iter_args(%scan3A_171 = %mul3A_99) -> (vector<16xi32>)  : i32 {
      %mul3A_172 = arith.constant 2 : i32
      %mul3A_173 = arith.muli %scan3A_170, %mul3A_172 : i32
      %mul3A_174 = arith.constant 16 : i32
      %mul3A_175 = arith.muli %mul3A_173, %mul3A_174 : i32
      %add3A_176 = arith.constant 8320 : i32
      %add3A_177 = arith.addi %add3A_176, %mul3A_175 : i32
      %get3A = arith.index_cast %add3A_177 : i32 to index
      %get3A_178 = tpu.vector_load %arg6[%get3A] {strides = array<i32>} : memref<13312xi32, #tpu.memory_space<vmem>>, vector<16xi32>,
      %add3A_179 = arith.addi %get3A_178, %scan3A_171 : vector<16xi32>
      %swap3A = arith.index_cast %mul3A_175 : i32 to index
      %swap3A_180 = tpu.vector_load %arg8[%swap3A] {strides = array<i32>} : memref<1664xi32, #tpu.memory_space<vmem>>, vector<16xi32>,
      tpu.vector_store %arg8[%swap3A], %add3A_179 {strides = array<i32>} : memref<1664xi32, #tpu.memory_space<vmem>>, vector<16xi32>,
      %add3A_181 = arith.constant 615392 : i32
      %add3A_182 = vector.broadcast %add3A_181 : i32 to vector<16xi32>
      %add3A_183 = arith.addi %scan3A_171, %add3A_182 : vector<16xi32>
      %ge3A = arith.constant 1000012 : i32
      %ge3A_184 = vector.broadcast %ge3A : i32 to vector<16xi32>
      %ge3A_185 = arith.cmpi sge, %add3A_183, %ge3A_184 : vector<16xi32>
      %convert_element_type3A = arith.extui %ge3A_185 : vector<16xi1> to vector<16xi32>
      %mul3A_186 = arith.constant 1000012 : i32
      %mul3A_187 = vector.broadcast %mul3A_186 : i32 to vector<16xi32>
      %mul3A_188 = arith.muli %convert_element_type3A, %mul3A_187 : vector<16xi32>
      %sub3A = arith.subi %add3A_183, %mul3A_188 : vector<16xi32>
      %add3A_189 = arith.constant 16 : i32
      %add3A_190 = arith.addi %mul3A_175, %add3A_189 : i32
      %add3A_191 = arith.constant 8320 : i32
      %add3A_192 = arith.addi %add3A_191, %add3A_190 : i32
      %get3A_193 = arith.index_cast %add3A_192 : i32 to index
      %get3A_194 = tpu.vector_load %arg6[%get3A_193] {strides = array<i32>} : memref<13312xi32, #tpu.memory_space<vmem>>, vector<16xi32>,
      %add3A_195 = arith.addi %get3A_194, %sub3A : vector<16xi32>
      %swap3A_196 = arith.index_cast %add3A_190 : i32 to index
      %swap3A_197 = tpu.vector_load %arg8[%swap3A_196] {strides = array<i32>} : memref<1664xi32, #tpu.memory_space<vmem>>, vector<16xi32>,
      tpu.vector_store %arg8[%swap3A_196], %add3A_195 {strides = array<i32>} : memref<1664xi32, #tpu.memory_space<vmem>>, vector<16xi32>,
      %add3A_198 = arith.constant 615392 : i32
      %add3A_199 = vector.broadcast %add3A_198 : i32 to vector<16xi32>
      %add3A_200 = arith.addi %sub3A, %add3A_199 : vector<16xi32>
      %ge3A_201 = arith.constant 1000012 : i32
      %ge3A_202 = vector.broadcast %ge3A_201 : i32 to vector<16xi32>
      %ge3A_203 = arith.cmpi sge, %add3A_200, %ge3A_202 : vector<16xi32>
      %convert_element_type3A_204 = arith.extui %ge3A_203 : vector<16xi1> to vector<16xi32>
      %mul3A_205 = arith.constant 1000012 : i32
      %mul3A_206 = vector.broadcast %mul3A_205 : i32 to vector<16xi32>
      %mul3A_207 = arith.muli %convert_element_type3A_204, %mul3A_206 : vector<16xi32>
      %sub3A_208 = arith.subi %add3A_200, %mul3A_207 : vector<16xi32>
      scf.yield %sub3A_208 : vector<16xi32>
    }
    %scan3A_105 = arith.constant 52 : i32
    %dma_start3A_106 = arith.constant 0 : i32
    %dma_start3A_107 = tpu.memref_slice %arg3[%dma_start3A_106] : memref<1000012xf32, #tpu.memory_space<hbm>> -> memref<1000012xf32, #tpu.memory_space<hbm>>
    tpu.enqueue_indirect_dma source(%dma_start3A_107 : memref<1000012xf32, #tpu.memory_space<hbm>>) target(%arg10 : memref<1664xf32, #tpu.memory_space<vmem>>) offsets(%arg8 : memref<1664xi32, #tpu.memory_space<vmem>>) semaphore(%arg14 : memref<!tpu.dma_semaphore, #tpu.memory_space<semaphore_mem>>)
    %dma_wait3A_108 = arith.constant 0 : i32
    %dma_wait3A_109 = tpu.memref_slice %arg3[%dma_wait3A_108] : memref<1000012xf32, #tpu.memory_space<hbm>> -> memref<1000012xf32, #tpu.memory_space<hbm>>
    tpu.wait_indirect_dma semaphore(%arg13 : memref<!tpu.dma_semaphore, #tpu.memory_space<semaphore_mem>>) src(%dma_wait3A_109 : memref<1000012xf32, #tpu.memory_space<hbm>>) dst(%arg9 : memref<1664xf32, #tpu.memory_space<vmem>>)
    %scan3A_110 = arith.constant 0 : i32
    %scan3A_111 = arith.constant 0 : i32
    %scan3A_112 = arith.constant 4 : i32
    %scan3A_113 = arith.addi %scan3A_111, %scan3A_112 : i32
    %scan3A_114 = arith.constant 1 : i32
    %scan3A_115 = scf.for %scan3A_170 = %scan3A_111 to %scan3A_113 step %scan3A_114 iter_args(%scan3A_171 = %scan3A_110) -> (i32)  : i32 {
      %mul3A_172 = arith.constant 16 : i32
      %mul3A_173 = arith.muli %scan3A_170, %mul3A_172 : i32
      %iota3A_174 = tpu.iota {dimensions = array<i32: 0>} : vector<16xi32>
      %add3A_175 = vector.broadcast %mul3A_173 : i32 to vector<16xi32>
      %add3A_176 = arith.addi %add3A_175, %iota3A_174 : vector<16xi32>
      %mul3A_177 = arith.constant 26 : i32
      %mul3A_178 = vector.broadcast %mul3A_177 : i32 to vector<16xi32>
      %mul3A_179 = arith.muli %add3A_176, %mul3A_178 : vector<16xi32>
      %add3A_180 = arith.constant 0 : i32
      %add3A_181 = vector.broadcast %add3A_180 : i32 to vector<16xi32>
      %add3A_182 = arith.addi %mul3A_179, %add3A_181 : vector<16xi32>
      %gather3A_183 = tpu.vector_load_idx %arg9[%add3A_182] : memref<1664xf32, #tpu.memory_space<vmem>>[vector<16xi32>], vector<16xf32>,
      %add3A_184 = arith.addf %gather3A, %gather3A_183 : vector<16xf32>
      %add3A_185 = arith.constant 1 : i32
      %add3A_186 = vector.broadcast %add3A_185 : i32 to vector<16xi32>
      %add3A_187 = arith.addi %mul3A_179, %add3A_186 : vector<16xi32>
      %gather3A_188 = tpu.vector_load_idx %arg9[%add3A_187] : memref<1664xf32, #tpu.memory_space<vmem>>[vector<16xi32>], vector<16xf32>,
      %add3A_189 = arith.addf %add3A_184, %gather3A_188 : vector<16xf32>
      %add3A_190 = arith.constant 2 : i32
      %add3A_191 = vector.broadcast %add3A_190 : i32 to vector<16xi32>
      %add3A_192 = arith.addi %mul3A_179, %add3A_191 : vector<16xi32>
      %gather3A_193 = tpu.vector_load_idx %arg9[%add3A_192] : memref<1664xf32, #tpu.memory_space<vmem>>[vector<16xi32>], vector<16xf32>,
      %add3A_194 = arith.addf %add3A_189, %gather3A_193 : vector<16xf32>
      %add3A_195 = arith.constant 3 : i32
      %add3A_196 = vector.broadcast %add3A_195 : i32 to vector<16xi32>
      %add3A_197 = arith.addi %mul3A_179, %add3A_196 : vector<16xi32>
      %gather3A_198 = tpu.vector_load_idx %arg9[%add3A_197] : memref<1664xf32, #tpu.memory_space<vmem>>[vector<16xi32>], vector<16xf32>,
      %add3A_199 = arith.addf %add3A_194, %gather3A_198 : vector<16xf32>
      %add3A_200 = arith.constant 4 : i32
      %add3A_201 = vector.broadcast %add3A_200 : i32 to vector<16xi32>
      %add3A_202 = arith.addi %mul3A_179, %add3A_201 : vector<16xi32>
      %gather3A_203 = tpu.vector_load_idx %arg9[%add3A_202] : memref<1664xf32, #tpu.memory_space<vmem>>[vector<16xi32>], vector<16xf32>,
      %add3A_204 = arith.addf %add3A_199, %gather3A_203 : vector<16xf32>
      %add3A_205 = arith.constant 5 : i32
      %add3A_206 = vector.broadcast %add3A_205 : i32 to vector<16xi32>
      %add3A_207 = arith.addi %mul3A_179, %add3A_206 : vector<16xi32>
      %gather3A_208 = tpu.vector_load_idx %arg9[%add3A_207] : memref<1664xf32, #tpu.memory_space<vmem>>[vector<16xi32>], vector<16xf32>,
      %add3A_209 = arith.addf %add3A_204, %gather3A_208 : vector<16xf32>
      %add3A_210 = arith.constant 6 : i32
      %add3A_211 = vector.broadcast %add3A_210 : i32 to vector<16xi32>
      %add3A_212 = arith.addi %mul3A_179, %add3A_211 : vector<16xi32>
      %gather3A_213 = tpu.vector_load_idx %arg9[%add3A_212] : memref<1664xf32, #tpu.memory_space<vmem>>[vector<16xi32>], vector<16xf32>,
      %add3A_214 = arith.addf %add3A_209, %gather3A_213 : vector<16xf32>
      %add3A_215 = arith.constant 7 : i32
      %add3A_216 = vector.broadcast %add3A_215 : i32 to vector<16xi32>
      %add3A_217 = arith.addi %mul3A_179, %add3A_216 : vector<16xi32>
      %gather3A_218 = tpu.vector_load_idx %arg9[%add3A_217] : memref<1664xf32, #tpu.memory_space<vmem>>[vector<16xi32>], vector<16xf32>,
      %add3A_219 = arith.addf %add3A_214, %gather3A_218 : vector<16xf32>
      %add3A_220 = arith.constant 8 : i32
      %add3A_221 = vector.broadcast %add3A_220 : i32 to vector<16xi32>
      %add3A_222 = arith.addi %mul3A_179, %add3A_221 : vector<16xi32>
      %gather3A_223 = tpu.vector_load_idx %arg9[%add3A_222] : memref<1664xf32, #tpu.memory_space<vmem>>[vector<16xi32>], vector<16xf32>,
      %add3A_224 = arith.addf %add3A_219, %gather3A_223 : vector<16xf32>
      %add3A_225 = arith.constant 9 : i32
      %add3A_226 = vector.broadcast %add3A_225 : i32 to vector<16xi32>
      %add3A_227 = arith.addi %mul3A_179, %add3A_226 : vector<16xi32>
      %gather3A_228 = tpu.vector_load_idx %arg9[%add3A_227] : memref<1664xf32, #tpu.memory_space<vmem>>[vector<16xi32>], vector<16xf32>,
      %add3A_229 = arith.addf %add3A_224, %gather3A_228 : vector<16xf32>
      %add3A_230 = arith.constant 10 : i32
      %add3A_231 = vector.broadcast %add3A_230 : i32 to vector<16xi32>
      %add3A_232 = arith.addi %mul3A_179, %add3A_231 : vector<16xi32>
      %gather3A_233 = tpu.vector_load_idx %arg9[%add3A_232] : memref<1664xf32, #tpu.memory_space<vmem>>[vector<16xi32>], vector<16xf32>,
      %add3A_234 = arith.addf %add3A_229, %gather3A_233 : vector<16xf32>
      %add3A_235 = arith.constant 11 : i32
      %add3A_236 = vector.broadcast %add3A_235 : i32 to vector<16xi32>
      %add3A_237 = arith.addi %mul3A_179, %add3A_236 : vector<16xi32>
      %gather3A_238 = tpu.vector_load_idx %arg9[%add3A_237] : memref<1664xf32, #tpu.memory_space<vmem>>[vector<16xi32>], vector<16xf32>,
      %add3A_239 = arith.addf %add3A_234, %gather3A_238 : vector<16xf32>
      %add3A_240 = arith.constant 12 : i32
      %add3A_241 = vector.broadcast %add3A_240 : i32 to vector<16xi32>
      %add3A_242 = arith.addi %mul3A_179, %add3A_241 : vector<16xi32>
      %gather3A_243 = tpu.vector_load_idx %arg9[%add3A_242] : memref<1664xf32, #tpu.memory_space<vmem>>[vector<16xi32>], vector<16xf32>,
      %add3A_244 = arith.addf %add3A_239, %gather3A_243 : vector<16xf32>
      %add3A_245 = arith.constant 13 : i32
      %add3A_246 = vector.broadcast %add3A_245 : i32 to vector<16xi32>
      %add3A_247 = arith.addi %mul3A_179, %add3A_246 : vector<16xi32>
      %gather3A_248 = tpu.vector_load_idx %arg9[%add3A_247] : memref<1664xf32, #tpu.memory_space<vmem>>[vector<16xi32>], vector<16xf32>,
      %add3A_249 = arith.addf %add3A_244, %gather3A_248 : vector<16xf32>
      %add3A_250 = arith.constant 14 : i32
      %add3A_251 = vector.broadcast %add3A_250 : i32 to vector<16xi32>
      %add3A_252 = arith.addi %mul3A_179, %add3A_251 : vector<16xi32>
      %gather3A_253 = tpu.vector_load_idx %arg9[%add3A_252] : memref<1664xf32, #tpu.memory_space<vmem>>[vector<16xi32>], vector<16xf32>,
      %add3A_254 = arith.addf %add3A_249, %gather3A_253 : vector<16xf32>
      %add3A_255 = arith.constant 15 : i32
      %add3A_256 = vector.broadcast %add3A_255 : i32 to vector<16xi32>
      %add3A_257 = arith.addi %mul3A_179, %add3A_256 : vector<16xi32>
      %gather3A_258 = tpu.vector_load_idx %arg9[%add3A_257] : memref<1664xf32, #tpu.memory_space<vmem>>[vector<16xi32>], vector<16xf32>,
      %add3A_259 = arith.addf %add3A_254, %gather3A_258 : vector<16xf32>
      %add3A_260 = arith.constant 16 : i32
      %add3A_261 = vector.broadcast %add3A_260 : i32 to vector<16xi32>
      %add3A_262 = arith.addi %mul3A_179, %add3A_261 : vector<16xi32>
      %gather3A_263 = tpu.vector_load_idx %arg9[%add3A_262] : memref<1664xf32, #tpu.memory_space<vmem>>[vector<16xi32>], vector<16xf32>,
      %add3A_264 = arith.addf %add3A_259, %gather3A_263 : vector<16xf32>
      %add3A_265 = arith.constant 17 : i32
      %add3A_266 = vector.broadcast %add3A_265 : i32 to vector<16xi32>
      %add3A_267 = arith.addi %mul3A_179, %add3A_266 : vector<16xi32>
      %gather3A_268 = tpu.vector_load_idx %arg9[%add3A_267] : memref<1664xf32, #tpu.memory_space<vmem>>[vector<16xi32>], vector<16xf32>,
      %add3A_269 = arith.addf %add3A_264, %gather3A_268 : vector<16xf32>
      %add3A_270 = arith.constant 18 : i32
      %add3A_271 = vector.broadcast %add3A_270 : i32 to vector<16xi32>
      %add3A_272 = arith.addi %mul3A_179, %add3A_271 : vector<16xi32>
      %gather3A_273 = tpu.vector_load_idx %arg9[%add3A_272] : memref<1664xf32, #tpu.memory_space<vmem>>[vector<16xi32>], vector<16xf32>,
      %add3A_274 = arith.addf %add3A_269, %gather3A_273 : vector<16xf32>
      %add3A_275 = arith.constant 19 : i32
      %add3A_276 = vector.broadcast %add3A_275 : i32 to vector<16xi32>
      %add3A_277 = arith.addi %mul3A_179, %add3A_276 : vector<16xi32>
      %gather3A_278 = tpu.vector_load_idx %arg9[%add3A_277] : memref<1664xf32, #tpu.memory_space<vmem>>[vector<16xi32>], vector<16xf32>,
      %add3A_279 = arith.addf %add3A_274, %gather3A_278 : vector<16xf32>
      %add3A_280 = arith.constant 20 : i32
      %add3A_281 = vector.broadcast %add3A_280 : i32 to vector<16xi32>
      %add3A_282 = arith.addi %mul3A_179, %add3A_281 : vector<16xi32>
      %gather3A_283 = tpu.vector_load_idx %arg9[%add3A_282] : memref<1664xf32, #tpu.memory_space<vmem>>[vector<16xi32>], vector<16xf32>,
      %add3A_284 = arith.addf %add3A_279, %gather3A_283 : vector<16xf32>
      %add3A_285 = arith.constant 21 : i32
      %add3A_286 = vector.broadcast %add3A_285 : i32 to vector<16xi32>
      %add3A_287 = arith.addi %mul3A_179, %add3A_286 : vector<16xi32>
      %gather3A_288 = tpu.vector_load_idx %arg9[%add3A_287] : memref<1664xf32, #tpu.memory_space<vmem>>[vector<16xi32>], vector<16xf32>,
      %add3A_289 = arith.addf %add3A_284, %gather3A_288 : vector<16xf32>
      %add3A_290 = arith.constant 22 : i32
      %add3A_291 = vector.broadcast %add3A_290 : i32 to vector<16xi32>
      %add3A_292 = arith.addi %mul3A_179, %add3A_291 : vector<16xi32>
      %gather3A_293 = tpu.vector_load_idx %arg9[%add3A_292] : memref<1664xf32, #tpu.memory_space<vmem>>[vector<16xi32>], vector<16xf32>,
      %add3A_294 = arith.addf %add3A_289, %gather3A_293 : vector<16xf32>
      %add3A_295 = arith.constant 23 : i32
      %add3A_296 = vector.broadcast %add3A_295 : i32 to vector<16xi32>
      %add3A_297 = arith.addi %mul3A_179, %add3A_296 : vector<16xi32>
      %gather3A_298 = tpu.vector_load_idx %arg9[%add3A_297] : memref<1664xf32, #tpu.memory_space<vmem>>[vector<16xi32>], vector<16xf32>,
      %add3A_299 = arith.addf %add3A_294, %gather3A_298 : vector<16xf32>
      %add3A_300 = arith.constant 24 : i32
      %add3A_301 = vector.broadcast %add3A_300 : i32 to vector<16xi32>
      %add3A_302 = arith.addi %mul3A_179, %add3A_301 : vector<16xi32>
      %gather3A_303 = tpu.vector_load_idx %arg9[%add3A_302] : memref<1664xf32, #tpu.memory_space<vmem>>[vector<16xi32>], vector<16xf32>,
      %add3A_304 = arith.addf %add3A_299, %gather3A_303 : vector<16xf32>
      %add3A_305 = arith.constant 25 : i32
      %add3A_306 = vector.broadcast %add3A_305 : i32 to vector<16xi32>
      %add3A_307 = arith.addi %mul3A_179, %add3A_306 : vector<16xi32>
      %gather3A_308 = tpu.vector_load_idx %arg9[%add3A_307] : memref<1664xf32, #tpu.memory_space<vmem>>[vector<16xi32>], vector<16xf32>,
      %add3A_309 = arith.addf %add3A_304, %gather3A_308 : vector<16xf32>
      %mul3A_310 = arith.constant 16 : i32
      %mul3A_311 = arith.muli %scan3A_170, %mul3A_310 : i32
      %add3A_312 = arith.constant 256 : i32
      %add3A_313 = arith.addi %add3A_312, %mul3A_311 : i32
      %swap3A = arith.index_cast %add3A_313 : i32 to index
      %swap3A_314 = tpu.vector_load %arg11[%swap3A] {strides = array<i32>} : memref<512xf32, #tpu.memory_space<vmem>>, vector<16xf32>,
      tpu.vector_store %arg11[%swap3A], %add3A_309 {strides = array<i32>} : memref<512xf32, #tpu.memory_space<vmem>>, vector<16xf32>,
      %scan3A_315 = arith.constant 0 : i32
      scf.yield %scan3A_315 : i32
    }
    %scan3A_116 = arith.constant 4 : i32
    %iota3A_117 = tpu.iota {dimensions = array<i32: 0>} : vector<16xi32>
    %mul3A_118 = arith.constant 38462 : i32
    %mul3A_119 = vector.broadcast %mul3A_118 : i32 to vector<16xi32>
    %mul3A_120 = arith.muli %iota3A_117, %mul3A_119 : vector<16xi32>
    %scan3A_121 = arith.constant 0 : i32
    %scan3A_122 = arith.constant 52 : i32
    %scan3A_123 = arith.addi %scan3A_121, %scan3A_122 : i32
    %scan3A_124 = arith.constant 1 : i32
    %scan3A_125 = scf.for %scan3A_170 = %scan3A_121 to %scan3A_123 step %scan3A_124 iter_args(%scan3A_171 = %mul3A_120) -> (vector<16xi32>)  : i32 {
      %mul3A_172 = arith.constant 2 : i32
      %mul3A_173 = arith.muli %scan3A_170, %mul3A_172 : i32
      %mul3A_174 = arith.constant 16 : i32
      %mul3A_175 = arith.muli %mul3A_173, %mul3A_174 : i32
      %add3A_176 = arith.constant 9984 : i32
      %add3A_177 = arith.addi %add3A_176, %mul3A_175 : i32
      %get3A = arith.index_cast %add3A_177 : i32 to index
      %get3A_178 = tpu.vector_load %arg6[%get3A] {strides = array<i32>} : memref<13312xi32, #tpu.memory_space<vmem>>, vector<16xi32>,
      %add3A_179 = arith.addi %get3A_178, %scan3A_171 : vector<16xi32>
      %swap3A = arith.index_cast %mul3A_175 : i32 to index
      %swap3A_180 = tpu.vector_load %arg7[%swap3A] {strides = array<i32>} : memref<1664xi32, #tpu.memory_space<vmem>>, vector<16xi32>,
      tpu.vector_store %arg7[%swap3A], %add3A_179 {strides = array<i32>} : memref<1664xi32, #tpu.memory_space<vmem>>, vector<16xi32>,
      %add3A_181 = arith.constant 615392 : i32
      %add3A_182 = vector.broadcast %add3A_181 : i32 to vector<16xi32>
      %add3A_183 = arith.addi %scan3A_171, %add3A_182 : vector<16xi32>
      %ge3A = arith.constant 1000012 : i32
      %ge3A_184 = vector.broadcast %ge3A : i32 to vector<16xi32>
      %ge3A_185 = arith.cmpi sge, %add3A_183, %ge3A_184 : vector<16xi32>
      %convert_element_type3A = arith.extui %ge3A_185 : vector<16xi1> to vector<16xi32>
      %mul3A_186 = arith.constant 1000012 : i32
      %mul3A_187 = vector.broadcast %mul3A_186 : i32 to vector<16xi32>
      %mul3A_188 = arith.muli %convert_element_type3A, %mul3A_187 : vector<16xi32>
      %sub3A = arith.subi %add3A_183, %mul3A_188 : vector<16xi32>
      %add3A_189 = arith.constant 16 : i32
      %add3A_190 = arith.addi %mul3A_175, %add3A_189 : i32
      %add3A_191 = arith.constant 9984 : i32
      %add3A_192 = arith.addi %add3A_191, %add3A_190 : i32
      %get3A_193 = arith.index_cast %add3A_192 : i32 to index
      %get3A_194 = tpu.vector_load %arg6[%get3A_193] {strides = array<i32>} : memref<13312xi32, #tpu.memory_space<vmem>>, vector<16xi32>,
      %add3A_195 = arith.addi %get3A_194, %sub3A : vector<16xi32>
      %swap3A_196 = arith.index_cast %add3A_190 : i32 to index
      %swap3A_197 = tpu.vector_load %arg7[%swap3A_196] {strides = array<i32>} : memref<1664xi32, #tpu.memory_space<vmem>>, vector<16xi32>,
      tpu.vector_store %arg7[%swap3A_196], %add3A_195 {strides = array<i32>} : memref<1664xi32, #tpu.memory_space<vmem>>, vector<16xi32>,
      %add3A_198 = arith.constant 615392 : i32
      %add3A_199 = vector.broadcast %add3A_198 : i32 to vector<16xi32>
      %add3A_200 = arith.addi %sub3A, %add3A_199 : vector<16xi32>
      %ge3A_201 = arith.constant 1000012 : i32
      %ge3A_202 = vector.broadcast %ge3A_201 : i32 to vector<16xi32>
      %ge3A_203 = arith.cmpi sge, %add3A_200, %ge3A_202 : vector<16xi32>
      %convert_element_type3A_204 = arith.extui %ge3A_203 : vector<16xi1> to vector<16xi32>
      %mul3A_205 = arith.constant 1000012 : i32
      %mul3A_206 = vector.broadcast %mul3A_205 : i32 to vector<16xi32>
      %mul3A_207 = arith.muli %convert_element_type3A_204, %mul3A_206 : vector<16xi32>
      %sub3A_208 = arith.subi %add3A_200, %mul3A_207 : vector<16xi32>
      scf.yield %sub3A_208 : vector<16xi32>
    }
    %scan3A_126 = arith.constant 52 : i32
    %dma_start3A_127 = arith.constant 0 : i32
    %dma_start3A_128 = tpu.memref_slice %arg3[%dma_start3A_127] : memref<1000012xf32, #tpu.memory_space<hbm>> -> memref<1000012xf32, #tpu.memory_space<hbm>>
    tpu.enqueue_indirect_dma source(%dma_start3A_128 : memref<1000012xf32, #tpu.memory_space<hbm>>) target(%arg9 : memref<1664xf32, #tpu.memory_space<vmem>>) offsets(%arg7 : memref<1664xi32, #tpu.memory_space<vmem>>) semaphore(%arg13 : memref<!tpu.dma_semaphore, #tpu.memory_space<semaphore_mem>>)
    %dma_wait3A_129 = arith.constant 0 : i32
    %dma_wait3A_130 = tpu.memref_slice %arg3[%dma_wait3A_129] : memref<1000012xf32, #tpu.memory_space<hbm>> -> memref<1000012xf32, #tpu.memory_space<hbm>>
    tpu.wait_indirect_dma semaphore(%arg14 : memref<!tpu.dma_semaphore, #tpu.memory_space<semaphore_mem>>) src(%dma_wait3A_130 : memref<1000012xf32, #tpu.memory_space<hbm>>) dst(%arg10 : memref<1664xf32, #tpu.memory_space<vmem>>)
    %scan3A_131 = arith.constant 0 : i32
    %scan3A_132 = arith.constant 0 : i32
    %scan3A_133 = arith.constant 4 : i32
    %scan3A_134 = arith.addi %scan3A_132, %scan3A_133 : i32
    %scan3A_135 = arith.constant 1 : i32
    %scan3A_136 = scf.for %scan3A_170 = %scan3A_132 to %scan3A_134 step %scan3A_135 iter_args(%scan3A_171 = %scan3A_131) -> (i32)  : i32 {
      %mul3A_172 = arith.constant 16 : i32
      %mul3A_173 = arith.muli %scan3A_170, %mul3A_172 : i32
      %iota3A_174 = tpu.iota {dimensions = array<i32: 0>} : vector<16xi32>
      %add3A_175 = vector.broadcast %mul3A_173 : i32 to vector<16xi32>
      %add3A_176 = arith.addi %add3A_175, %iota3A_174 : vector<16xi32>
      %mul3A_177 = arith.constant 26 : i32
      %mul3A_178 = vector.broadcast %mul3A_177 : i32 to vector<16xi32>
      %mul3A_179 = arith.muli %add3A_176, %mul3A_178 : vector<16xi32>
      %add3A_180 = arith.constant 0 : i32
      %add3A_181 = vector.broadcast %add3A_180 : i32 to vector<16xi32>
      %add3A_182 = arith.addi %mul3A_179, %add3A_181 : vector<16xi32>
      %gather3A_183 = tpu.vector_load_idx %arg10[%add3A_182] : memref<1664xf32, #tpu.memory_space<vmem>>[vector<16xi32>], vector<16xf32>,
      %add3A_184 = arith.addf %gather3A, %gather3A_183 : vector<16xf32>
      %add3A_185 = arith.constant 1 : i32
      %add3A_186 = vector.broadcast %add3A_185 : i32 to vector<16xi32>
      %add3A_187 = arith.addi %mul3A_179, %add3A_186 : vector<16xi32>
      %gather3A_188 = tpu.vector_load_idx %arg10[%add3A_187] : memref<1664xf32, #tpu.memory_space<vmem>>[vector<16xi32>], vector<16xf32>,
      %add3A_189 = arith.addf %add3A_184, %gather3A_188 : vector<16xf32>
      %add3A_190 = arith.constant 2 : i32
      %add3A_191 = vector.broadcast %add3A_190 : i32 to vector<16xi32>
      %add3A_192 = arith.addi %mul3A_179, %add3A_191 : vector<16xi32>
      %gather3A_193 = tpu.vector_load_idx %arg10[%add3A_192] : memref<1664xf32, #tpu.memory_space<vmem>>[vector<16xi32>], vector<16xf32>,
      %add3A_194 = arith.addf %add3A_189, %gather3A_193 : vector<16xf32>
      %add3A_195 = arith.constant 3 : i32
      %add3A_196 = vector.broadcast %add3A_195 : i32 to vector<16xi32>
      %add3A_197 = arith.addi %mul3A_179, %add3A_196 : vector<16xi32>
      %gather3A_198 = tpu.vector_load_idx %arg10[%add3A_197] : memref<1664xf32, #tpu.memory_space<vmem>>[vector<16xi32>], vector<16xf32>,
      %add3A_199 = arith.addf %add3A_194, %gather3A_198 : vector<16xf32>
      %add3A_200 = arith.constant 4 : i32
      %add3A_201 = vector.broadcast %add3A_200 : i32 to vector<16xi32>
      %add3A_202 = arith.addi %mul3A_179, %add3A_201 : vector<16xi32>
      %gather3A_203 = tpu.vector_load_idx %arg10[%add3A_202] : memref<1664xf32, #tpu.memory_space<vmem>>[vector<16xi32>], vector<16xf32>,
      %add3A_204 = arith.addf %add3A_199, %gather3A_203 : vector<16xf32>
      %add3A_205 = arith.constant 5 : i32
      %add3A_206 = vector.broadcast %add3A_205 : i32 to vector<16xi32>
      %add3A_207 = arith.addi %mul3A_179, %add3A_206 : vector<16xi32>
      %gather3A_208 = tpu.vector_load_idx %arg10[%add3A_207] : memref<1664xf32, #tpu.memory_space<vmem>>[vector<16xi32>], vector<16xf32>,
      %add3A_209 = arith.addf %add3A_204, %gather3A_208 : vector<16xf32>
      %add3A_210 = arith.constant 6 : i32
      %add3A_211 = vector.broadcast %add3A_210 : i32 to vector<16xi32>
      %add3A_212 = arith.addi %mul3A_179, %add3A_211 : vector<16xi32>
      %gather3A_213 = tpu.vector_load_idx %arg10[%add3A_212] : memref<1664xf32, #tpu.memory_space<vmem>>[vector<16xi32>], vector<16xf32>,
      %add3A_214 = arith.addf %add3A_209, %gather3A_213 : vector<16xf32>
      %add3A_215 = arith.constant 7 : i32
      %add3A_216 = vector.broadcast %add3A_215 : i32 to vector<16xi32>
      %add3A_217 = arith.addi %mul3A_179, %add3A_216 : vector<16xi32>
      %gather3A_218 = tpu.vector_load_idx %arg10[%add3A_217] : memref<1664xf32, #tpu.memory_space<vmem>>[vector<16xi32>], vector<16xf32>,
      %add3A_219 = arith.addf %add3A_214, %gather3A_218 : vector<16xf32>
      %add3A_220 = arith.constant 8 : i32
      %add3A_221 = vector.broadcast %add3A_220 : i32 to vector<16xi32>
      %add3A_222 = arith.addi %mul3A_179, %add3A_221 : vector<16xi32>
      %gather3A_223 = tpu.vector_load_idx %arg10[%add3A_222] : memref<1664xf32, #tpu.memory_space<vmem>>[vector<16xi32>], vector<16xf32>,
      %add3A_224 = arith.addf %add3A_219, %gather3A_223 : vector<16xf32>
      %add3A_225 = arith.constant 9 : i32
      %add3A_226 = vector.broadcast %add3A_225 : i32 to vector<16xi32>
      %add3A_227 = arith.addi %mul3A_179, %add3A_226 : vector<16xi32>
      %gather3A_228 = tpu.vector_load_idx %arg10[%add3A_227] : memref<1664xf32, #tpu.memory_space<vmem>>[vector<16xi32>], vector<16xf32>,
      %add3A_229 = arith.addf %add3A_224, %gather3A_228 : vector<16xf32>
      %add3A_230 = arith.constant 10 : i32
      %add3A_231 = vector.broadcast %add3A_230 : i32 to vector<16xi32>
      %add3A_232 = arith.addi %mul3A_179, %add3A_231 : vector<16xi32>
      %gather3A_233 = tpu.vector_load_idx %arg10[%add3A_232] : memref<1664xf32, #tpu.memory_space<vmem>>[vector<16xi32>], vector<16xf32>,
      %add3A_234 = arith.addf %add3A_229, %gather3A_233 : vector<16xf32>
      %add3A_235 = arith.constant 11 : i32
      %add3A_236 = vector.broadcast %add3A_235 : i32 to vector<16xi32>
      %add3A_237 = arith.addi %mul3A_179, %add3A_236 : vector<16xi32>
      %gather3A_238 = tpu.vector_load_idx %arg10[%add3A_237] : memref<1664xf32, #tpu.memory_space<vmem>>[vector<16xi32>], vector<16xf32>,
      %add3A_239 = arith.addf %add3A_234, %gather3A_238 : vector<16xf32>
      %add3A_240 = arith.constant 12 : i32
      %add3A_241 = vector.broadcast %add3A_240 : i32 to vector<16xi32>
      %add3A_242 = arith.addi %mul3A_179, %add3A_241 : vector<16xi32>
      %gather3A_243 = tpu.vector_load_idx %arg10[%add3A_242] : memref<1664xf32, #tpu.memory_space<vmem>>[vector<16xi32>], vector<16xf32>,
      %add3A_244 = arith.addf %add3A_239, %gather3A_243 : vector<16xf32>
      %add3A_245 = arith.constant 13 : i32
      %add3A_246 = vector.broadcast %add3A_245 : i32 to vector<16xi32>
      %add3A_247 = arith.addi %mul3A_179, %add3A_246 : vector<16xi32>
      %gather3A_248 = tpu.vector_load_idx %arg10[%add3A_247] : memref<1664xf32, #tpu.memory_space<vmem>>[vector<16xi32>], vector<16xf32>,
      %add3A_249 = arith.addf %add3A_244, %gather3A_248 : vector<16xf32>
      %add3A_250 = arith.constant 14 : i32
      %add3A_251 = vector.broadcast %add3A_250 : i32 to vector<16xi32>
      %add3A_252 = arith.addi %mul3A_179, %add3A_251 : vector<16xi32>
      %gather3A_253 = tpu.vector_load_idx %arg10[%add3A_252] : memref<1664xf32, #tpu.memory_space<vmem>>[vector<16xi32>], vector<16xf32>,
      %add3A_254 = arith.addf %add3A_249, %gather3A_253 : vector<16xf32>
      %add3A_255 = arith.constant 15 : i32
      %add3A_256 = vector.broadcast %add3A_255 : i32 to vector<16xi32>
      %add3A_257 = arith.addi %mul3A_179, %add3A_256 : vector<16xi32>
      %gather3A_258 = tpu.vector_load_idx %arg10[%add3A_257] : memref<1664xf32, #tpu.memory_space<vmem>>[vector<16xi32>], vector<16xf32>,
      %add3A_259 = arith.addf %add3A_254, %gather3A_258 : vector<16xf32>
      %add3A_260 = arith.constant 16 : i32
      %add3A_261 = vector.broadcast %add3A_260 : i32 to vector<16xi32>
      %add3A_262 = arith.addi %mul3A_179, %add3A_261 : vector<16xi32>
      %gather3A_263 = tpu.vector_load_idx %arg10[%add3A_262] : memref<1664xf32, #tpu.memory_space<vmem>>[vector<16xi32>], vector<16xf32>,
      %add3A_264 = arith.addf %add3A_259, %gather3A_263 : vector<16xf32>
      %add3A_265 = arith.constant 17 : i32
      %add3A_266 = vector.broadcast %add3A_265 : i32 to vector<16xi32>
      %add3A_267 = arith.addi %mul3A_179, %add3A_266 : vector<16xi32>
      %gather3A_268 = tpu.vector_load_idx %arg10[%add3A_267] : memref<1664xf32, #tpu.memory_space<vmem>>[vector<16xi32>], vector<16xf32>,
      %add3A_269 = arith.addf %add3A_264, %gather3A_268 : vector<16xf32>
      %add3A_270 = arith.constant 18 : i32
      %add3A_271 = vector.broadcast %add3A_270 : i32 to vector<16xi32>
      %add3A_272 = arith.addi %mul3A_179, %add3A_271 : vector<16xi32>
      %gather3A_273 = tpu.vector_load_idx %arg10[%add3A_272] : memref<1664xf32, #tpu.memory_space<vmem>>[vector<16xi32>], vector<16xf32>,
      %add3A_274 = arith.addf %add3A_269, %gather3A_273 : vector<16xf32>
      %add3A_275 = arith.constant 19 : i32
      %add3A_276 = vector.broadcast %add3A_275 : i32 to vector<16xi32>
      %add3A_277 = arith.addi %mul3A_179, %add3A_276 : vector<16xi32>
      %gather3A_278 = tpu.vector_load_idx %arg10[%add3A_277] : memref<1664xf32, #tpu.memory_space<vmem>>[vector<16xi32>], vector<16xf32>,
      %add3A_279 = arith.addf %add3A_274, %gather3A_278 : vector<16xf32>
      %add3A_280 = arith.constant 20 : i32
      %add3A_281 = vector.broadcast %add3A_280 : i32 to vector<16xi32>
      %add3A_282 = arith.addi %mul3A_179, %add3A_281 : vector<16xi32>
      %gather3A_283 = tpu.vector_load_idx %arg10[%add3A_282] : memref<1664xf32, #tpu.memory_space<vmem>>[vector<16xi32>], vector<16xf32>,
      %add3A_284 = arith.addf %add3A_279, %gather3A_283 : vector<16xf32>
      %add3A_285 = arith.constant 21 : i32
      %add3A_286 = vector.broadcast %add3A_285 : i32 to vector<16xi32>
      %add3A_287 = arith.addi %mul3A_179, %add3A_286 : vector<16xi32>
      %gather3A_288 = tpu.vector_load_idx %arg10[%add3A_287] : memref<1664xf32, #tpu.memory_space<vmem>>[vector<16xi32>], vector<16xf32>,
      %add3A_289 = arith.addf %add3A_284, %gather3A_288 : vector<16xf32>
      %add3A_290 = arith.constant 22 : i32
      %add3A_291 = vector.broadcast %add3A_290 : i32 to vector<16xi32>
      %add3A_292 = arith.addi %mul3A_179, %add3A_291 : vector<16xi32>
      %gather3A_293 = tpu.vector_load_idx %arg10[%add3A_292] : memref<1664xf32, #tpu.memory_space<vmem>>[vector<16xi32>], vector<16xf32>,
      %add3A_294 = arith.addf %add3A_289, %gather3A_293 : vector<16xf32>
      %add3A_295 = arith.constant 23 : i32
      %add3A_296 = vector.broadcast %add3A_295 : i32 to vector<16xi32>
      %add3A_297 = arith.addi %mul3A_179, %add3A_296 : vector<16xi32>
      %gather3A_298 = tpu.vector_load_idx %arg10[%add3A_297] : memref<1664xf32, #tpu.memory_space<vmem>>[vector<16xi32>], vector<16xf32>,
      %add3A_299 = arith.addf %add3A_294, %gather3A_298 : vector<16xf32>
      %add3A_300 = arith.constant 24 : i32
      %add3A_301 = vector.broadcast %add3A_300 : i32 to vector<16xi32>
      %add3A_302 = arith.addi %mul3A_179, %add3A_301 : vector<16xi32>
      %gather3A_303 = tpu.vector_load_idx %arg10[%add3A_302] : memref<1664xf32, #tpu.memory_space<vmem>>[vector<16xi32>], vector<16xf32>,
      %add3A_304 = arith.addf %add3A_299, %gather3A_303 : vector<16xf32>
      %add3A_305 = arith.constant 25 : i32
      %add3A_306 = vector.broadcast %add3A_305 : i32 to vector<16xi32>
      %add3A_307 = arith.addi %mul3A_179, %add3A_306 : vector<16xi32>
      %gather3A_308 = tpu.vector_load_idx %arg10[%add3A_307] : memref<1664xf32, #tpu.memory_space<vmem>>[vector<16xi32>], vector<16xf32>,
      %add3A_309 = arith.addf %add3A_304, %gather3A_308 : vector<16xf32>
      %mul3A_310 = arith.constant 16 : i32
      %mul3A_311 = arith.muli %scan3A_170, %mul3A_310 : i32
      %add3A_312 = arith.constant 320 : i32
      %add3A_313 = arith.addi %add3A_312, %mul3A_311 : i32
      %swap3A = arith.index_cast %add3A_313 : i32 to index
      %swap3A_314 = tpu.vector_load %arg11[%swap3A] {strides = array<i32>} : memref<512xf32, #tpu.memory_space<vmem>>, vector<16xf32>,
      tpu.vector_store %arg11[%swap3A], %add3A_309 {strides = array<i32>} : memref<512xf32, #tpu.memory_space<vmem>>, vector<16xf32>,
      %scan3A_315 = arith.constant 0 : i32
      scf.yield %scan3A_315 : i32
    }
    %scan3A_137 = arith.constant 4 : i32
    %iota3A_138 = tpu.iota {dimensions = array<i32: 0>} : vector<16xi32>
    %mul3A_139 = arith.constant 38462 : i32
    %mul3A_140 = vector.broadcast %mul3A_139 : i32 to vector<16xi32>
    %mul3A_141 = arith.muli %iota3A_138, %mul3A_140 : vector<16xi32>
    %scan3A_142 = arith.constant 0 : i32
    %scan3A_143 = arith.constant 52 : i32
    %scan3A_144 = arith.addi %scan3A_142, %scan3A_143 : i32
    %scan3A_145 = arith.constant 1 : i32
    %scan3A_146 = scf.for %scan3A_170 = %scan3A_142 to %scan3A_144 step %scan3A_145 iter_args(%scan3A_171 = %mul3A_141) -> (vector<16xi32>)  : i32 {
      %mul3A_172 = arith.constant 2 : i32
      %mul3A_173 = arith.muli %scan3A_170, %mul3A_172 : i32
      %mul3A_174 = arith.constant 16 : i32
      %mul3A_175 = arith.muli %mul3A_173, %mul3A_174 : i32
      %add3A_176 = arith.constant 11648 : i32
      %add3A_177 = arith.addi %add3A_176, %mul3A_175 : i32
      %get3A = arith.index_cast %add3A_177 : i32 to index
      %get3A_178 = tpu.vector_load %arg6[%get3A] {strides = array<i32>} : memref<13312xi32, #tpu.memory_space<vmem>>, vector<16xi32>,
      %add3A_179 = arith.addi %get3A_178, %scan3A_171 : vector<16xi32>
      %swap3A = arith.index_cast %mul3A_175 : i32 to index
      %swap3A_180 = tpu.vector_load %arg8[%swap3A] {strides = array<i32>} : memref<1664xi32, #tpu.memory_space<vmem>>, vector<16xi32>,
      tpu.vector_store %arg8[%swap3A], %add3A_179 {strides = array<i32>} : memref<1664xi32, #tpu.memory_space<vmem>>, vector<16xi32>,
      %add3A_181 = arith.constant 615392 : i32
      %add3A_182 = vector.broadcast %add3A_181 : i32 to vector<16xi32>
      %add3A_183 = arith.addi %scan3A_171, %add3A_182 : vector<16xi32>
      %ge3A = arith.constant 1000012 : i32
      %ge3A_184 = vector.broadcast %ge3A : i32 to vector<16xi32>
      %ge3A_185 = arith.cmpi sge, %add3A_183, %ge3A_184 : vector<16xi32>
      %convert_element_type3A = arith.extui %ge3A_185 : vector<16xi1> to vector<16xi32>
      %mul3A_186 = arith.constant 1000012 : i32
      %mul3A_187 = vector.broadcast %mul3A_186 : i32 to vector<16xi32>
      %mul3A_188 = arith.muli %convert_element_type3A, %mul3A_187 : vector<16xi32>
      %sub3A = arith.subi %add3A_183, %mul3A_188 : vector<16xi32>
      %add3A_189 = arith.constant 16 : i32
      %add3A_190 = arith.addi %mul3A_175, %add3A_189 : i32
      %add3A_191 = arith.constant 11648 : i32
      %add3A_192 = arith.addi %add3A_191, %add3A_190 : i32
      %get3A_193 = arith.index_cast %add3A_192 : i32 to index
      %get3A_194 = tpu.vector_load %arg6[%get3A_193] {strides = array<i32>} : memref<13312xi32, #tpu.memory_space<vmem>>, vector<16xi32>,
      %add3A_195 = arith.addi %get3A_194, %sub3A : vector<16xi32>
      %swap3A_196 = arith.index_cast %add3A_190 : i32 to index
      %swap3A_197 = tpu.vector_load %arg8[%swap3A_196] {strides = array<i32>} : memref<1664xi32, #tpu.memory_space<vmem>>, vector<16xi32>,
      tpu.vector_store %arg8[%swap3A_196], %add3A_195 {strides = array<i32>} : memref<1664xi32, #tpu.memory_space<vmem>>, vector<16xi32>,
      %add3A_198 = arith.constant 615392 : i32
      %add3A_199 = vector.broadcast %add3A_198 : i32 to vector<16xi32>
      %add3A_200 = arith.addi %sub3A, %add3A_199 : vector<16xi32>
      %ge3A_201 = arith.constant 1000012 : i32
      %ge3A_202 = vector.broadcast %ge3A_201 : i32 to vector<16xi32>
      %ge3A_203 = arith.cmpi sge, %add3A_200, %ge3A_202 : vector<16xi32>
      %convert_element_type3A_204 = arith.extui %ge3A_203 : vector<16xi1> to vector<16xi32>
      %mul3A_205 = arith.constant 1000012 : i32
      %mul3A_206 = vector.broadcast %mul3A_205 : i32 to vector<16xi32>
      %mul3A_207 = arith.muli %convert_element_type3A_204, %mul3A_206 : vector<16xi32>
      %sub3A_208 = arith.subi %add3A_200, %mul3A_207 : vector<16xi32>
      scf.yield %sub3A_208 : vector<16xi32>
    }
    %scan3A_147 = arith.constant 52 : i32
    %dma_start3A_148 = arith.constant 0 : i32
    %dma_start3A_149 = tpu.memref_slice %arg3[%dma_start3A_148] : memref<1000012xf32, #tpu.memory_space<hbm>> -> memref<1000012xf32, #tpu.memory_space<hbm>>
    tpu.enqueue_indirect_dma source(%dma_start3A_149 : memref<1000012xf32, #tpu.memory_space<hbm>>) target(%arg10 : memref<1664xf32, #tpu.memory_space<vmem>>) offsets(%arg8 : memref<1664xi32, #tpu.memory_space<vmem>>) semaphore(%arg14 : memref<!tpu.dma_semaphore, #tpu.memory_space<semaphore_mem>>)
    %dma_wait3A_150 = arith.constant 0 : i32
    %dma_wait3A_151 = tpu.memref_slice %arg3[%dma_wait3A_150] : memref<1000012xf32, #tpu.memory_space<hbm>> -> memref<1000012xf32, #tpu.memory_space<hbm>>
    tpu.wait_indirect_dma semaphore(%arg13 : memref<!tpu.dma_semaphore, #tpu.memory_space<semaphore_mem>>) src(%dma_wait3A_151 : memref<1000012xf32, #tpu.memory_space<hbm>>) dst(%arg9 : memref<1664xf32, #tpu.memory_space<vmem>>)
    %scan3A_152 = arith.constant 0 : i32
    %scan3A_153 = arith.constant 0 : i32
    %scan3A_154 = arith.constant 4 : i32
    %scan3A_155 = arith.addi %scan3A_153, %scan3A_154 : i32
    %scan3A_156 = arith.constant 1 : i32
    %scan3A_157 = scf.for %scan3A_170 = %scan3A_153 to %scan3A_155 step %scan3A_156 iter_args(%scan3A_171 = %scan3A_152) -> (i32)  : i32 {
      %mul3A_172 = arith.constant 16 : i32
      %mul3A_173 = arith.muli %scan3A_170, %mul3A_172 : i32
      %iota3A_174 = tpu.iota {dimensions = array<i32: 0>} : vector<16xi32>
      %add3A_175 = vector.broadcast %mul3A_173 : i32 to vector<16xi32>
      %add3A_176 = arith.addi %add3A_175, %iota3A_174 : vector<16xi32>
      %mul3A_177 = arith.constant 26 : i32
      %mul3A_178 = vector.broadcast %mul3A_177 : i32 to vector<16xi32>
      %mul3A_179 = arith.muli %add3A_176, %mul3A_178 : vector<16xi32>
      %add3A_180 = arith.constant 0 : i32
      %add3A_181 = vector.broadcast %add3A_180 : i32 to vector<16xi32>
      %add3A_182 = arith.addi %mul3A_179, %add3A_181 : vector<16xi32>
      %gather3A_183 = tpu.vector_load_idx %arg9[%add3A_182] : memref<1664xf32, #tpu.memory_space<vmem>>[vector<16xi32>], vector<16xf32>,
      %add3A_184 = arith.addf %gather3A, %gather3A_183 : vector<16xf32>
      %add3A_185 = arith.constant 1 : i32
      %add3A_186 = vector.broadcast %add3A_185 : i32 to vector<16xi32>
      %add3A_187 = arith.addi %mul3A_179, %add3A_186 : vector<16xi32>
      %gather3A_188 = tpu.vector_load_idx %arg9[%add3A_187] : memref<1664xf32, #tpu.memory_space<vmem>>[vector<16xi32>], vector<16xf32>,
      %add3A_189 = arith.addf %add3A_184, %gather3A_188 : vector<16xf32>
      %add3A_190 = arith.constant 2 : i32
      %add3A_191 = vector.broadcast %add3A_190 : i32 to vector<16xi32>
      %add3A_192 = arith.addi %mul3A_179, %add3A_191 : vector<16xi32>
      %gather3A_193 = tpu.vector_load_idx %arg9[%add3A_192] : memref<1664xf32, #tpu.memory_space<vmem>>[vector<16xi32>], vector<16xf32>,
      %add3A_194 = arith.addf %add3A_189, %gather3A_193 : vector<16xf32>
      %add3A_195 = arith.constant 3 : i32
      %add3A_196 = vector.broadcast %add3A_195 : i32 to vector<16xi32>
      %add3A_197 = arith.addi %mul3A_179, %add3A_196 : vector<16xi32>
      %gather3A_198 = tpu.vector_load_idx %arg9[%add3A_197] : memref<1664xf32, #tpu.memory_space<vmem>>[vector<16xi32>], vector<16xf32>,
      %add3A_199 = arith.addf %add3A_194, %gather3A_198 : vector<16xf32>
      %add3A_200 = arith.constant 4 : i32
      %add3A_201 = vector.broadcast %add3A_200 : i32 to vector<16xi32>
      %add3A_202 = arith.addi %mul3A_179, %add3A_201 : vector<16xi32>
      %gather3A_203 = tpu.vector_load_idx %arg9[%add3A_202] : memref<1664xf32, #tpu.memory_space<vmem>>[vector<16xi32>], vector<16xf32>,
      %add3A_204 = arith.addf %add3A_199, %gather3A_203 : vector<16xf32>
      %add3A_205 = arith.constant 5 : i32
      %add3A_206 = vector.broadcast %add3A_205 : i32 to vector<16xi32>
      %add3A_207 = arith.addi %mul3A_179, %add3A_206 : vector<16xi32>
      %gather3A_208 = tpu.vector_load_idx %arg9[%add3A_207] : memref<1664xf32, #tpu.memory_space<vmem>>[vector<16xi32>], vector<16xf32>,
      %add3A_209 = arith.addf %add3A_204, %gather3A_208 : vector<16xf32>
      %add3A_210 = arith.constant 6 : i32
      %add3A_211 = vector.broadcast %add3A_210 : i32 to vector<16xi32>
      %add3A_212 = arith.addi %mul3A_179, %add3A_211 : vector<16xi32>
      %gather3A_213 = tpu.vector_load_idx %arg9[%add3A_212] : memref<1664xf32, #tpu.memory_space<vmem>>[vector<16xi32>], vector<16xf32>,
      %add3A_214 = arith.addf %add3A_209, %gather3A_213 : vector<16xf32>
      %add3A_215 = arith.constant 7 : i32
      %add3A_216 = vector.broadcast %add3A_215 : i32 to vector<16xi32>
      %add3A_217 = arith.addi %mul3A_179, %add3A_216 : vector<16xi32>
      %gather3A_218 = tpu.vector_load_idx %arg9[%add3A_217] : memref<1664xf32, #tpu.memory_space<vmem>>[vector<16xi32>], vector<16xf32>,
      %add3A_219 = arith.addf %add3A_214, %gather3A_218 : vector<16xf32>
      %add3A_220 = arith.constant 8 : i32
      %add3A_221 = vector.broadcast %add3A_220 : i32 to vector<16xi32>
      %add3A_222 = arith.addi %mul3A_179, %add3A_221 : vector<16xi32>
      %gather3A_223 = tpu.vector_load_idx %arg9[%add3A_222] : memref<1664xf32, #tpu.memory_space<vmem>>[vector<16xi32>], vector<16xf32>,
      %add3A_224 = arith.addf %add3A_219, %gather3A_223 : vector<16xf32>
      %add3A_225 = arith.constant 9 : i32
      %add3A_226 = vector.broadcast %add3A_225 : i32 to vector<16xi32>
      %add3A_227 = arith.addi %mul3A_179, %add3A_226 : vector<16xi32>
      %gather3A_228 = tpu.vector_load_idx %arg9[%add3A_227] : memref<1664xf32, #tpu.memory_space<vmem>>[vector<16xi32>], vector<16xf32>,
      %add3A_229 = arith.addf %add3A_224, %gather3A_228 : vector<16xf32>
      %add3A_230 = arith.constant 10 : i32
      %add3A_231 = vector.broadcast %add3A_230 : i32 to vector<16xi32>
      %add3A_232 = arith.addi %mul3A_179, %add3A_231 : vector<16xi32>
      %gather3A_233 = tpu.vector_load_idx %arg9[%add3A_232] : memref<1664xf32, #tpu.memory_space<vmem>>[vector<16xi32>], vector<16xf32>,
      %add3A_234 = arith.addf %add3A_229, %gather3A_233 : vector<16xf32>
      %add3A_235 = arith.constant 11 : i32
      %add3A_236 = vector.broadcast %add3A_235 : i32 to vector<16xi32>
      %add3A_237 = arith.addi %mul3A_179, %add3A_236 : vector<16xi32>
      %gather3A_238 = tpu.vector_load_idx %arg9[%add3A_237] : memref<1664xf32, #tpu.memory_space<vmem>>[vector<16xi32>], vector<16xf32>,
      %add3A_239 = arith.addf %add3A_234, %gather3A_238 : vector<16xf32>
      %add3A_240 = arith.constant 12 : i32
      %add3A_241 = vector.broadcast %add3A_240 : i32 to vector<16xi32>
      %add3A_242 = arith.addi %mul3A_179, %add3A_241 : vector<16xi32>
      %gather3A_243 = tpu.vector_load_idx %arg9[%add3A_242] : memref<1664xf32, #tpu.memory_space<vmem>>[vector<16xi32>], vector<16xf32>,
      %add3A_244 = arith.addf %add3A_239, %gather3A_243 : vector<16xf32>
      %add3A_245 = arith.constant 13 : i32
      %add3A_246 = vector.broadcast %add3A_245 : i32 to vector<16xi32>
      %add3A_247 = arith.addi %mul3A_179, %add3A_246 : vector<16xi32>
      %gather3A_248 = tpu.vector_load_idx %arg9[%add3A_247] : memref<1664xf32, #tpu.memory_space<vmem>>[vector<16xi32>], vector<16xf32>,
      %add3A_249 = arith.addf %add3A_244, %gather3A_248 : vector<16xf32>
      %add3A_250 = arith.constant 14 : i32
      %add3A_251 = vector.broadcast %add3A_250 : i32 to vector<16xi32>
      %add3A_252 = arith.addi %mul3A_179, %add3A_251 : vector<16xi32>
      %gather3A_253 = tpu.vector_load_idx %arg9[%add3A_252] : memref<1664xf32, #tpu.memory_space<vmem>>[vector<16xi32>], vector<16xf32>,
      %add3A_254 = arith.addf %add3A_249, %gather3A_253 : vector<16xf32>
      %add3A_255 = arith.constant 15 : i32
      %add3A_256 = vector.broadcast %add3A_255 : i32 to vector<16xi32>
      %add3A_257 = arith.addi %mul3A_179, %add3A_256 : vector<16xi32>
      %gather3A_258 = tpu.vector_load_idx %arg9[%add3A_257] : memref<1664xf32, #tpu.memory_space<vmem>>[vector<16xi32>], vector<16xf32>,
      %add3A_259 = arith.addf %add3A_254, %gather3A_258 : vector<16xf32>
      %add3A_260 = arith.constant 16 : i32
      %add3A_261 = vector.broadcast %add3A_260 : i32 to vector<16xi32>
      %add3A_262 = arith.addi %mul3A_179, %add3A_261 : vector<16xi32>
      %gather3A_263 = tpu.vector_load_idx %arg9[%add3A_262] : memref<1664xf32, #tpu.memory_space<vmem>>[vector<16xi32>], vector<16xf32>,
      %add3A_264 = arith.addf %add3A_259, %gather3A_263 : vector<16xf32>
      %add3A_265 = arith.constant 17 : i32
      %add3A_266 = vector.broadcast %add3A_265 : i32 to vector<16xi32>
      %add3A_267 = arith.addi %mul3A_179, %add3A_266 : vector<16xi32>
      %gather3A_268 = tpu.vector_load_idx %arg9[%add3A_267] : memref<1664xf32, #tpu.memory_space<vmem>>[vector<16xi32>], vector<16xf32>,
      %add3A_269 = arith.addf %add3A_264, %gather3A_268 : vector<16xf32>
      %add3A_270 = arith.constant 18 : i32
      %add3A_271 = vector.broadcast %add3A_270 : i32 to vector<16xi32>
      %add3A_272 = arith.addi %mul3A_179, %add3A_271 : vector<16xi32>
      %gather3A_273 = tpu.vector_load_idx %arg9[%add3A_272] : memref<1664xf32, #tpu.memory_space<vmem>>[vector<16xi32>], vector<16xf32>,
      %add3A_274 = arith.addf %add3A_269, %gather3A_273 : vector<16xf32>
      %add3A_275 = arith.constant 19 : i32
      %add3A_276 = vector.broadcast %add3A_275 : i32 to vector<16xi32>
      %add3A_277 = arith.addi %mul3A_179, %add3A_276 : vector<16xi32>
      %gather3A_278 = tpu.vector_load_idx %arg9[%add3A_277] : memref<1664xf32, #tpu.memory_space<vmem>>[vector<16xi32>], vector<16xf32>,
      %add3A_279 = arith.addf %add3A_274, %gather3A_278 : vector<16xf32>
      %add3A_280 = arith.constant 20 : i32
      %add3A_281 = vector.broadcast %add3A_280 : i32 to vector<16xi32>
      %add3A_282 = arith.addi %mul3A_179, %add3A_281 : vector<16xi32>
      %gather3A_283 = tpu.vector_load_idx %arg9[%add3A_282] : memref<1664xf32, #tpu.memory_space<vmem>>[vector<16xi32>], vector<16xf32>,
      %add3A_284 = arith.addf %add3A_279, %gather3A_283 : vector<16xf32>
      %add3A_285 = arith.constant 21 : i32
      %add3A_286 = vector.broadcast %add3A_285 : i32 to vector<16xi32>
      %add3A_287 = arith.addi %mul3A_179, %add3A_286 : vector<16xi32>
      %gather3A_288 = tpu.vector_load_idx %arg9[%add3A_287] : memref<1664xf32, #tpu.memory_space<vmem>>[vector<16xi32>], vector<16xf32>,
      %add3A_289 = arith.addf %add3A_284, %gather3A_288 : vector<16xf32>
      %add3A_290 = arith.constant 22 : i32
      %add3A_291 = vector.broadcast %add3A_290 : i32 to vector<16xi32>
      %add3A_292 = arith.addi %mul3A_179, %add3A_291 : vector<16xi32>
      %gather3A_293 = tpu.vector_load_idx %arg9[%add3A_292] : memref<1664xf32, #tpu.memory_space<vmem>>[vector<16xi32>], vector<16xf32>,
      %add3A_294 = arith.addf %add3A_289, %gather3A_293 : vector<16xf32>
      %add3A_295 = arith.constant 23 : i32
      %add3A_296 = vector.broadcast %add3A_295 : i32 to vector<16xi32>
      %add3A_297 = arith.addi %mul3A_179, %add3A_296 : vector<16xi32>
      %gather3A_298 = tpu.vector_load_idx %arg9[%add3A_297] : memref<1664xf32, #tpu.memory_space<vmem>>[vector<16xi32>], vector<16xf32>,
      %add3A_299 = arith.addf %add3A_294, %gather3A_298 : vector<16xf32>
      %add3A_300 = arith.constant 24 : i32
      %add3A_301 = vector.broadcast %add3A_300 : i32 to vector<16xi32>
      %add3A_302 = arith.addi %mul3A_179, %add3A_301 : vector<16xi32>
      %gather3A_303 = tpu.vector_load_idx %arg9[%add3A_302] : memref<1664xf32, #tpu.memory_space<vmem>>[vector<16xi32>], vector<16xf32>,
      %add3A_304 = arith.addf %add3A_299, %gather3A_303 : vector<16xf32>
      %add3A_305 = arith.constant 25 : i32
      %add3A_306 = vector.broadcast %add3A_305 : i32 to vector<16xi32>
      %add3A_307 = arith.addi %mul3A_179, %add3A_306 : vector<16xi32>
      %gather3A_308 = tpu.vector_load_idx %arg9[%add3A_307] : memref<1664xf32, #tpu.memory_space<vmem>>[vector<16xi32>], vector<16xf32>,
      %add3A_309 = arith.addf %add3A_304, %gather3A_308 : vector<16xf32>
      %mul3A_310 = arith.constant 16 : i32
      %mul3A_311 = arith.muli %scan3A_170, %mul3A_310 : i32
      %add3A_312 = arith.constant 384 : i32
      %add3A_313 = arith.addi %add3A_312, %mul3A_311 : i32
      %swap3A = arith.index_cast %add3A_313 : i32 to index
      %swap3A_314 = tpu.vector_load %arg11[%swap3A] {strides = array<i32>} : memref<512xf32, #tpu.memory_space<vmem>>, vector<16xf32>,
      tpu.vector_store %arg11[%swap3A], %add3A_309 {strides = array<i32>} : memref<512xf32, #tpu.memory_space<vmem>>, vector<16xf32>,
      %scan3A_315 = arith.constant 0 : i32
      scf.yield %scan3A_315 : i32
    }
    %scan3A_158 = arith.constant 4 : i32
    %dma_wait3A_159 = arith.constant 0 : i32
    %dma_wait3A_160 = tpu.memref_slice %arg3[%dma_wait3A_159] : memref<1000012xf32, #tpu.memory_space<hbm>> -> memref<1000012xf32, #tpu.memory_space<hbm>>
    tpu.wait_indirect_dma semaphore(%arg14 : memref<!tpu.dma_semaphore, #tpu.memory_space<semaphore_mem>>) src(%dma_wait3A_160 : memref<1000012xf32, #tpu.memory_space<hbm>>) dst(%arg10 : memref<1664xf32, #tpu.memory_space<vmem>>)
    %scan3A_161 = arith.constant 0 : i32
    %scan3A_162 = arith.constant 0 : i32
    %scan3A_163 = arith.constant 4 : i32
    %scan3A_164 = arith.addi %scan3A_162, %scan3A_163 : i32
    %scan3A_165 = arith.constant 1 : i32
    %scan3A_166 = scf.for %scan3A_170 = %scan3A_162 to %scan3A_164 step %scan3A_165 iter_args(%scan3A_171 = %scan3A_161) -> (i32)  : i32 {
      %mul3A_172 = arith.constant 16 : i32
      %mul3A_173 = arith.muli %scan3A_170, %mul3A_172 : i32
      %iota3A_174 = tpu.iota {dimensions = array<i32: 0>} : vector<16xi32>
      %add3A_175 = vector.broadcast %mul3A_173 : i32 to vector<16xi32>
      %add3A_176 = arith.addi %add3A_175, %iota3A_174 : vector<16xi32>
      %mul3A_177 = arith.constant 26 : i32
      %mul3A_178 = vector.broadcast %mul3A_177 : i32 to vector<16xi32>
      %mul3A_179 = arith.muli %add3A_176, %mul3A_178 : vector<16xi32>
      %add3A_180 = arith.constant 0 : i32
      %add3A_181 = vector.broadcast %add3A_180 : i32 to vector<16xi32>
      %add3A_182 = arith.addi %mul3A_179, %add3A_181 : vector<16xi32>
      %gather3A_183 = tpu.vector_load_idx %arg10[%add3A_182] : memref<1664xf32, #tpu.memory_space<vmem>>[vector<16xi32>], vector<16xf32>,
      %add3A_184 = arith.addf %gather3A, %gather3A_183 : vector<16xf32>
      %add3A_185 = arith.constant 1 : i32
      %add3A_186 = vector.broadcast %add3A_185 : i32 to vector<16xi32>
      %add3A_187 = arith.addi %mul3A_179, %add3A_186 : vector<16xi32>
      %gather3A_188 = tpu.vector_load_idx %arg10[%add3A_187] : memref<1664xf32, #tpu.memory_space<vmem>>[vector<16xi32>], vector<16xf32>,
      %add3A_189 = arith.addf %add3A_184, %gather3A_188 : vector<16xf32>
      %add3A_190 = arith.constant 2 : i32
      %add3A_191 = vector.broadcast %add3A_190 : i32 to vector<16xi32>
      %add3A_192 = arith.addi %mul3A_179, %add3A_191 : vector<16xi32>
      %gather3A_193 = tpu.vector_load_idx %arg10[%add3A_192] : memref<1664xf32, #tpu.memory_space<vmem>>[vector<16xi32>], vector<16xf32>,
      %add3A_194 = arith.addf %add3A_189, %gather3A_193 : vector<16xf32>
      %add3A_195 = arith.constant 3 : i32
      %add3A_196 = vector.broadcast %add3A_195 : i32 to vector<16xi32>
      %add3A_197 = arith.addi %mul3A_179, %add3A_196 : vector<16xi32>
      %gather3A_198 = tpu.vector_load_idx %arg10[%add3A_197] : memref<1664xf32, #tpu.memory_space<vmem>>[vector<16xi32>], vector<16xf32>,
      %add3A_199 = arith.addf %add3A_194, %gather3A_198 : vector<16xf32>
      %add3A_200 = arith.constant 4 : i32
      %add3A_201 = vector.broadcast %add3A_200 : i32 to vector<16xi32>
      %add3A_202 = arith.addi %mul3A_179, %add3A_201 : vector<16xi32>
      %gather3A_203 = tpu.vector_load_idx %arg10[%add3A_202] : memref<1664xf32, #tpu.memory_space<vmem>>[vector<16xi32>], vector<16xf32>,
      %add3A_204 = arith.addf %add3A_199, %gather3A_203 : vector<16xf32>
      %add3A_205 = arith.constant 5 : i32
      %add3A_206 = vector.broadcast %add3A_205 : i32 to vector<16xi32>
      %add3A_207 = arith.addi %mul3A_179, %add3A_206 : vector<16xi32>
      %gather3A_208 = tpu.vector_load_idx %arg10[%add3A_207] : memref<1664xf32, #tpu.memory_space<vmem>>[vector<16xi32>], vector<16xf32>,
      %add3A_209 = arith.addf %add3A_204, %gather3A_208 : vector<16xf32>
      %add3A_210 = arith.constant 6 : i32
      %add3A_211 = vector.broadcast %add3A_210 : i32 to vector<16xi32>
      %add3A_212 = arith.addi %mul3A_179, %add3A_211 : vector<16xi32>
      %gather3A_213 = tpu.vector_load_idx %arg10[%add3A_212] : memref<1664xf32, #tpu.memory_space<vmem>>[vector<16xi32>], vector<16xf32>,
      %add3A_214 = arith.addf %add3A_209, %gather3A_213 : vector<16xf32>
      %add3A_215 = arith.constant 7 : i32
      %add3A_216 = vector.broadcast %add3A_215 : i32 to vector<16xi32>
      %add3A_217 = arith.addi %mul3A_179, %add3A_216 : vector<16xi32>
      %gather3A_218 = tpu.vector_load_idx %arg10[%add3A_217] : memref<1664xf32, #tpu.memory_space<vmem>>[vector<16xi32>], vector<16xf32>,
      %add3A_219 = arith.addf %add3A_214, %gather3A_218 : vector<16xf32>
      %add3A_220 = arith.constant 8 : i32
      %add3A_221 = vector.broadcast %add3A_220 : i32 to vector<16xi32>
      %add3A_222 = arith.addi %mul3A_179, %add3A_221 : vector<16xi32>
      %gather3A_223 = tpu.vector_load_idx %arg10[%add3A_222] : memref<1664xf32, #tpu.memory_space<vmem>>[vector<16xi32>], vector<16xf32>,
      %add3A_224 = arith.addf %add3A_219, %gather3A_223 : vector<16xf32>
      %add3A_225 = arith.constant 9 : i32
      %add3A_226 = vector.broadcast %add3A_225 : i32 to vector<16xi32>
      %add3A_227 = arith.addi %mul3A_179, %add3A_226 : vector<16xi32>
      %gather3A_228 = tpu.vector_load_idx %arg10[%add3A_227] : memref<1664xf32, #tpu.memory_space<vmem>>[vector<16xi32>], vector<16xf32>,
      %add3A_229 = arith.addf %add3A_224, %gather3A_228 : vector<16xf32>
      %add3A_230 = arith.constant 10 : i32
      %add3A_231 = vector.broadcast %add3A_230 : i32 to vector<16xi32>
      %add3A_232 = arith.addi %mul3A_179, %add3A_231 : vector<16xi32>
      %gather3A_233 = tpu.vector_load_idx %arg10[%add3A_232] : memref<1664xf32, #tpu.memory_space<vmem>>[vector<16xi32>], vector<16xf32>,
      %add3A_234 = arith.addf %add3A_229, %gather3A_233 : vector<16xf32>
      %add3A_235 = arith.constant 11 : i32
      %add3A_236 = vector.broadcast %add3A_235 : i32 to vector<16xi32>
      %add3A_237 = arith.addi %mul3A_179, %add3A_236 : vector<16xi32>
      %gather3A_238 = tpu.vector_load_idx %arg10[%add3A_237] : memref<1664xf32, #tpu.memory_space<vmem>>[vector<16xi32>], vector<16xf32>,
      %add3A_239 = arith.addf %add3A_234, %gather3A_238 : vector<16xf32>
      %add3A_240 = arith.constant 12 : i32
      %add3A_241 = vector.broadcast %add3A_240 : i32 to vector<16xi32>
      %add3A_242 = arith.addi %mul3A_179, %add3A_241 : vector<16xi32>
      %gather3A_243 = tpu.vector_load_idx %arg10[%add3A_242] : memref<1664xf32, #tpu.memory_space<vmem>>[vector<16xi32>], vector<16xf32>,
      %add3A_244 = arith.addf %add3A_239, %gather3A_243 : vector<16xf32>
      %add3A_245 = arith.constant 13 : i32
      %add3A_246 = vector.broadcast %add3A_245 : i32 to vector<16xi32>
      %add3A_247 = arith.addi %mul3A_179, %add3A_246 : vector<16xi32>
      %gather3A_248 = tpu.vector_load_idx %arg10[%add3A_247] : memref<1664xf32, #tpu.memory_space<vmem>>[vector<16xi32>], vector<16xf32>,
      %add3A_249 = arith.addf %add3A_244, %gather3A_248 : vector<16xf32>
      %add3A_250 = arith.constant 14 : i32
      %add3A_251 = vector.broadcast %add3A_250 : i32 to vector<16xi32>
      %add3A_252 = arith.addi %mul3A_179, %add3A_251 : vector<16xi32>
      %gather3A_253 = tpu.vector_load_idx %arg10[%add3A_252] : memref<1664xf32, #tpu.memory_space<vmem>>[vector<16xi32>], vector<16xf32>,
      %add3A_254 = arith.addf %add3A_249, %gather3A_253 : vector<16xf32>
      %add3A_255 = arith.constant 15 : i32
      %add3A_256 = vector.broadcast %add3A_255 : i32 to vector<16xi32>
      %add3A_257 = arith.addi %mul3A_179, %add3A_256 : vector<16xi32>
      %gather3A_258 = tpu.vector_load_idx %arg10[%add3A_257] : memref<1664xf32, #tpu.memory_space<vmem>>[vector<16xi32>], vector<16xf32>,
      %add3A_259 = arith.addf %add3A_254, %gather3A_258 : vector<16xf32>
      %add3A_260 = arith.constant 16 : i32
      %add3A_261 = vector.broadcast %add3A_260 : i32 to vector<16xi32>
      %add3A_262 = arith.addi %mul3A_179, %add3A_261 : vector<16xi32>
      %gather3A_263 = tpu.vector_load_idx %arg10[%add3A_262] : memref<1664xf32, #tpu.memory_space<vmem>>[vector<16xi32>], vector<16xf32>,
      %add3A_264 = arith.addf %add3A_259, %gather3A_263 : vector<16xf32>
      %add3A_265 = arith.constant 17 : i32
      %add3A_266 = vector.broadcast %add3A_265 : i32 to vector<16xi32>
      %add3A_267 = arith.addi %mul3A_179, %add3A_266 : vector<16xi32>
      %gather3A_268 = tpu.vector_load_idx %arg10[%add3A_267] : memref<1664xf32, #tpu.memory_space<vmem>>[vector<16xi32>], vector<16xf32>,
      %add3A_269 = arith.addf %add3A_264, %gather3A_268 : vector<16xf32>
      %add3A_270 = arith.constant 18 : i32
      %add3A_271 = vector.broadcast %add3A_270 : i32 to vector<16xi32>
      %add3A_272 = arith.addi %mul3A_179, %add3A_271 : vector<16xi32>
      %gather3A_273 = tpu.vector_load_idx %arg10[%add3A_272] : memref<1664xf32, #tpu.memory_space<vmem>>[vector<16xi32>], vector<16xf32>,
      %add3A_274 = arith.addf %add3A_269, %gather3A_273 : vector<16xf32>
      %add3A_275 = arith.constant 19 : i32
      %add3A_276 = vector.broadcast %add3A_275 : i32 to vector<16xi32>
      %add3A_277 = arith.addi %mul3A_179, %add3A_276 : vector<16xi32>
      %gather3A_278 = tpu.vector_load_idx %arg10[%add3A_277] : memref<1664xf32, #tpu.memory_space<vmem>>[vector<16xi32>], vector<16xf32>,
      %add3A_279 = arith.addf %add3A_274, %gather3A_278 : vector<16xf32>
      %add3A_280 = arith.constant 20 : i32
      %add3A_281 = vector.broadcast %add3A_280 : i32 to vector<16xi32>
      %add3A_282 = arith.addi %mul3A_179, %add3A_281 : vector<16xi32>
      %gather3A_283 = tpu.vector_load_idx %arg10[%add3A_282] : memref<1664xf32, #tpu.memory_space<vmem>>[vector<16xi32>], vector<16xf32>,
      %add3A_284 = arith.addf %add3A_279, %gather3A_283 : vector<16xf32>
      %add3A_285 = arith.constant 21 : i32
      %add3A_286 = vector.broadcast %add3A_285 : i32 to vector<16xi32>
      %add3A_287 = arith.addi %mul3A_179, %add3A_286 : vector<16xi32>
      %gather3A_288 = tpu.vector_load_idx %arg10[%add3A_287] : memref<1664xf32, #tpu.memory_space<vmem>>[vector<16xi32>], vector<16xf32>,
      %add3A_289 = arith.addf %add3A_284, %gather3A_288 : vector<16xf32>
      %add3A_290 = arith.constant 22 : i32
      %add3A_291 = vector.broadcast %add3A_290 : i32 to vector<16xi32>
      %add3A_292 = arith.addi %mul3A_179, %add3A_291 : vector<16xi32>
      %gather3A_293 = tpu.vector_load_idx %arg10[%add3A_292] : memref<1664xf32, #tpu.memory_space<vmem>>[vector<16xi32>], vector<16xf32>,
      %add3A_294 = arith.addf %add3A_289, %gather3A_293 : vector<16xf32>
      %add3A_295 = arith.constant 23 : i32
      %add3A_296 = vector.broadcast %add3A_295 : i32 to vector<16xi32>
      %add3A_297 = arith.addi %mul3A_179, %add3A_296 : vector<16xi32>
      %gather3A_298 = tpu.vector_load_idx %arg10[%add3A_297] : memref<1664xf32, #tpu.memory_space<vmem>>[vector<16xi32>], vector<16xf32>,
      %add3A_299 = arith.addf %add3A_294, %gather3A_298 : vector<16xf32>
      %add3A_300 = arith.constant 24 : i32
      %add3A_301 = vector.broadcast %add3A_300 : i32 to vector<16xi32>
      %add3A_302 = arith.addi %mul3A_179, %add3A_301 : vector<16xi32>
      %gather3A_303 = tpu.vector_load_idx %arg10[%add3A_302] : memref<1664xf32, #tpu.memory_space<vmem>>[vector<16xi32>], vector<16xf32>,
      %add3A_304 = arith.addf %add3A_299, %gather3A_303 : vector<16xf32>
      %add3A_305 = arith.constant 25 : i32
      %add3A_306 = vector.broadcast %add3A_305 : i32 to vector<16xi32>
      %add3A_307 = arith.addi %mul3A_179, %add3A_306 : vector<16xi32>
      %gather3A_308 = tpu.vector_load_idx %arg10[%add3A_307] : memref<1664xf32, #tpu.memory_space<vmem>>[vector<16xi32>], vector<16xf32>,
      %add3A_309 = arith.addf %add3A_304, %gather3A_308 : vector<16xf32>
      %mul3A_310 = arith.constant 16 : i32
      %mul3A_311 = arith.muli %scan3A_170, %mul3A_310 : i32
      %add3A_312 = arith.constant 448 : i32
      %add3A_313 = arith.addi %add3A_312, %mul3A_311 : i32
      %swap3A = arith.index_cast %add3A_313 : i32 to index
      %swap3A_314 = tpu.vector_load %arg11[%swap3A] {strides = array<i32>} : memref<512xf32, #tpu.memory_space<vmem>>, vector<16xf32>,
      tpu.vector_store %arg11[%swap3A], %add3A_309 {strides = array<i32>} : memref<512xf32, #tpu.memory_space<vmem>>, vector<16xf32>,
      %scan3A_315 = arith.constant 0 : i32
      scf.yield %scan3A_315 : i32
    }
    %scan3A_167 = arith.constant 4 : i32
    %mul3A_168 = arith.constant 512 : i32
    %mul3A_169 = arith.muli %add3A, %mul3A_168 : i32
    "tpu.region"() ({
      %run_scoped3A = tpu.sem_alloc : memref<!tpu.dma_semaphore, #tpu.memory_space<semaphore_mem>>
      %dma_start3A_170 = tpu.memref_slice %arg5[%mul3A_169] : memref<16384xf32, #tpu.memory_space<hbm>> -> memref<512xf32, #tpu.memory_space<hbm>>
      %dma_start3A_171 = tpu.memref_slice %arg5[%mul3A_169] : memref<16384xf32, #tpu.memory_space<hbm>> -> memref<512xf32, #tpu.memory_space<hbm>>
      tpu.enqueue_dma source(%arg11 : memref<512xf32, #tpu.memory_space<vmem>>) target(%dma_start3A_171 : memref<512xf32, #tpu.memory_space<hbm>>) target_semaphore(%run_scoped3A : memref<!tpu.dma_semaphore, #tpu.memory_space<semaphore_mem>>)
      %dma_wait3A_172 = tpu.memref_slice %arg5[%mul3A_169] : memref<16384xf32, #tpu.memory_space<hbm>> -> memref<512xf32, #tpu.memory_space<hbm>>
      %dma_wait3A_173 = tpu.memref_slice %arg5[%mul3A_169] : memref<16384xf32, #tpu.memory_space<hbm>> -> memref<512xf32, #tpu.memory_space<hbm>>
      tpu.wait_dma2 semaphore(%run_scoped3A : memref<!tpu.dma_semaphore, #tpu.memory_space<semaphore_mem>>) src(%arg11 : memref<512xf32, #tpu.memory_space<vmem>>) dst(%dma_wait3A_173 : memref<512xf32, #tpu.memory_space<hbm>>)
      tpu.yield
    }) : () -> ()
    return
  }
}

</mosaic_0001>

<sc_bundles>
// kernel: kernel.3.cloned.1.call-start
scs
__scs_entry_jumppad:
0x0: {  	(pc) =	sbr.rel $0x88, $3  }
0x1: {  	(tag) =	ssettag $0x0;
	lr =	simm.s32 $0x1  }
0x2: {  	[smem:$0x3F9E] =	sst lr;
	_ =	strace $0xD0000000  }
0x3: {  	_ = 	snop  }
0x4: {  	_ = 	snop  }
0x5: {  	_ = 	snop  }
0x6: {  	_ = 	snop  }
0x7: {  	_ = 	snop  }
__scs_overlays_trampoline_lowered:
0x8: {  	[smem:$0x3FAD] =	sst s0  }
0x9: {  	[smem:$0x3FAE] =	sst s1  }
0xa: {  	[smem:$0x3FAF] =	sst s2  }
0xb: {  	[smem:$0x3FB0] =	sst s3  }
0xc: {  	[smem:$0x3FB1] =	sst s4  }
0xd: {  	[smem:$0x3FB2] =	sst s5  }
0xe: {  	[smem:$0x3FB3] =	sst s6  }
0xf: {  	[smem:$0x3FB4] =	sst s7  }
0x10: {  	[smem:$0x3FB5] =	sst s8  }
0x11: {  	[smem:$0x3FB6] =	sst s9;
	s0 =	simm.s32 @!p0 $0x0  }
0x12: {  	s1 =	sld [smem:$0x3F9C];
	s0 =	simm.s32 @p0 $0x1  }
0x13: {  	[smem:$0x3FB7] =	sst s0;
	s0 =	simm.s32 @!p1 $0x0  }
0x14: {  	s2 =	sld [smem:$0x3F9B];
	s0 =	simm.s32 @p1 $0x1  }
0x15: {  	[smem:$0x3FB8] =	sst s0;
	s0 =	simm.s32 @!p2 $0x0  }
0x16: {  	s3 =	sld [smem:$0x3FDB];
	s0 =	simm.s32 @p2 $0x1  }
0x17: {  	s4 =	simm.s32 $0x1BF5;
	[smem:$0x3FBA] =	sst s0  }
0x18: {  	s0 =	sld [smem:$0x3F9D];
	_ =	swait.ge [sflag:s4], $0x0  }
0x19: {  	s7 =	sld [smem:$0x3F9E]  }
0x1a: {  	s8 =	sadd.s32 $0xFFFFE003, lr  }
0x1b: {  	s9 =	sadd.s32 $0xFFFFFEF7, lr;
	s5 =	simm.s32 $0xFFFFFFFF;
	p2 =	slt.u32 s8, $0xFFFFF086  }
0x1c: {  	p1 =	slt.u32 s9, $0xF7A;
	s5 =	simm.s32 @!p2 $0x0  }
0x1d: {  	s5 =	simm.s32 @p1 $0x1;
	p0 =	seq.s32 s7, s2  }
0x1e: {  	s7 =	smul.u32 @!p0 $0xF7A, s2;
	p2 =	seq.s32 @!p0 s5, $0x0  }
0x1f: {  	s9 =	smul.u32 $0xF7A, s1;
	s8 =	simm.s32 @!p0 $0x1BF5;
	p2 =	por !p2, p0  }
0x20: {  	[sflag:s8] =	ssyncset.s32 @!p0 $0xFFFFF086;
	s6 =	sadd.s32 @!p0 s3, s7;
	s7 =	simm.s32 @!p0 $0x108  }
0x21: {  	s3 =	sadd.s32 s3, s9;
	s6 =	sadd.s32 @!p0 $0x88, s6;
	s7 =	simm.s32 @p2 $0x1082  }
0x22: {  	[simem:s7], [sflag:s8] =	dma.local @!p0 [hbm:s6], $0xF7A  }
0x23: {  	s9 =	sor.u32 $0xD0000000, s2;
	s6 =	simm.s32 $0x108;
	_ =	swait.ge @!p0 [sflag:s8], $0x0  }
0x24: {  	s3 =	sadd.s32 $0x88, s3;
	s6 =	simm.s32 @!p1 $0x1082;
	[sflag:s4] =	ssyncset.s32 $0xFFFFF086  }
0x25: {  	[simem:s6], [sflag:s4] =	dma.local [hbm:s3], $0xF7A  }
0x26: {  	[smem:$0x3F9E] =	sst s1;
	(tag) =	ssettag s2;
	_ =	strace s9  }
0x27: {  	s1 =	sld [smem:$0x3FAE]  }
0x28: {  	s2 =	sld [smem:$0x3FAF]  }
0x29: {  	s4 =	sld [smem:$0x3FB1]  }
0x2a: {  	p0 =	seq.s32 s5, $0x0;
	s5 =	sld [smem:$0x3FB2]  }
0x2b: {  	s6 =	sld [smem:$0x3FB3]  }
0x2c: {  	s7 =	sld [smem:$0x3FB4]  }
0x2d: {  	s3 =	simm.s32 $0x108;
	s8 =	sld [smem:$0x3FB5]  }
0x2e: {  	s3 =	simm.s32 @!p0 $0x1082;
	s9 =	sld [smem:$0x3FB6]  }
0x2f: {  	lr =	sadd.s32 s0, s3;
	s0 =	sld [smem:$0x3FAD]  }
0x30: {  	s3 =	sld [smem:$0x3FB0]  }
0x31: {  	[smem:$0x3FB9] =	sst s10  }
0x32: {  	s10 =	sld [smem:$0x3FB7];
	_ =	sdelay $0x3  }
0x33: {  	p0 =	seq.s32 s10, $0x1;
	s10 =	sld [smem:$0x3FB9];
	_ =	sdelay $0x3  }
0x34: {  	[smem:$0x3FB9] =	sst s10  }
0x35: {  	s10 =	sld [smem:$0x3FB8];
	_ =	sdelay $0x3  }
0x36: {  	p1 =	seq.s32 s10, $0x1;
	s10 =	sld [smem:$0x3FB9];
	_ =	sdelay $0x3  }
0x37: {  	[smem:$0x3FB9] =	sst s10  }
0x38: {  	s10 =	sld [smem:$0x3FBA]  }
0x39: {  	_ = 	snop;
	(pc) =	sbr.ind lr, $3  }
0x3a: {  	_ = 	snop  }
0x3b: {  	_ = 	snop  }
0x3c: {  	p2 =	seq.s32 s10, $0x1;
	s10 =	sld [smem:$0x3FB9]  }
0x3d: {  	_ =	shalt  }
0x3e: {  	_ =	shalt  }
0x3f: {  	_ =	shalt  }
0x40: {  	_ =	shalt  }
0x41: {  	_ =	shalt  }
0x42: {  	_ =	shalt  }
0x43: {  	_ =	shalt  }
0x44: {  	_ =	shalt  }
0x45: {  	_ =	shalt  }
0x46: {  	_ =	shalt  }
0x47: {  	_ =	shalt  }
0x48: {  	_ =	shalt  }
0x49: {  	_ =	shalt  }
0x4a: {  	_ =	shalt  }
0x4b: {  	_ =	shalt  }
0x4c: {  	_ =	shalt  }
0x4d: {  	_ =	shalt  }
0x4e: {  	_ =	shalt  }
0x4f: {  	_ =	shalt  }
0x50: {  	_ =	shalt  }
0x51: {  	_ =	shalt  }
0x52: {  	_ =	shalt  }
0x53: {  	_ =	shalt  }
0x54: {  	_ =	shalt  }
0x55: {  	_ =	shalt  }
0x56: {  	_ =	shalt  }
0x57: {  	_ =	shalt  }
0x58: {  	_ =	shalt  }
0x59: {  	_ =	shalt  }
0x5a: {  	_ =	shalt  }
0x5b: {  	_ =	shalt  }
0x5c: {  	_ =	shalt  }
0x5d: {  	_ =	shalt  }
0x5e: {  	_ =	shalt  }
0x5f: {  	_ =	shalt  }
0x60: {  	_ =	shalt  }
0x61: {  	_ =	shalt  }
0x62: {  	_ =	shalt  }
0x63: {  	_ =	shalt  }
0x64: {  	_ =	shalt  }
0x65: {  	_ =	shalt  }
0x66: {  	_ =	shalt  }
0x67: {  	_ =	shalt  }
0x68: {  	_ =	shalt  }
0x69: {  	_ =	shalt  }
0x6a: {  	_ =	shalt  }
0x6b: {  	_ =	shalt  }
0x6c: {  	_ =	shalt  }
0x6d: {  	_ =	shalt  }
0x6e: {  	_ =	shalt  }
0x6f: {  	_ =	shalt  }
0x70: {  	_ =	shalt  }
0x71: {  	_ =	shalt  }
0x72: {  	_ =	shalt  }
0x73: {  	_ =	shalt  }
0x74: {  	_ =	shalt  }
0x75: {  	_ =	shalt  }
0x76: {  	_ =	shalt  }
0x77: {  	_ =	shalt  }
0x78: {  	_ =	shalt  }
0x79: {  	_ =	shalt  }
0x7a: {  	_ =	shalt  }
0x7b: {  	_ =	shalt  }
0x7c: {  	_ =	shalt  }
0x7d: {  	_ =	shalt  }
0x7e: {  	_ =	shalt  }
0x7f: {  	_ =	shalt  }
0x80: {  	_ =	shalt  }
0x81: {  	_ =	shalt  }
0x82: {  	_ =	shalt  }
0x83: {  	_ =	shalt  }
0x84: {  	_ =	shalt  }
0x85: {  	_ =	shalt  }
0x86: {  	_ =	shalt  }
0x87: {  	_ =	shalt  }
.Lfunc_end0:
.L_simem_size_0:
called_computation_lowered:
.L_overlay_start_0:
0x88: {  	s2 =	sld [smem:$0x3FD9]  }
0x89: {  	s3 =	sld [smem:$0x3FFE];
	_ =	sdelay $0x1  }
0x8a: {  	s1 =	srdreg.scid  }
0x8b: {  	s0 =	sand.u32 $0x1, s1  }
0x8c: {  	s17 =	sshll.u32 s0, $0xA;
	s2 =	sadd.s32 s3, s2  }
0x8d: {  	s2 =	sadd.s32 s2, s17  }
0x8e: {  	[smem:$0x3FC5] =	sst s2  }
0x8f: {  	_ = 	snop  }
0x90: {  	s2 =	sld [smem:$0x3FC7]  }
0x91: {  	s18 =	sld [smem:$0x3FD0];
	(tm) =	ssettm $0x1  }
0x92: {  	s4 =	sld [smem:$0x3FFB];
	_ =	sdelay $0x3  }
0x93: {  	_ =	strace s4  }
0x94: {  	s4 =	sld [smem:$0x3FFC];
	_ =	sdelay $0x3  }
0x95: {  	_ =	strace s4  }
0x96: {  	s4 =	sld [smem:$0x3FFD];
	_ =	sdelay $0x3  }
0x97: {  	_ =	strace s4  }
0x98: {  	_ =	strace $0x8FFFFFFF  }
0x99: {  	s19 =	sld [smem:$0x3FDB];
	_ =	sdelay $0x1  }
0x9a: {  	s5 =	simm.s32 $_scs_section_size  }
0x9b: {  	s6 =	simm.s32 $_size__tile_overlayer_lowered;
	s7 =	simm.s32 $_tile_overlayer_lowered  }
0x9c: {  	s22 =	simm.s32 $0x1BFF;
	s21 =	sshll.u32 s7, $0x1;
	s4 =	sadd.s32 s5, s19  }
0x9d: {  	s8 =	simm.s32 $0x0;
	s20 =	sshll.u32 s6, $0x1;
	s6 =	sadd.s32 s21, s4  }
0x9e: {  	[timem:s8], [sflag:s22] =	dma.local [hbm:s6], s20  }
0x9f: {  	_ =	swait.ge [sflag:s22], s20  }
0xa0: {  	s5 =	ssub.s32 $0x0, s20;
	[sflag:s22] =	ssyncset.done $0x0  }
0xa1: {  	[sflag:s22] =	ssyncadd.s32 s5;
	_ =	sdelay $0x1  }
0xa2: {  	s23 =	simm.s32 $0x1B8B  }
0xa3: {  	_ =	swait.ge [sflag:s23], $0x1  }
0xa4: {  	[sflag:s23] =	ssyncset.done $0x0  }
0xa5: {  	s25 =	simm.s32 $0x1B8E;
	s24 =	sld [smem:$0x3FFE];
	[sflag:s23] =	ssyncadd.s32 $0xFFFFFFFF  }
0xa6: {  	s26 =	simm.s32 $execute0_lowered;
	[smem:$0x3FD2] =	sst s25  }
0xa7: {  	s6 =	sshll.u32 s26, $0x1;
	_ =	strace $0x80000046;
	[dreg:$0x1] =	wrdreg $0xFFFFFFFF  }
0xa8: {  	s28 =	simm.s32 $_size_execute0_lowered;
	s4 =	sadd.s32 s4, s6;
	[dreg:$0x0] =	wrdreg $0x0  }
0xa9: {  	s6 =	sshll.u32 s28, $0x1;
	[dreg:$0x2] =	wrdreg s4  }
0xaa: {  	[dreg:$0x3] =	wrdreg s6  }
0xab: {  	[dreg:$0x4] =	wrdreg $0xC0  }
0xac: {  	_ =	task [dreg:s8], $0x5FFFF  }
0xad: {  	[dreg:$0x1] =	wrdreg $0xFFFFFFFF  }
0xae: {  	[dreg:$0x0] =	wrdreg $0x60  }
0xaf: {  	[dreg:$0x2] =	wrdreg s24  }
0xb0: {  	[dreg:$0x3] =	wrdreg s2  }
0xb1: {  	[dreg:$0x4] =	wrdreg s18  }
0xb2: {  	[dreg:$0x5] =	wrdreg $0x9  }
0xb3: {  	_ =	task.clear_ibuf [dreg:s8], $0x6FFFF;
	_ =	strace $0x90000046  }
0xb4: {  	s29 =	simm.s32 $0x9;
	_ =	strace $0x80000048  }
0xb5: {  	_ =	swait.ge [sflag:s29], $0x1  }
0xb6: {  	[sflag:s29] =	ssyncadd.s32 $0xFFFFFFFF  }
0xb7: {  	_ =	strace $0x90000048  }
0xb8: {  	_ =	sfence  }
0xb9: {  	s30 =	sld [smem:$0x0];
	_ =	sdelay $0x2  }
0xba: {  	s31 =	sshll.u32 s1, $0xD;
	s1 =	sshrl.u32 s1, $0x2  }
0xbb: {  	s3 =	sand.u32 $0x4000, s31;
	s1 =	sadd.s32 s1, s30  }
0xbc: {  	s0 =	sor.u32 s3, s0;
	s1 =	sshll.u32 s1, $0x11  }
0xbd: {  	s0 =	sor.u32 s1, s0  }
0xbe: {  	s0 =	sadd.s32 $0x8F2B, s0  }
0xbf: {  	[sflag:s0] =	ssyncadd.remote.s32 $0x1  }
0xc0: {  	_ =	sfence.sel $0xFFFF  }
0xc1: {  	[dreg:$0x0] =	wrdreg $0xFFFFFFFF;
	(pc) =	sbr.abs _section_cstart, $3  }
0xc2: {  	[dreg:$0x1] =	wrdreg $0xFFFFFFFF  }
0xc3: {  	_ =	task.clear_ibuf [dreg:s8], $0x2FFFF;
	_ =	strace $0x9FFFFFFF  }
0xc4: {  	(tm) =	ssettm $0x7FFFFFFF  }
0xc5: {  	_ =	shalt  }
tec
execute0_lowered:
.L_overlay_start_1:
0x0: {  	(tag) =	ssettag $0x1  }
0x1: {  	s4 =	rddreg [dreg:$0x0];
	v1 =	vlaneseq.u32  }
0x2: {  	s1 =	srdreg.scid;
	s2 =	rddreg [dreg:$0x1];
	v0 =	vmul.u32 $0x1A, v1  }
0x3: {  	s0 =	stileid.u32;
	s6 =	rddreg [dreg:$0x2];
	s3 =	simm.s32 $0x0  }
0x4: {  	v2 =	vimm.s32 $0xFFF0BDB4;
	s10 =	simm.s32 $0x680;
	s11 =	simm.s32 $0x3400;
	s12 =	simm.s32 $0x4100;
	v1 =	vmul.u32 $0x963E, v1;
	v3 =	vor.u32 $0x1, v0  }
0x5: {  	s13 =	simm.s32 $0x3A80;
	s14 =	simm.s32 $0x4780;
	s15 =	simm.s32 $0x1;
	v4 =	vadd.s32 $0x2, v0;
	v5 =	vadd.s32 $0x3, v0;
	v6 =	vadd.s32 $0x4, v0  }
0x6: {  	s16 =	simm.s32 $0x2;
	s17 =	simm.s32 $0x4E00;
	s18 =	simm.s32 $0x0;
	v7 =	vadd.s32 $0x5, v0;
	v8 =	vadd.s32 $0x6, v0;
	v9 =	vadd.s32 $0x7, v0  }
0x7: {  	s5 =	sand.u32 $0x1, s1;
	s31 =	sshll.u32 s0, $0x1;
	s1 =	rddreg [dreg:$0x3];
	v10 =	vadd.s32 $0x8, v0;
	v11 =	vadd.s32 $0x9, v0;
	v12 =	vadd.s32 $0xA, v0  }
0x8: {  	[smem:$0x7FF] =	sst s3;
	s7 =	sor.u32 s5, s31;
	s5 =	ssub.s32 $0x2, s5;
	v13 =	vadd.s32 $0xB, v0;
	v14 =	vadd.s32 $0xC, v0;
	v15 =	vadd.s32 $0xD, v0  }
0x9: {  	s8 =	smul.u32 $0x680, s7;
	s9 =	sshrl.u32 s5, $0x1;
	s7 =	sshll.u32 s7, $0x6;
	v16 =	vadd.s32 $0xE, v0;
	v17 =	vadd.s32 $0xF, v0;
	v18 =	vadd.s32 $0x10, v0  }
0xa: {  	_ =	strace $0x80000047;
	v19 =	vadd.s32 $0x11, v0;
	v20 =	vadd.s32 $0x12, v0;
	v21 =	vadd.s32 $0x13, v0;
	s9 =	ssub.s32 s5, s9;
	s6 =	sadd.s32 s6, s7  }
0xb: {  	v22 =	vadd.s32 $0x14, v0;
	v23 =	vadd.s32 $0x15, v0;
	v24 =	vadd.s32 $0x16, v0;
	s8 =	sadd.s32 s8, s4;
	s4 =	sadd.s32 $0xD200, s4;
	s7 =	smax.u32 s9, $0x1  }
0xc: {  	v25 =	vadd.s32 $0x17, v0;
	v26 =	vadd.s32 $0x18, v0;
	v27 =	vadd.s32 $0x19, v0;
	s9 =	simm.s32 $0x5000;
	s5 =	sadd.s32 $0x200, s8;
	s8 =	simm.s32 $0x3  }
.LBB2_1:
0xd: {  	[tilespmem:s3], [sflag:$0x3] =	stream.linear.gather [hbm4b:s5+s3], $0x3400, $0x38;
	[tilespmem:$0x5080] =	vst v63  }
0xe: {  	_ =	swait.ge [sflag:s8], $0x3400  }
0xf: {  	[sflag:s8] =	ssyncset.done $0x0  }
0x10: {  	[sflag:s8] =	ssyncadd.s32 $0xFFFFCC00  }
0x11: {  	[tilespmem:s9], [sflag:$0x3] =	stream.linear.gather [hbm4b:s2+s3], $0x80, $0x38;
	[tilespmem:$0x5080] =	vst v63  }
0x12: {  	_ =	swait.ge [sflag:s8], $0x80  }
0x13: {  	[sflag:s8] =	ssyncset.done $0x0  }
0x14: {  	s19 =	simm.s32 $0x0;
	[sflag:s8] =	ssyncadd.s32 $0xFFFFFF80  }
0x15: {  	v30 =	vld [tilespmem:s19+$0x0];
	_ =	sdelay $0x3  }
0x16: {  	v29 =	vld [tilespmem:s19+$0x10]  }
0x17: {  	s20 =	simm.s32 $0x80;
	v28 =	vld.msk [tilespmem:s9+$0x0], $0xffff;
	v31 =	vadd.s32 v1, v30;
	v30 =	vadd.s32 $0x963E0, v1  }
.LBB2_2:
0x18: {  	p0 =	sne.s32 s20, $0x1980;
	[tilespmem:s19+$0x3400] =	vst v31;
	vm0 =	vlt.s32 v30, $0xF424C  }
0x19: {  	s21 =	sshra.s32 s20, $0x2;
	v31 =	vsel vm0, $0x0, v2  }
0x1a: {  	v32 =	vld [tilespmem:s21+$0x0];
	v30 =	vadd.s32 v30, v31  }
.Ltmp0:
0x1b: {  	v29 =	vadd.s32 v30, v29;
	v30 =	vadd.s32 $0x963E0, v30;
	(pc) =	sbr.rel @p0 .LBB2_2-.Ltmp0, $4  }
0x1c: {  	[tilespmem:s19+$0x3410] =	vst v29;
	vm0 =	vlt.s32 v30, $0xF424C;
	s19 =	smov.u32 s21  }
0x1d: {  	v31 =	vsel vm0, $0x0, v2  }
0x1e: {  	v29 =	vld [tilespmem:s19+$0x10];
	v30 =	vadd.s32 v30, v31  }
0x1f: {  	s20 =	sadd.s32 $0x80, s20;
	v31 =	vadd.s32 v30, v32;
	v30 =	vadd.s32 $0x963E0, v30  }
0x20: {  	vm0 =	vlt.s32 v30, $0xF424C  }
0x21: {  	v32 =	vsel vm0, $0x0, v2  }
0x22: {  	v30 =	vadd.s32 v30, v32  }
0x23: {  	[tilespmem:s19+$0x3400] =	vst v31;
	s31 =	simm.s32 $0x0;
	v29 =	vadd.s32 v30, v29  }
0x24: {  	[tilespmem:s19+$0x3410] =	vst v29;
	s19 =	sand.u32 $0x7E0, s31  }
0x25: {  	[tilespmem:s12], [sflag:$0x1] =	stream.indirect.gather [hbm4b:s4+s10], $0x1, s11, s10, $0xb8;
	[tilespmem:$0x5080] =	vst v63  }
0x26: {  	v29 =	vld [tilespmem:s19+$0x680];
	_ =	sdelay $0x4  }
0x27: {  	s21 =	simm.s32 $0x3A90;
	v29 =	vadd.s32 v1, v29  }
0x28: {  	s19 =	simm.s32 $0x690;
	[tilespmem:s21+$0xFFFFFFF0] =	vst v29;
	v29 =	vadd.s32 $0x963E0, v1  }
0x29: {  	vm14 =	vlt.s32 v29, $0xF424C;
	v31 =	vld [tilespmem:s19+$0x0]  }
0x2a: {  	v30 =	vsel vm14, $0x0, v2  }
0x2b: {  	v29 =	vadd.s32 v29, v30  }
0x2c: {  	v30 =	vadd.s32 $0x963E0, v29  }
0x2d: {  	vm15 =	vlt.s32 v30, $0xF424C  }
0x2e: {  	s22 =	simm.s32 $0x20;
	s23 =	simm.s32 $0x40;
	s20 =	simm.s32 $0x3AB0;
	v32 =	vadd.s32 v29, v31;
	v31 =	vsel vm15, $0x0, v2  }
.LBB2_4:
0x2f: {  	s24 =	sand.u32 $0x7E0, s22;
	s19 =	sadd.s32 $0x20, s19  }
0x30: {  	[tilespmem:s21+$0x0] =	vst v32;
	v30 =	vadd.s32 v30, v31;
	s22 =	smov.u32 s23;
	s25 =	sadd.s32 $0x20, s23;
	s21 =	smov.u32 s20  }
0x31: {  	p0 =	sne.s32 s23, $0x660;
	v31 =	vld [tilespmem:s24+$0x680];
	_ =	sdelay $0x4  }
0x32: {  	v31 =	vadd.s32 v30, v31  }
0x33: {  	v30 =	vadd.s32 $0x963E0, v30;
	[tilespmem:s20+$0xFFFFFFF0] =	vst v31  }
0x34: {  	vm0 =	vlt.s32 v30, $0xF424C;
	v31 =	vld [tilespmem:s19+$0x0]  }
.Ltmp1:
0x35: {  	v32 =	vsel vm0, $0x0, v2;
	(pc) =	sbr.rel @p0 .LBB2_4-.Ltmp1, $4  }
0x36: {  	v32 =	vadd.s32 v30, v32  }
0x37: {  	v30 =	vadd.s32 $0x963E0, v32  }
0x38: {  	vm0 =	vlt.s32 v30, $0xF424C  }
0x39: {  	s23 =	smov.u32 s25;
	s20 =	sadd.s32 $0x20, s20;
	v32 =	vadd.s32 v32, v31;
	v31 =	vsel vm0, $0x0, v2  }
0x3a: {  	s22 =	sand.u32 $0x7E0, s22;
	[tilespmem:s21+$0x0] =	vst v32  }
0x3b: {  	v32 =	vld [tilespmem:s22+$0x680];
	_ =	sdelay $0x3  }
0x3c: {  	v30 =	vadd.s32 v30, v31  }
0x3d: {  	v31 =	vadd.s32 v30, v32  }
0x3e: {  	s19 =	sadd.s32 $0x20, s19;
	[tilespmem:s20+$0xFFFFFFF0] =	vst v31  }
0x3f: {  	v31 =	vld [tilespmem:s19+$0x0];
	s19 =	simm.s32 $0x0  }
0x40: {  	v30 =	vadd.s32 $0x963E0, v30;
	v53 =	vmov s19  }
0x41: {  	vm0 =	vlt.s32 v30, $0xF424C;
	v32 =	vmul.u32 $0x1A, v53  }
0x42: {  	v33 =	vsel vm0, $0x0, v2  }
0x43: {  	v30 =	vadd.s32 v30, v33;
	v32 =	vbroadcast v32, $0x0  }
0x44: {  	v30 =	vadd.s32 v30, v31  }
0x45: {  	[tilespmem:s20+$0x0] =	vst v30;
	v30 =	vadd.s32 v0, v32  }
0x46: {  	[tilespmem:s14], [sflag:$0x2] =	stream.indirect.gather [hbm4b:s4+s10], $0x1, s13, s10, $0xb8;
	[tilespmem:$0x5080] =	vst v63  }
0x47: {  	v31 =	vadd.s32 v3, v32;
	_ =	swait.ge [sflag:s15], $0x680  }
0x48: {  	[sflag:s15] =	ssyncset.done $0x0  }
0x49: {  	v54 =	vadd.s32 v4, v32;
	[sflag:s15] =	ssyncadd.s32 $0xFFFFF980  }
0x4a: {  	v30 =	vld.idx.msk [tilespmem:v30+s12+$0x0], $0xffff  }
0x4b: {  	v34 =	vadd.s32 v5, v32  }
0x4c: {  	v31 =	vld.idx.msk [tilespmem:v31+s12+$0x0], $0xffff  }
0x4d: {  	v35 =	vadd.s32 v6, v32  }
0x4e: {  	v33 =	vld.idx.msk [tilespmem:v54+s12+$0x0], $0xffff  }
0x4f: {  	v36 =	vadd.s32 v7, v32;
	v30 =	vadd.f32 v30, v28  }
0x50: {  	v34 =	vld.idx.msk [tilespmem:v34+s12+$0x0], $0xffff  }
0x51: {  	v37 =	vadd.s32 v8, v32;
	v30 =	vadd.f32 v31, v30  }
0x52: {  	v31 =	vld.idx.msk [tilespmem:v35+s12+$0x0], $0xffff  }
0x53: {  	v55 =	vadd.s32 v9, v32;
	v30 =	vadd.f32 v33, v30  }
0x54: {  	v56 =	vld.idx.msk [tilespmem:v36+s12+$0x0], $0xffff  }
0x55: {  	v57 =	vadd.s32 v10, v32;
	v30 =	vadd.f32 v34, v30  }
0x56: {  	v58 =	vld.idx.msk [tilespmem:v37+s12+$0x0], $0xffff  }
0x57: {  	v59 =	vadd.s32 v11, v32;
	v30 =	vadd.f32 v31, v30  }
0x58: {  	v31 =	vld.idx.msk [tilespmem:v55+s12+$0x0], $0xffff  }
0x59: {  	v60 =	vadd.s32 v12, v32;
	v30 =	vadd.f32 v56, v30  }
0x5a: {  	v61 =	vld.idx.msk [tilespmem:v57+s12+$0x0], $0xffff  }
0x5b: {  	v62 =	vadd.s32 v13, v32;
	v30 =	vadd.f32 v58, v30  }
0x5c: {  	v63 =	vld.idx.msk [tilespmem:v59+s12+$0x0], $0xffff  }
0x5d: {  	v40 =	vadd.s32 v14, v32;
	v30 =	vadd.f32 v31, v30  }
0x5e: {  	v31 =	vld.idx.msk [tilespmem:v60+s12+$0x0], $0xffff  }
0x5f: {  	v41 =	vadd.s32 v15, v32;
	v30 =	vadd.f32 v61, v30  }
0x60: {  	v42 =	vld.idx.msk [tilespmem:v62+s12+$0x0], $0xffff  }
0x61: {  	v43 =	vadd.s32 v16, v32;
	v30 =	vadd.f32 v63, v30  }
0x62: {  	v44 =	vld.idx.msk [tilespmem:v40+s12+$0x0], $0xffff  }
0x63: {  	v45 =	vadd.s32 v17, v32;
	v30 =	vadd.f32 v31, v30  }
0x64: {  	v31 =	vld.idx.msk [tilespmem:v41+s12+$0x0], $0xffff  }
0x65: {  	v46 =	vadd.s32 v18, v32;
	v30 =	vadd.f32 v42, v30  }
0x66: {  	v47 =	vld.idx.msk [tilespmem:v43+s12+$0x0], $0xffff  }
0x67: {  	v48 =	vadd.s32 v19, v32;
	v30 =	vadd.f32 v44, v30  }
0x68: {  	v49 =	vld.idx.msk [tilespmem:v45+s12+$0x0], $0xffff  }
0x69: {  	v50 =	vadd.s32 v20, v32;
	v30 =	vadd.f32 v31, v30  }
0x6a: {  	v31 =	vld.idx.msk [tilespmem:v46+s12+$0x0], $0xffff  }
0x6b: {  	v51 =	vadd.s32 v21, v32;
	v30 =	vadd.f32 v47, v30  }
0x6c: {  	v52 =	vld.idx.msk [tilespmem:v48+s12+$0x0], $0xffff  }
0x6d: {  	v53 =	vadd.s32 v22, v32;
	v30 =	vadd.f32 v49, v30  }
0x6e: {  	v54 =	vld.idx.msk [tilespmem:v50+s12+$0x0], $0xffff  }
0x6f: {  	v55 =	vadd.s32 v23, v32;
	v30 =	vadd.f32 v31, v30  }
0x70: {  	v31 =	vld.idx.msk [tilespmem:v51+s12+$0x0], $0xffff  }
0x71: {  	v56 =	vadd.s32 v24, v32;
	v30 =	vadd.f32 v52, v30  }
0x72: {  	v57 =	vld.idx.msk [tilespmem:v53+s12+$0x0], $0xffff  }
0x73: {  	v58 =	vadd.s32 v25, v32;
	v30 =	vadd.f32 v54, v30  }
0x74: {  	v59 =	vld.idx.msk [tilespmem:v55+s12+$0x0], $0xffff  }
0x75: {  	v60 =	vadd.s32 v26, v32;
	v30 =	vadd.f32 v31, v30  }
0x76: {  	v31 =	vld.idx.msk [tilespmem:v56+s12+$0x0], $0xffff  }
0x77: {  	v32 =	vadd.s32 v27, v32;
	v30 =	vadd.f32 v57, v30  }
0x78: {  	s31 =	simm.s32 $0x10;
	v61 =	vld.idx.msk [tilespmem:v58+s12+$0x0], $0xffff  }
0x79: {  	v63 =	vmov s31;
	v30 =	vadd.f32 v59, v30  }
0x7a: {  	v62 =	vld.idx.msk [tilespmem:v60+s12+$0x0], $0xffff;
	v35 =	vmul.u32 $0x1A, v63  }
0x7b: {  	v31 =	vadd.f32 v31, v30  }
0x7c: {  	v32 =	vld.idx.msk [tilespmem:v32+s12+$0x0], $0xffff;
	v30 =	vbroadcast v35, $0x0  }
0x7d: {  	v31 =	vadd.f32 v61, v31  }
0x7e: {  	v40 =	vadd.s32 v0, v30;
	v39 =	vadd.s32 v3, v30;
	v38 =	vadd.s32 v4, v30  }
0x7f: {  	v37 =	vadd.s32 v5, v30;
	v36 =	vadd.s32 v6, v30;
	v31 =	vadd.f32 v62, v31  }
0x80: {  	v35 =	vadd.s32 v7, v30;
	v33 =	vadd.s32 v8, v30;
	v34 =	vadd.s32 v9, v30  }
0x81: {  	s21 =	simm.s32 $0x20;
	s20 =	simm.s32 $0x4E00;
	v41 =	vadd.f32 v32, v31;
	v32 =	vadd.s32 v10, v30;
	v31 =	vadd.s32 v11, v30  }
.LBB2_6:
0x82: {  	p0 =	sne.s32 s21, $0x30  }
0x83: {  	v42 =	vadd.s32 v12, v30;
	v43 =	vadd.s32 v13, v30;
	v44 =	vadd.s32 v14, v30;
	[tilespmem:s20+$0x0] =	vst v41;
	s20 =	sadd.s32 $0x10, s20;
	s22 =	smov.u32 s21;
	s21 =	sadd.s32 $0x10, s21  }
0x84: {  	v41 =	vadd.s32 v15, v30;
	v45 =	vadd.s32 v16, v30;
	v46 =	vadd.s32 v17, v30;
	v40 =	vld.idx.msk [tilespmem:v40+s12+$0x0], $0xffff  }
0x85: {  	v47 =	vadd.s32 v18, v30;
	v48 =	vadd.s32 v19, v30;
	v49 =	vadd.s32 v20, v30  }
0x86: {  	v50 =	vadd.s32 v21, v30;
	v51 =	vadd.s32 v22, v30;
	v52 =	vadd.s32 v23, v30;
	v39 =	vld.idx.msk [tilespmem:v39+s12+$0x0], $0xffff  }
0x87: {  	v53 =	vadd.s32 v24, v30;
	v54 =	vadd.s32 v25, v30;
	v55 =	vadd.s32 v26, v30  }
0x88: {  	v30 =	vadd.s32 v27, v30;
	v38 =	vld.idx.msk [tilespmem:v38+s12+$0x0], $0xffff;
	_ =	sdelay $0x1  }
0x89: {  	v40 =	vadd.f32 v40, v28;
	v37 =	vld.idx.msk [tilespmem:v37+s12+$0x0], $0xffff;
	_ =	sdelay $0x1  }
0x8a: {  	v39 =	vadd.f32 v39, v40;
	v36 =	vld.idx.msk [tilespmem:v36+s12+$0x0], $0xffff;
	_ =	sdelay $0x1  }
0x8b: {  	v38 =	vadd.f32 v38, v39;
	v35 =	vld.idx.msk [tilespmem:v35+s12+$0x0], $0xffff;
	_ =	sdelay $0x1  }
0x8c: {  	v37 =	vadd.f32 v37, v38;
	v33 =	vld.idx.msk [tilespmem:v33+s12+$0x0], $0xffff;
	_ =	sdelay $0x1  }
0x8d: {  	v36 =	vadd.f32 v36, v37;
	v34 =	vld.idx.msk [tilespmem:v34+s12+$0x0], $0xffff;
	_ =	sdelay $0x1  }
0x8e: {  	v35 =	vadd.f32 v35, v36;
	v32 =	vld.idx.msk [tilespmem:v32+s12+$0x0], $0xffff;
	_ =	sdelay $0x1  }
0x8f: {  	v33 =	vadd.f32 v33, v35;
	v31 =	vld.idx.msk [tilespmem:v31+s12+$0x0], $0xffff;
	_ =	sdelay $0x1  }
0x90: {  	v33 =	vadd.f32 v34, v33;
	v34 =	vld.idx.msk [tilespmem:v42+s12+$0x0], $0xffff;
	_ =	sdelay $0x1  }
0x91: {  	v32 =	vadd.f32 v32, v33;
	v33 =	vld.idx.msk [tilespmem:v43+s12+$0x0], $0xffff;
	_ =	sdelay $0x1  }
0x92: {  	v31 =	vadd.f32 v31, v32;
	v32 =	vld.idx.msk [tilespmem:v44+s12+$0x0], $0xffff;
	_ =	sdelay $0x1  }
0x93: {  	v31 =	vadd.f32 v34, v31;
	v34 =	vld.idx.msk [tilespmem:v41+s12+$0x0], $0xffff;
	_ =	sdelay $0x1  }
0x94: {  	v31 =	vadd.f32 v33, v31;
	v33 =	vld.idx.msk [tilespmem:v45+s12+$0x0], $0xffff;
	_ =	sdelay $0x1  }
0x95: {  	v31 =	vadd.f32 v32, v31;
	v32 =	vld.idx.msk [tilespmem:v46+s12+$0x0], $0xffff;
	_ =	sdelay $0x1  }
0x96: {  	v31 =	vadd.f32 v34, v31;
	v34 =	vld.idx.msk [tilespmem:v47+s12+$0x0], $0xffff;
	_ =	sdelay $0x1  }
0x97: {  	v31 =	vadd.f32 v33, v31;
	v33 =	vld.idx.msk [tilespmem:v48+s12+$0x0], $0xffff;
	_ =	sdelay $0x1  }
0x98: {  	v31 =	vadd.f32 v32, v31;
	v32 =	vld.idx.msk [tilespmem:v49+s12+$0x0], $0xffff;
	_ =	sdelay $0x1  }
0x99: {  	v31 =	vadd.f32 v34, v31;
	v34 =	vld.idx.msk [tilespmem:v50+s12+$0x0], $0xffff;
	_ =	sdelay $0x1  }
0x9a: {  	v31 =	vadd.f32 v33, v31;
	v33 =	vld.idx.msk [tilespmem:v51+s12+$0x0], $0xffff;
	_ =	sdelay $0x1  }
0x9b: {  	v31 =	vadd.f32 v32, v31;
	v32 =	vld.idx.msk [tilespmem:v52+s12+$0x0], $0xffff;
	_ =	sdelay $0x1  }
0x9c: {  	v31 =	vadd.f32 v34, v31;
	v34 =	vld.idx.msk [tilespmem:v53+s12+$0x0], $0xffff;
	_ =	sdelay $0x1  }
0x9d: {  	v31 =	vadd.f32 v33, v31;
	v33 =	vld.idx.msk [tilespmem:v54+s12+$0x0], $0xffff;
	_ =	sdelay $0x1  }
0x9e: {  	v31 =	vadd.f32 v32, v31;
	v32 =	vld.idx.msk [tilespmem:v55+s12+$0x0], $0xffff  }
0x9f: {  	v35 =	vmov s22  }
0xa0: {  	v35 =	vmul.u32 $0x1A, v35;
	v31 =	vadd.f32 v34, v31;
	v34 =	vld.idx.msk [tilespmem:v30+s12+$0x0], $0xffff;
	_ =	sdelay $0x1  }
0xa1: {  	v30 =	vbroadcast v35, $0x0;
	v31 =	vadd.f32 v33, v31  }
.Ltmp2:
0xa2: {  	(pc) =	sbr.rel @p0 .LBB2_6-.Ltmp2, $4  }
0xa3: {  	v40 =	vadd.s32 v0, v30;
	v39 =	vadd.s32 v3, v30;
	v31 =	vadd.f32 v32, v31  }
0xa4: {  	v38 =	vadd.s32 v4, v30;
	v37 =	vadd.s32 v5, v30;
	v36 =	vadd.s32 v6, v30  }
0xa5: {  	v35 =	vadd.s32 v7, v30;
	v33 =	vadd.s32 v8, v30;
	v41 =	vadd.f32 v34, v31  }
0xa6: {  	v32 =	vadd.s32 v10, v30;
	v34 =	vadd.s32 v9, v30;
	v31 =	vadd.s32 v11, v30  }
0xa7: {  	_ =	sdelay $0x2  }
0xa8: {  	[tilespmem:s20+$0x0] =	vst v41  }
0xa9: {  	v40 =	vld.idx.msk [tilespmem:v40+s12+$0x0], $0xffff;
	_ =	sdelay $0x1  }
0xaa: {  	v39 =	vld.idx.msk [tilespmem:v39+s12+$0x0], $0xffff;
	_ =	sdelay $0x1  }
0xab: {  	v38 =	vld.idx.msk [tilespmem:v38+s12+$0x0], $0xffff  }
0xac: {  	v40 =	vadd.f32 v40, v28  }
0xad: {  	v37 =	vld.idx.msk [tilespmem:v37+s12+$0x0], $0xffff  }
0xae: {  	v39 =	vadd.f32 v39, v40  }
0xaf: {  	v36 =	vld.idx.msk [tilespmem:v36+s12+$0x0], $0xffff  }
0xb0: {  	v38 =	vadd.f32 v38, v39  }
0xb1: {  	v35 =	vld.idx.msk [tilespmem:v35+s12+$0x0], $0xffff  }
0xb2: {  	v37 =	vadd.f32 v37, v38  }
0xb3: {  	v33 =	vld.idx.msk [tilespmem:v33+s12+$0x0], $0xffff  }
0xb4: {  	v36 =	vadd.f32 v36, v37  }
0xb5: {  	v34 =	vld.idx.msk [tilespmem:v34+s12+$0x0], $0xffff  }
0xb6: {  	v58 =	vadd.s32 v12, v30;
	v35 =	vadd.f32 v35, v36  }
0xb7: {  	v32 =	vld.idx.msk [tilespmem:v32+s12+$0x0], $0xffff  }
0xb8: {  	v59 =	vadd.s32 v13, v30;
	v33 =	vadd.f32 v33, v35  }
0xb9: {  	v31 =	vld.idx.msk [tilespmem:v31+s12+$0x0], $0xffff  }
0xba: {  	v60 =	vadd.s32 v14, v30;
	v33 =	vadd.f32 v34, v33  }
0xbb: {  	v61 =	vld.idx.msk [tilespmem:v58+s12+$0x0], $0xffff  }
0xbc: {  	v62 =	vadd.s32 v15, v30;
	v32 =	vadd.f32 v32, v33  }
0xbd: {  	v63 =	vld.idx.msk [tilespmem:v59+s12+$0x0], $0xffff  }
0xbe: {  	v40 =	vadd.s32 v16, v30;
	v31 =	vadd.f32 v31, v32  }
0xbf: {  	v41 =	vld.idx.msk [tilespmem:v60+s12+$0x0], $0xffff  }
0xc0: {  	v42 =	vadd.s32 v17, v30;
	v31 =	vadd.f32 v61, v31  }
0xc1: {  	v43 =	vld.idx.msk [tilespmem:v62+s12+$0x0], $0xffff  }
0xc2: {  	v44 =	vadd.s32 v18, v30;
	v31 =	vadd.f32 v63, v31  }
0xc3: {  	v45 =	vld.idx.msk [tilespmem:v40+s12+$0x0], $0xffff  }
0xc4: {  	v46 =	vadd.s32 v19, v30;
	v31 =	vadd.f32 v41, v31  }
0xc5: {  	v47 =	vld.idx.msk [tilespmem:v42+s12+$0x0], $0xffff  }
0xc6: {  	v48 =	vadd.s32 v20, v30;
	v31 =	vadd.f32 v43, v31  }
0xc7: {  	v49 =	vld.idx.msk [tilespmem:v44+s12+$0x0], $0xffff  }
0xc8: {  	v50 =	vadd.s32 v21, v30;
	v31 =	vadd.f32 v45, v31  }
0xc9: {  	v51 =	vld.idx.msk [tilespmem:v46+s12+$0x0], $0xffff  }
0xca: {  	v52 =	vadd.s32 v22, v30;
	v31 =	vadd.f32 v47, v31  }
0xcb: {  	v53 =	vld.idx.msk [tilespmem:v48+s12+$0x0], $0xffff  }
0xcc: {  	v54 =	vadd.s32 v23, v30;
	v31 =	vadd.f32 v49, v31  }
0xcd: {  	v55 =	vld.idx.msk [tilespmem:v50+s12+$0x0], $0xffff  }
0xce: {  	v56 =	vadd.s32 v24, v30;
	v31 =	vadd.f32 v51, v31  }
0xcf: {  	v57 =	vld.idx.msk [tilespmem:v52+s12+$0x0], $0xffff  }
0xd0: {  	v58 =	vadd.s32 v25, v30;
	v31 =	vadd.f32 v53, v31  }
0xd1: {  	v59 =	vld.idx.msk [tilespmem:v54+s12+$0x0], $0xffff  }
0xd2: {  	v60 =	vadd.s32 v26, v30;
	v31 =	vadd.f32 v55, v31  }
0xd3: {  	v61 =	vld.idx.msk [tilespmem:v56+s12+$0x0], $0xffff  }
0xd4: {  	v30 =	vadd.s32 v27, v30;
	v31 =	vadd.f32 v57, v31  }
0xd5: {  	v62 =	vld.idx.msk [tilespmem:v58+s12+$0x0], $0xffff  }
0xd6: {  	v31 =	vadd.f32 v59, v31  }
0xd7: {  	v63 =	vld.idx.msk [tilespmem:v60+s12+$0x0], $0xffff  }
0xd8: {  	v31 =	vadd.f32 v61, v31  }
0xd9: {  	v30 =	vld.idx.msk [tilespmem:v30+s12+$0x0], $0xffff  }
0xda: {  	v31 =	vadd.f32 v62, v31;
	_ =	sdelay $0x1  }
0xdb: {  	v31 =	vadd.f32 v63, v31;
	_ =	sdelay $0x1  }
0xdc: {  	v30 =	vadd.f32 v30, v31  }
0xdd: {  	s31 =	sadd.s32 $0x10, s20  }
0xde: {  	s19 =	sand.u32 $0x7E0, s19;
	[tilespmem:s31+$0x0] =	vst v30  }
0xdf: {  	v30 =	vld [tilespmem:s19+$0xD00];
	_ =	sdelay $0x4  }
0xe0: {  	s21 =	simm.s32 $0x3410;
	v30 =	vadd.s32 v1, v30  }
0xe1: {  	s19 =	simm.s32 $0xD10;
	[tilespmem:s21+$0xFFFFFFF0] =	vst v30  }
0xe2: {  	v31 =	vld [tilespmem:s19+$0x0];
	_ =	sdelay $0x2  }
0xe3: {  	v30 =	vadd.s32 $0x963E0, v29  }
0xe4: {  	vm0 =	vlt.s32 v30, $0xF424C  }
0xe5: {  	s22 =	simm.s32 $0x20;
	s23 =	simm.s32 $0x40;
	s20 =	simm.s32 $0x3430;
	v32 =	vadd.s32 v29, v31;
	v31 =	vsel vm0, $0x0, v2  }
.LBB2_8:
0xe6: {  	s24 =	sand.u32 $0x7E0, s22;
	s19 =	sadd.s32 $0x20, s19  }
0xe7: {  	[tilespmem:s21+$0x0] =	vst v32;
	v30 =	vadd.s32 v30, v31;
	s22 =	smov.u32 s23;
	s25 =	sadd.s32 $0x20, s23;
	s21 =	smov.u32 s20  }
0xe8: {  	p0 =	sne.s32 s23, $0x660;
	v31 =	vld [tilespmem:s24+$0xD00];
	_ =	sdelay $0x4  }
0xe9: {  	v31 =	vadd.s32 v30, v31  }
0xea: {  	v30 =	vadd.s32 $0x963E0, v30;
	[tilespmem:s20+$0xFFFFFFF0] =	vst v31  }
0xeb: {  	vm0 =	vlt.s32 v30, $0xF424C;
	v31 =	vld [tilespmem:s19+$0x0]  }
.Ltmp3:
0xec: {  	v32 =	vsel vm0, $0x0, v2;
	(pc) =	sbr.rel @p0 .LBB2_8-.Ltmp3, $4  }
0xed: {  	v32 =	vadd.s32 v30, v32  }
0xee: {  	v30 =	vadd.s32 $0x963E0, v32  }
0xef: {  	vm0 =	vlt.s32 v30, $0xF424C  }
0xf0: {  	s23 =	smov.u32 s25;
	s20 =	sadd.s32 $0x20, s20;
	v32 =	vadd.s32 v32, v31;
	v31 =	vsel vm0, $0x0, v2  }
0xf1: {  	s22 =	sand.u32 $0x7E0, s22;
	[tilespmem:s21+$0x0] =	vst v32  }
0xf2: {  	v32 =	vld [tilespmem:s22+$0xD00];
	_ =	sdelay $0x3  }
0xf3: {  	v30 =	vadd.s32 v30, v31  }
0xf4: {  	v31 =	vadd.s32 v30, v32  }
0xf5: {  	s19 =	sadd.s32 $0x20, s19;
	[tilespmem:s20+$0xFFFFFFF0] =	vst v31  }
0xf6: {  	v31 =	vld [tilespmem:s19+$0x0];
	s19 =	simm.s32 $0x0  }
0xf7: {  	v30 =	vadd.s32 $0x963E0, v30;
	v53 =	vmov s19  }
0xf8: {  	vm0 =	vlt.s32 v30, $0xF424C;
	v32 =	vmul.u32 $0x1A, v53  }
0xf9: {  	v33 =	vsel vm0, $0x0, v2  }
0xfa: {  	v30 =	vadd.s32 v30, v33;
	v32 =	vbroadcast v32, $0x0  }
0xfb: {  	v30 =	vadd.s32 v30, v31  }
0xfc: {  	[tilespmem:s20+$0x0] =	vst v30;
	v30 =	vadd.s32 v0, v32  }
0xfd: {  	[tilespmem:s12], [sflag:$0x1] =	stream.indirect.gather [hbm4b:s4+s10], $0x1, s11, s10, $0xb8;
	[tilespmem:$0x5080] =	vst v63  }
0xfe: {  	v31 =	vadd.s32 v3, v32;
	_ =	swait.ge [sflag:s16], $0x680  }
0xff: {  	[sflag:s16] =	ssyncset.done $0x0  }
0x100: {  	v54 =	vadd.s32 v4, v32;
	[sflag:s16] =	ssyncadd.s32 $0xFFFFF980  }
0x101: {  	v30 =	vld.idx.msk [tilespmem:v30+s14+$0x0], $0xffff  }
0x102: {  	v34 =	vadd.s32 v5, v32  }
0x103: {  	v31 =	vld.idx.msk [tilespmem:v31+s14+$0x0], $0xffff  }
0x104: {  	v35 =	vadd.s32 v6, v32  }
0x105: {  	v33 =	vld.idx.msk [tilespmem:v54+s14+$0x0], $0xffff  }
0x106: {  	v36 =	vadd.s32 v7, v32;
	v30 =	vadd.f32 v30, v28  }
0x107: {  	v34 =	vld.idx.msk [tilespmem:v34+s14+$0x0], $0xffff  }
0x108: {  	v37 =	vadd.s32 v8, v32;
	v30 =	vadd.f32 v31, v30  }
0x109: {  	v31 =	vld.idx.msk [tilespmem:v35+s14+$0x0], $0xffff  }
0x10a: {  	v55 =	vadd.s32 v9, v32;
	v30 =	vadd.f32 v33, v30  }
0x10b: {  	v56 =	vld.idx.msk [tilespmem:v36+s14+$0x0], $0xffff  }
0x10c: {  	v57 =	vadd.s32 v10, v32;
	v30 =	vadd.f32 v34, v30  }
0x10d: {  	v58 =	vld.idx.msk [tilespmem:v37+s14+$0x0], $0xffff  }
0x10e: {  	v59 =	vadd.s32 v11, v32;
	v30 =	vadd.f32 v31, v30  }
0x10f: {  	v31 =	vld.idx.msk [tilespmem:v55+s14+$0x0], $0xffff  }
0x110: {  	v60 =	vadd.s32 v12, v32;
	v30 =	vadd.f32 v56, v30  }
0x111: {  	v61 =	vld.idx.msk [tilespmem:v57+s14+$0x0], $0xffff  }
0x112: {  	v62 =	vadd.s32 v13, v32;
	v30 =	vadd.f32 v58, v30  }
0x113: {  	v63 =	vld.idx.msk [tilespmem:v59+s14+$0x0], $0xffff  }
0x114: {  	v40 =	vadd.s32 v14, v32;
	v30 =	vadd.f32 v31, v30  }
0x115: {  	v31 =	vld.idx.msk [tilespmem:v60+s14+$0x0], $0xffff  }
0x116: {  	v41 =	vadd.s32 v15, v32;
	v30 =	vadd.f32 v61, v30  }
0x117: {  	v42 =	vld.idx.msk [tilespmem:v62+s14+$0x0], $0xffff  }
0x118: {  	v43 =	vadd.s32 v16, v32;
	v30 =	vadd.f32 v63, v30  }
0x119: {  	v44 =	vld.idx.msk [tilespmem:v40+s14+$0x0], $0xffff  }
0x11a: {  	v45 =	vadd.s32 v17, v32;
	v30 =	vadd.f32 v31, v30  }
0x11b: {  	v31 =	vld.idx.msk [tilespmem:v41+s14+$0x0], $0xffff  }
0x11c: {  	v46 =	vadd.s32 v18, v32;
	v30 =	vadd.f32 v42, v30  }
0x11d: {  	v47 =	vld.idx.msk [tilespmem:v43+s14+$0x0], $0xffff  }
0x11e: {  	v48 =	vadd.s32 v19, v32;
	v30 =	vadd.f32 v44, v30  }
0x11f: {  	v49 =	vld.idx.msk [tilespmem:v45+s14+$0x0], $0xffff  }
0x120: {  	v50 =	vadd.s32 v20, v32;
	v30 =	vadd.f32 v31, v30  }
0x121: {  	v31 =	vld.idx.msk [tilespmem:v46+s14+$0x0], $0xffff  }
0x122: {  	v51 =	vadd.s32 v21, v32;
	v30 =	vadd.f32 v47, v30  }
0x123: {  	v52 =	vld.idx.msk [tilespmem:v48+s14+$0x0], $0xffff  }
0x124: {  	v53 =	vadd.s32 v22, v32;
	v30 =	vadd.f32 v49, v30  }
0x125: {  	v54 =	vld.idx.msk [tilespmem:v50+s14+$0x0], $0xffff  }
0x126: {  	v55 =	vadd.s32 v23, v32;
	v30 =	vadd.f32 v31, v30  }
0x127: {  	v31 =	vld.idx.msk [tilespmem:v51+s14+$0x0], $0xffff  }
0x128: {  	v56 =	vadd.s32 v24, v32;
	v30 =	vadd.f32 v52, v30  }
0x129: {  	v57 =	vld.idx.msk [tilespmem:v53+s14+$0x0], $0xffff  }
0x12a: {  	v58 =	vadd.s32 v25, v32;
	v30 =	vadd.f32 v54, v30  }
0x12b: {  	v59 =	vld.idx.msk [tilespmem:v55+s14+$0x0], $0xffff  }
0x12c: {  	v60 =	vadd.s32 v26, v32;
	v30 =	vadd.f32 v31, v30  }
0x12d: {  	v31 =	vld.idx.msk [tilespmem:v56+s14+$0x0], $0xffff  }
0x12e: {  	v32 =	vadd.s32 v27, v32;
	v30 =	vadd.f32 v57, v30  }
0x12f: {  	s31 =	simm.s32 $0x10;
	v61 =	vld.idx.msk [tilespmem:v58+s14+$0x0], $0xffff  }
0x130: {  	v63 =	vmov s31;
	v30 =	vadd.f32 v59, v30  }
0x131: {  	v62 =	vld.idx.msk [tilespmem:v60+s14+$0x0], $0xffff;
	v35 =	vmul.u32 $0x1A, v63  }
0x132: {  	v31 =	vadd.f32 v31, v30  }
0x133: {  	v32 =	vld.idx.msk [tilespmem:v32+s14+$0x0], $0xffff;
	v30 =	vbroadcast v35, $0x0  }
0x134: {  	v31 =	vadd.f32 v61, v31  }
0x135: {  	v40 =	vadd.s32 v0, v30;
	v39 =	vadd.s32 v3, v30;
	v38 =	vadd.s32 v4, v30  }
0x136: {  	v37 =	vadd.s32 v5, v30;
	v36 =	vadd.s32 v6, v30;
	v31 =	vadd.f32 v62, v31  }
0x137: {  	v35 =	vadd.s32 v7, v30;
	v33 =	vadd.s32 v8, v30;
	v34 =	vadd.s32 v9, v30  }
0x138: {  	s21 =	simm.s32 $0x20;
	s20 =	simm.s32 $0x4E40;
	v41 =	vadd.f32 v32, v31;
	v32 =	vadd.s32 v10, v30;
	v31 =	vadd.s32 v11, v30  }
.LBB2_10:
0x139: {  	p0 =	sne.s32 s21, $0x30  }
0x13a: {  	v42 =	vadd.s32 v12, v30;
	v43 =	vadd.s32 v13, v30;
	v44 =	vadd.s32 v14, v30;
	[tilespmem:s20+$0x0] =	vst v41;
	s20 =	sadd.s32 $0x10, s20;
	s22 =	smov.u32 s21;
	s21 =	sadd.s32 $0x10, s21  }
0x13b: {  	v41 =	vadd.s32 v15, v30;
	v45 =	vadd.s32 v16, v30;
	v46 =	vadd.s32 v17, v30;
	v40 =	vld.idx.msk [tilespmem:v40+s14+$0x0], $0xffff  }
0x13c: {  	v47 =	vadd.s32 v18, v30;
	v48 =	vadd.s32 v19, v30;
	v49 =	vadd.s32 v20, v30  }
0x13d: {  	v50 =	vadd.s32 v21, v30;
	v51 =	vadd.s32 v22, v30;
	v52 =	vadd.s32 v23, v30;
	v39 =	vld.idx.msk [tilespmem:v39+s14+$0x0], $0xffff  }
0x13e: {  	v53 =	vadd.s32 v24, v30;
	v54 =	vadd.s32 v25, v30;
	v55 =	vadd.s32 v26, v30  }
0x13f: {  	v30 =	vadd.s32 v27, v30;
	v38 =	vld.idx.msk [tilespmem:v38+s14+$0x0], $0xffff;
	_ =	sdelay $0x1  }
0x140: {  	v40 =	vadd.f32 v40, v28;
	v37 =	vld.idx.msk [tilespmem:v37+s14+$0x0], $0xffff;
	_ =	sdelay $0x1  }
0x141: {  	v39 =	vadd.f32 v39, v40;
	v36 =	vld.idx.msk [tilespmem:v36+s14+$0x0], $0xffff;
	_ =	sdelay $0x1  }
0x142: {  	v38 =	vadd.f32 v38, v39;
	v35 =	vld.idx.msk [tilespmem:v35+s14+$0x0], $0xffff;
	_ =	sdelay $0x1  }
0x143: {  	v37 =	vadd.f32 v37, v38;
	v33 =	vld.idx.msk [tilespmem:v33+s14+$0x0], $0xffff;
	_ =	sdelay $0x1  }
0x144: {  	v36 =	vadd.f32 v36, v37;
	v34 =	vld.idx.msk [tilespmem:v34+s14+$0x0], $0xffff;
	_ =	sdelay $0x1  }
0x145: {  	v35 =	vadd.f32 v35, v36;
	v32 =	vld.idx.msk [tilespmem:v32+s14+$0x0], $0xffff;
	_ =	sdelay $0x1  }
0x146: {  	v33 =	vadd.f32 v33, v35;
	v31 =	vld.idx.msk [tilespmem:v31+s14+$0x0], $0xffff;
	_ =	sdelay $0x1  }
0x147: {  	v33 =	vadd.f32 v34, v33;
	v34 =	vld.idx.msk [tilespmem:v42+s14+$0x0], $0xffff;
	_ =	sdelay $0x1  }
0x148: {  	v32 =	vadd.f32 v32, v33;
	v33 =	vld.idx.msk [tilespmem:v43+s14+$0x0], $0xffff;
	_ =	sdelay $0x1  }
0x149: {  	v31 =	vadd.f32 v31, v32;
	v32 =	vld.idx.msk [tilespmem:v44+s14+$0x0], $0xffff;
	_ =	sdelay $0x1  }
0x14a: {  	v31 =	vadd.f32 v34, v31;
	v34 =	vld.idx.msk [tilespmem:v41+s14+$0x0], $0xffff;
	_ =	sdelay $0x1  }
0x14b: {  	v31 =	vadd.f32 v33, v31;
	v33 =	vld.idx.msk [tilespmem:v45+s14+$0x0], $0xffff;
	_ =	sdelay $0x1  }
0x14c: {  	v31 =	vadd.f32 v32, v31;
	v32 =	vld.idx.msk [tilespmem:v46+s14+$0x0], $0xffff;
	_ =	sdelay $0x1  }
0x14d: {  	v31 =	vadd.f32 v34, v31;
	v34 =	vld.idx.msk [tilespmem:v47+s14+$0x0], $0xffff;
	_ =	sdelay $0x1  }
0x14e: {  	v31 =	vadd.f32 v33, v31;
	v33 =	vld.idx.msk [tilespmem:v48+s14+$0x0], $0xffff;
	_ =	sdelay $0x1  }
0x14f: {  	v31 =	vadd.f32 v32, v31;
	v32 =	vld.idx.msk [tilespmem:v49+s14+$0x0], $0xffff;
	_ =	sdelay $0x1  }
0x150: {  	v31 =	vadd.f32 v34, v31;
	v34 =	vld.idx.msk [tilespmem:v50+s14+$0x0], $0xffff;
	_ =	sdelay $0x1  }
0x151: {  	v31 =	vadd.f32 v33, v31;
	v33 =	vld.idx.msk [tilespmem:v51+s14+$0x0], $0xffff;
	_ =	sdelay $0x1  }
0x152: {  	v31 =	vadd.f32 v32, v31;
	v32 =	vld.idx.msk [tilespmem:v52+s14+$0x0], $0xffff;
	_ =	sdelay $0x1  }
0x153: {  	v31 =	vadd.f32 v34, v31;
	v34 =	vld.idx.msk [tilespmem:v53+s14+$0x0], $0xffff;
	_ =	sdelay $0x1  }
0x154: {  	v31 =	vadd.f32 v33, v31;
	v33 =	vld.idx.msk [tilespmem:v54+s14+$0x0], $0xffff;
	_ =	sdelay $0x1  }
0x155: {  	v31 =	vadd.f32 v32, v31;
	v32 =	vld.idx.msk [tilespmem:v55+s14+$0x0], $0xffff  }
0x156: {  	v35 =	vmov s22  }
0x157: {  	v35 =	vmul.u32 $0x1A, v35;
	v31 =	vadd.f32 v34, v31;
	v34 =	vld.idx.msk [tilespmem:v30+s14+$0x0], $0xffff;
	_ =	sdelay $0x1  }
0x158: {  	v30 =	vbroadcast v35, $0x0;
	v31 =	vadd.f32 v33, v31  }
.Ltmp4:
0x159: {  	(pc) =	sbr.rel @p0 .LBB2_10-.Ltmp4, $4  }
0x15a: {  	v40 =	vadd.s32 v0, v30;
	v39 =	vadd.s32 v3, v30;
	v31 =	vadd.f32 v32, v31  }
0x15b: {  	v38 =	vadd.s32 v4, v30;
	v37 =	vadd.s32 v5, v30;
	v36 =	vadd.s32 v6, v30  }
0x15c: {  	v35 =	vadd.s32 v7, v30;
	v33 =	vadd.s32 v8, v30;
	v41 =	vadd.f32 v34, v31  }
0x15d: {  	v32 =	vadd.s32 v10, v30;
	v34 =	vadd.s32 v9, v30;
	v31 =	vadd.s32 v11, v30  }
0x15e: {  	_ =	sdelay $0x2  }
0x15f: {  	[tilespmem:s20+$0x0] =	vst v41  }
0x160: {  	v40 =	vld.idx.msk [tilespmem:v40+s14+$0x0], $0xffff;
	_ =	sdelay $0x1  }
0x161: {  	v39 =	vld.idx.msk [tilespmem:v39+s14+$0x0], $0xffff;
	_ =	sdelay $0x1  }
0x162: {  	v38 =	vld.idx.msk [tilespmem:v38+s14+$0x0], $0xffff  }
0x163: {  	v40 =	vadd.f32 v40, v28  }
0x164: {  	v37 =	vld.idx.msk [tilespmem:v37+s14+$0x0], $0xffff  }
0x165: {  	v39 =	vadd.f32 v39, v40  }
0x166: {  	v36 =	vld.idx.msk [tilespmem:v36+s14+$0x0], $0xffff  }
0x167: {  	v38 =	vadd.f32 v38, v39  }
0x168: {  	v35 =	vld.idx.msk [tilespmem:v35+s14+$0x0], $0xffff  }
0x169: {  	v37 =	vadd.f32 v37, v38  }
0x16a: {  	v33 =	vld.idx.msk [tilespmem:v33+s14+$0x0], $0xffff  }
0x16b: {  	v36 =	vadd.f32 v36, v37  }
0x16c: {  	v34 =	vld.idx.msk [tilespmem:v34+s14+$0x0], $0xffff  }
0x16d: {  	v58 =	vadd.s32 v12, v30;
	v35 =	vadd.f32 v35, v36  }
0x16e: {  	v32 =	vld.idx.msk [tilespmem:v32+s14+$0x0], $0xffff  }
0x16f: {  	v59 =	vadd.s32 v13, v30;
	v33 =	vadd.f32 v33, v35  }
0x170: {  	v31 =	vld.idx.msk [tilespmem:v31+s14+$0x0], $0xffff  }
0x171: {  	v60 =	vadd.s32 v14, v30;
	v33 =	vadd.f32 v34, v33  }
0x172: {  	v61 =	vld.idx.msk [tilespmem:v58+s14+$0x0], $0xffff  }
0x173: {  	v62 =	vadd.s32 v15, v30;
	v32 =	vadd.f32 v32, v33  }
0x174: {  	v63 =	vld.idx.msk [tilespmem:v59+s14+$0x0], $0xffff  }
0x175: {  	v40 =	vadd.s32 v16, v30;
	v31 =	vadd.f32 v31, v32  }
0x176: {  	v41 =	vld.idx.msk [tilespmem:v60+s14+$0x0], $0xffff  }
0x177: {  	v42 =	vadd.s32 v17, v30;
	v31 =	vadd.f32 v61, v31  }
0x178: {  	v43 =	vld.idx.msk [tilespmem:v62+s14+$0x0], $0xffff  }
0x179: {  	v44 =	vadd.s32 v18, v30;
	v31 =	vadd.f32 v63, v31  }
0x17a: {  	v45 =	vld.idx.msk [tilespmem:v40+s14+$0x0], $0xffff  }
0x17b: {  	v46 =	vadd.s32 v19, v30;
	v31 =	vadd.f32 v41, v31  }
0x17c: {  	v47 =	vld.idx.msk [tilespmem:v42+s14+$0x0], $0xffff  }
0x17d: {  	v48 =	vadd.s32 v20, v30;
	v31 =	vadd.f32 v43, v31  }
0x17e: {  	v49 =	vld.idx.msk [tilespmem:v44+s14+$0x0], $0xffff  }
0x17f: {  	v50 =	vadd.s32 v21, v30;
	v31 =	vadd.f32 v45, v31  }
0x180: {  	v51 =	vld.idx.msk [tilespmem:v46+s14+$0x0], $0xffff  }
0x181: {  	v52 =	vadd.s32 v22, v30;
	v31 =	vadd.f32 v47, v31  }
0x182: {  	v53 =	vld.idx.msk [tilespmem:v48+s14+$0x0], $0xffff  }
0x183: {  	v54 =	vadd.s32 v23, v30;
	v31 =	vadd.f32 v49, v31  }
0x184: {  	v55 =	vld.idx.msk [tilespmem:v50+s14+$0x0], $0xffff  }
0x185: {  	v56 =	vadd.s32 v24, v30;
	v31 =	vadd.f32 v51, v31  }
0x186: {  	v57 =	vld.idx.msk [tilespmem:v52+s14+$0x0], $0xffff  }
0x187: {  	v58 =	vadd.s32 v25, v30;
	v31 =	vadd.f32 v53, v31  }
0x188: {  	v59 =	vld.idx.msk [tilespmem:v54+s14+$0x0], $0xffff  }
0x189: {  	v60 =	vadd.s32 v26, v30;
	v31 =	vadd.f32 v55, v31  }
0x18a: {  	v61 =	vld.idx.msk [tilespmem:v56+s14+$0x0], $0xffff  }
0x18b: {  	v30 =	vadd.s32 v27, v30;
	v31 =	vadd.f32 v57, v31  }
0x18c: {  	v62 =	vld.idx.msk [tilespmem:v58+s14+$0x0], $0xffff  }
0x18d: {  	v31 =	vadd.f32 v59, v31  }
0x18e: {  	v63 =	vld.idx.msk [tilespmem:v60+s14+$0x0], $0xffff  }
0x18f: {  	v31 =	vadd.f32 v61, v31  }
0x190: {  	v30 =	vld.idx.msk [tilespmem:v30+s14+$0x0], $0xffff  }
0x191: {  	v31 =	vadd.f32 v62, v31;
	_ =	sdelay $0x1  }
0x192: {  	v31 =	vadd.f32 v63, v31;
	_ =	sdelay $0x1  }
0x193: {  	v30 =	vadd.f32 v30, v31  }
0x194: {  	s31 =	sadd.s32 $0x10, s20  }
0x195: {  	s19 =	sand.u32 $0x7E0, s19;
	[tilespmem:s31+$0x0] =	vst v30  }
0x196: {  	v30 =	vld [tilespmem:s19+$0x1380];
	_ =	sdelay $0x4  }
0x197: {  	s21 =	simm.s32 $0x3A90;
	v30 =	vadd.s32 v1, v30  }
0x198: {  	s19 =	simm.s32 $0x1390;
	[tilespmem:s21+$0xFFFFFFF0] =	vst v30  }
0x199: {  	v31 =	vld [tilespmem:s19+$0x0];
	_ =	sdelay $0x2  }
0x19a: {  	v30 =	vadd.s32 $0x963E0, v29  }
0x19b: {  	vm0 =	vlt.s32 v30, $0xF424C  }
0x19c: {  	s22 =	simm.s32 $0x20;
	s23 =	simm.s32 $0x40;
	s20 =	simm.s32 $0x3AB0;
	v32 =	vadd.s32 v29, v31;
	v31 =	vsel vm0, $0x0, v2  }
.LBB2_12:
0x19d: {  	s24 =	sand.u32 $0x7E0, s22;
	s19 =	sadd.s32 $0x20, s19  }
0x19e: {  	[tilespmem:s21+$0x0] =	vst v32;
	v30 =	vadd.s32 v30, v31;
	s22 =	smov.u32 s23;
	s25 =	sadd.s32 $0x20, s23;
	s21 =	smov.u32 s20  }
0x19f: {  	p0 =	sne.s32 s23, $0x660;
	v31 =	vld [tilespmem:s24+$0x1380];
	_ =	sdelay $0x4  }
0x1a0: {  	v31 =	vadd.s32 v30, v31  }
0x1a1: {  	v30 =	vadd.s32 $0x963E0, v30;
	[tilespmem:s20+$0xFFFFFFF0] =	vst v31  }
0x1a2: {  	vm0 =	vlt.s32 v30, $0xF424C;
	v31 =	vld [tilespmem:s19+$0x0]  }
.Ltmp5:
0x1a3: {  	v32 =	vsel vm0, $0x0, v2;
	(pc) =	sbr.rel @p0 .LBB2_12-.Ltmp5, $4  }
0x1a4: {  	v32 =	vadd.s32 v30, v32  }
0x1a5: {  	v30 =	vadd.s32 $0x963E0, v32  }
0x1a6: {  	vm0 =	vlt.s32 v30, $0xF424C  }
0x1a7: {  	s23 =	smov.u32 s25;
	s20 =	sadd.s32 $0x20, s20;
	v32 =	vadd.s32 v32, v31;
	v31 =	vsel vm0, $0x0, v2  }
0x1a8: {  	s22 =	sand.u32 $0x7E0, s22;
	[tilespmem:s21+$0x0] =	vst v32  }
0x1a9: {  	v32 =	vld [tilespmem:s22+$0x1380];
	_ =	sdelay $0x3  }
0x1aa: {  	v30 =	vadd.s32 v30, v31  }
0x1ab: {  	v31 =	vadd.s32 v30, v32  }
0x1ac: {  	s19 =	sadd.s32 $0x20, s19;
	[tilespmem:s20+$0xFFFFFFF0] =	vst v31  }
0x1ad: {  	v31 =	vld [tilespmem:s19+$0x0];
	s19 =	simm.s32 $0x0  }
0x1ae: {  	v30 =	vadd.s32 $0x963E0, v30;
	v53 =	vmov s19  }
0x1af: {  	vm0 =	vlt.s32 v30, $0xF424C;
	v32 =	vmul.u32 $0x1A, v53  }
0x1b0: {  	v33 =	vsel vm0, $0x0, v2  }
0x1b1: {  	v30 =	vadd.s32 v30, v33;
	v32 =	vbroadcast v32, $0x0  }
0x1b2: {  	v30 =	vadd.s32 v30, v31  }
0x1b3: {  	[tilespmem:s20+$0x0] =	vst v30;
	v30 =	vadd.s32 v0, v32  }
0x1b4: {  	[tilespmem:s14], [sflag:$0x2] =	stream.indirect.gather [hbm4b:s4+s10], $0x1, s13, s10, $0xb8;
	[tilespmem:$0x5080] =	vst v63  }
0x1b5: {  	v31 =	vadd.s32 v3, v32;
	_ =	swait.ge [sflag:s15], $0x680  }
0x1b6: {  	[sflag:s15] =	ssyncset.done $0x0  }
0x1b7: {  	v54 =	vadd.s32 v4, v32;
	[sflag:s15] =	ssyncadd.s32 $0xFFFFF980  }
0x1b8: {  	v30 =	vld.idx.msk [tilespmem:v30+s12+$0x0], $0xffff  }
0x1b9: {  	v34 =	vadd.s32 v5, v32  }
0x1ba: {  	v31 =	vld.idx.msk [tilespmem:v31+s12+$0x0], $0xffff  }
0x1bb: {  	v35 =	vadd.s32 v6, v32  }
0x1bc: {  	v33 =	vld.idx.msk [tilespmem:v54+s12+$0x0], $0xffff  }
0x1bd: {  	v36 =	vadd.s32 v7, v32;
	v30 =	vadd.f32 v30, v28  }
0x1be: {  	v34 =	vld.idx.msk [tilespmem:v34+s12+$0x0], $0xffff  }
0x1bf: {  	v37 =	vadd.s32 v8, v32;
	v30 =	vadd.f32 v31, v30  }
0x1c0: {  	v31 =	vld.idx.msk [tilespmem:v35+s12+$0x0], $0xffff  }
0x1c1: {  	v55 =	vadd.s32 v9, v32;
	v30 =	vadd.f32 v33, v30  }
0x1c2: {  	v56 =	vld.idx.msk [tilespmem:v36+s12+$0x0], $0xffff  }
0x1c3: {  	v57 =	vadd.s32 v10, v32;
	v30 =	vadd.f32 v34, v30  }
0x1c4: {  	v58 =	vld.idx.msk [tilespmem:v37+s12+$0x0], $0xffff  }
0x1c5: {  	v59 =	vadd.s32 v11, v32;
	v30 =	vadd.f32 v31, v30  }
0x1c6: {  	v31 =	vld.idx.msk [tilespmem:v55+s12+$0x0], $0xffff  }
0x1c7: {  	v60 =	vadd.s32 v12, v32;
	v30 =	vadd.f32 v56, v30  }
0x1c8: {  	v61 =	vld.idx.msk [tilespmem:v57+s12+$0x0], $0xffff  }
0x1c9: {  	v62 =	vadd.s32 v13, v32;
	v30 =	vadd.f32 v58, v30  }
0x1ca: {  	v63 =	vld.idx.msk [tilespmem:v59+s12+$0x0], $0xffff  }
0x1cb: {  	v40 =	vadd.s32 v14, v32;
	v30 =	vadd.f32 v31, v30  }
0x1cc: {  	v31 =	vld.idx.msk [tilespmem:v60+s12+$0x0], $0xffff  }
0x1cd: {  	v41 =	vadd.s32 v15, v32;
	v30 =	vadd.f32 v61, v30  }
0x1ce: {  	v42 =	vld.idx.msk [tilespmem:v62+s12+$0x0], $0xffff  }
0x1cf: {  	v43 =	vadd.s32 v16, v32;
	v30 =	vadd.f32 v63, v30  }
0x1d0: {  	v44 =	vld.idx.msk [tilespmem:v40+s12+$0x0], $0xffff  }
0x1d1: {  	v45 =	vadd.s32 v17, v32;
	v30 =	vadd.f32 v31, v30  }
0x1d2: {  	v31 =	vld.idx.msk [tilespmem:v41+s12+$0x0], $0xffff  }
0x1d3: {  	v46 =	vadd.s32 v18, v32;
	v30 =	vadd.f32 v42, v30  }
0x1d4: {  	v47 =	vld.idx.msk [tilespmem:v43+s12+$0x0], $0xffff  }
0x1d5: {  	v48 =	vadd.s32 v19, v32;
	v30 =	vadd.f32 v44, v30  }
0x1d6: {  	v49 =	vld.idx.msk [tilespmem:v45+s12+$0x0], $0xffff  }
0x1d7: {  	v50 =	vadd.s32 v20, v32;
	v30 =	vadd.f32 v31, v30  }
0x1d8: {  	v31 =	vld.idx.msk [tilespmem:v46+s12+$0x0], $0xffff  }
0x1d9: {  	v51 =	vadd.s32 v21, v32;
	v30 =	vadd.f32 v47, v30  }
0x1da: {  	v52 =	vld.idx.msk [tilespmem:v48+s12+$0x0], $0xffff  }
0x1db: {  	v53 =	vadd.s32 v22, v32;
	v30 =	vadd.f32 v49, v30  }
0x1dc: {  	v54 =	vld.idx.msk [tilespmem:v50+s12+$0x0], $0xffff  }
0x1dd: {  	v55 =	vadd.s32 v23, v32;
	v30 =	vadd.f32 v31, v30  }
0x1de: {  	v31 =	vld.idx.msk [tilespmem:v51+s12+$0x0], $0xffff  }
0x1df: {  	v56 =	vadd.s32 v24, v32;
	v30 =	vadd.f32 v52, v30  }
0x1e0: {  	v57 =	vld.idx.msk [tilespmem:v53+s12+$0x0], $0xffff  }
0x1e1: {  	v58 =	vadd.s32 v25, v32;
	v30 =	vadd.f32 v54, v30  }
0x1e2: {  	v59 =	vld.idx.msk [tilespmem:v55+s12+$0x0], $0xffff  }
0x1e3: {  	v60 =	vadd.s32 v26, v32;
	v30 =	vadd.f32 v31, v30  }
0x1e4: {  	v31 =	vld.idx.msk [tilespmem:v56+s12+$0x0], $0xffff  }
0x1e5: {  	v32 =	vadd.s32 v27, v32;
	v30 =	vadd.f32 v57, v30  }
0x1e6: {  	s31 =	simm.s32 $0x10;
	v61 =	vld.idx.msk [tilespmem:v58+s12+$0x0], $0xffff  }
0x1e7: {  	v63 =	vmov s31;
	v30 =	vadd.f32 v59, v30  }
0x1e8: {  	v62 =	vld.idx.msk [tilespmem:v60+s12+$0x0], $0xffff;
	v35 =	vmul.u32 $0x1A, v63  }
0x1e9: {  	v31 =	vadd.f32 v31, v30  }
0x1ea: {  	v32 =	vld.idx.msk [tilespmem:v32+s12+$0x0], $0xffff;
	v30 =	vbroadcast v35, $0x0  }
0x1eb: {  	v31 =	vadd.f32 v61, v31  }
0x1ec: {  	v40 =	vadd.s32 v0, v30;
	v39 =	vadd.s32 v3, v30;
	v38 =	vadd.s32 v4, v30  }
0x1ed: {  	v37 =	vadd.s32 v5, v30;
	v36 =	vadd.s32 v6, v30;
	v31 =	vadd.f32 v62, v31  }
0x1ee: {  	v35 =	vadd.s32 v7, v30;
	v33 =	vadd.s32 v8, v30;
	v34 =	vadd.s32 v9, v30  }
0x1ef: {  	s21 =	simm.s32 $0x20;
	s20 =	simm.s32 $0x4E80;
	v41 =	vadd.f32 v32, v31;
	v32 =	vadd.s32 v10, v30;
	v31 =	vadd.s32 v11, v30  }
.LBB2_14:
0x1f0: {  	p0 =	sne.s32 s21, $0x30  }
0x1f1: {  	v42 =	vadd.s32 v12, v30;
	v43 =	vadd.s32 v13, v30;
	v44 =	vadd.s32 v14, v30;
	[tilespmem:s20+$0x0] =	vst v41;
	s20 =	sadd.s32 $0x10, s20;
	s22 =	smov.u32 s21;
	s21 =	sadd.s32 $0x10, s21  }
0x1f2: {  	v41 =	vadd.s32 v15, v30;
	v45 =	vadd.s32 v16, v30;
	v46 =	vadd.s32 v17, v30;
	v40 =	vld.idx.msk [tilespmem:v40+s12+$0x0], $0xffff  }
0x1f3: {  	v47 =	vadd.s32 v18, v30;
	v48 =	vadd.s32 v19, v30;
	v49 =	vadd.s32 v20, v30  }
0x1f4: {  	v50 =	vadd.s32 v21, v30;
	v51 =	vadd.s32 v22, v30;
	v52 =	vadd.s32 v23, v30;
	v39 =	vld.idx.msk [tilespmem:v39+s12+$0x0], $0xffff  }
0x1f5: {  	v53 =	vadd.s32 v24, v30;
	v54 =	vadd.s32 v25, v30;
	v55 =	vadd.s32 v26, v30  }
0x1f6: {  	v30 =	vadd.s32 v27, v30;
	v38 =	vld.idx.msk [tilespmem:v38+s12+$0x0], $0xffff;
	_ =	sdelay $0x1  }
0x1f7: {  	v40 =	vadd.f32 v40, v28;
	v37 =	vld.idx.msk [tilespmem:v37+s12+$0x0], $0xffff;
	_ =	sdelay $0x1  }
0x1f8: {  	v39 =	vadd.f32 v39, v40;
	v36 =	vld.idx.msk [tilespmem:v36+s12+$0x0], $0xffff;
	_ =	sdelay $0x1  }
0x1f9: {  	v38 =	vadd.f32 v38, v39;
	v35 =	vld.idx.msk [tilespmem:v35+s12+$0x0], $0xffff;
	_ =	sdelay $0x1  }
0x1fa: {  	v37 =	vadd.f32 v37, v38;
	v33 =	vld.idx.msk [tilespmem:v33+s12+$0x0], $0xffff;
	_ =	sdelay $0x1  }
0x1fb: {  	v36 =	vadd.f32 v36, v37;
	v34 =	vld.idx.msk [tilespmem:v34+s12+$0x0], $0xffff;
	_ =	sdelay $0x1  }
0x1fc: {  	v35 =	vadd.f32 v35, v36;
	v32 =	vld.idx.msk [tilespmem:v32+s12+$0x0], $0xffff;
	_ =	sdelay $0x1  }
0x1fd: {  	v33 =	vadd.f32 v33, v35;
	v31 =	vld.idx.msk [tilespmem:v31+s12+$0x0], $0xffff;
	_ =	sdelay $0x1  }
0x1fe: {  	v33 =	vadd.f32 v34, v33;
	v34 =	vld.idx.msk [tilespmem:v42+s12+$0x0], $0xffff;
	_ =	sdelay $0x1  }
0x1ff: {  	v32 =	vadd.f32 v32, v33;
	v33 =	vld.idx.msk [tilespmem:v43+s12+$0x0], $0xffff;
	_ =	sdelay $0x1  }
0x200: {  	v31 =	vadd.f32 v31, v32;
	v32 =	vld.idx.msk [tilespmem:v44+s12+$0x0], $0xffff;
	_ =	sdelay $0x1  }
0x201: {  	v31 =	vadd.f32 v34, v31;
	v34 =	vld.idx.msk [tilespmem:v41+s12+$0x0], $0xffff;
	_ =	sdelay $0x1  }
0x202: {  	v31 =	vadd.f32 v33, v31;
	v33 =	vld.idx.msk [tilespmem:v45+s12+$0x0], $0xffff;
	_ =	sdelay $0x1  }
0x203: {  	v31 =	vadd.f32 v32, v31;
	v32 =	vld.idx.msk [tilespmem:v46+s12+$0x0], $0xffff;
	_ =	sdelay $0x1  }
0x204: {  	v31 =	vadd.f32 v34, v31;
	v34 =	vld.idx.msk [tilespmem:v47+s12+$0x0], $0xffff;
	_ =	sdelay $0x1  }
0x205: {  	v31 =	vadd.f32 v33, v31;
	v33 =	vld.idx.msk [tilespmem:v48+s12+$0x0], $0xffff;
	_ =	sdelay $0x1  }
0x206: {  	v31 =	vadd.f32 v32, v31;
	v32 =	vld.idx.msk [tilespmem:v49+s12+$0x0], $0xffff;
	_ =	sdelay $0x1  }
0x207: {  	v31 =	vadd.f32 v34, v31;
	v34 =	vld.idx.msk [tilespmem:v50+s12+$0x0], $0xffff;
	_ =	sdelay $0x1  }
0x208: {  	v31 =	vadd.f32 v33, v31;
	v33 =	vld.idx.msk [tilespmem:v51+s12+$0x0], $0xffff;
	_ =	sdelay $0x1  }
0x209: {  	v31 =	vadd.f32 v32, v31;
	v32 =	vld.idx.msk [tilespmem:v52+s12+$0x0], $0xffff;
	_ =	sdelay $0x1  }
0x20a: {  	v31 =	vadd.f32 v34, v31;
	v34 =	vld.idx.msk [tilespmem:v53+s12+$0x0], $0xffff;
	_ =	sdelay $0x1  }
0x20b: {  	v31 =	vadd.f32 v33, v31;
	v33 =	vld.idx.msk [tilespmem:v54+s12+$0x0], $0xffff;
	_ =	sdelay $0x1  }
0x20c: {  	v31 =	vadd.f32 v32, v31;
	v32 =	vld.idx.msk [tilespmem:v55+s12+$0x0], $0xffff  }
0x20d: {  	v35 =	vmov s22  }
0x20e: {  	v35 =	vmul.u32 $0x1A, v35;
	v31 =	vadd.f32 v34, v31;
	v34 =	vld.idx.msk [tilespmem:v30+s12+$0x0], $0xffff;
	_ =	sdelay $0x1  }
0x20f: {  	v30 =	vbroadcast v35, $0x0;
	v31 =	vadd.f32 v33, v31  }
.Ltmp6:
0x210: {  	(pc) =	sbr.rel @p0 .LBB2_14-.Ltmp6, $4  }
0x211: {  	v40 =	vadd.s32 v0, v30;
	v39 =	vadd.s32 v3, v30;
	v31 =	vadd.f32 v32, v31  }
0x212: {  	v38 =	vadd.s32 v4, v30;
	v37 =	vadd.s32 v5, v30;
	v36 =	vadd.s32 v6, v30  }
0x213: {  	v35 =	vadd.s32 v7, v30;
	v33 =	vadd.s32 v8, v30;
	v41 =	vadd.f32 v34, v31  }
0x214: {  	v32 =	vadd.s32 v10, v30;
	v34 =	vadd.s32 v9, v30;
	v31 =	vadd.s32 v11, v30  }
0x215: {  	_ =	sdelay $0x2  }
0x216: {  	[tilespmem:s20+$0x0] =	vst v41  }
0x217: {  	v40 =	vld.idx.msk [tilespmem:v40+s12+$0x0], $0xffff;
	_ =	sdelay $0x1  }
0x218: {  	v39 =	vld.idx.msk [tilespmem:v39+s12+$0x0], $0xffff;
	_ =	sdelay $0x1  }
0x219: {  	v38 =	vld.idx.msk [tilespmem:v38+s12+$0x0], $0xffff  }
0x21a: {  	v40 =	vadd.f32 v40, v28  }
0x21b: {  	v37 =	vld.idx.msk [tilespmem:v37+s12+$0x0], $0xffff  }
0x21c: {  	v39 =	vadd.f32 v39, v40  }
0x21d: {  	v36 =	vld.idx.msk [tilespmem:v36+s12+$0x0], $0xffff  }
0x21e: {  	v38 =	vadd.f32 v38, v39  }
0x21f: {  	v35 =	vld.idx.msk [tilespmem:v35+s12+$0x0], $0xffff  }
0x220: {  	v37 =	vadd.f32 v37, v38  }
0x221: {  	v33 =	vld.idx.msk [tilespmem:v33+s12+$0x0], $0xffff  }
0x222: {  	v36 =	vadd.f32 v36, v37  }
0x223: {  	v34 =	vld.idx.msk [tilespmem:v34+s12+$0x0], $0xffff  }
0x224: {  	v58 =	vadd.s32 v12, v30;
	v35 =	vadd.f32 v35, v36  }
0x225: {  	v32 =	vld.idx.msk [tilespmem:v32+s12+$0x0], $0xffff  }
0x226: {  	v59 =	vadd.s32 v13, v30;
	v33 =	vadd.f32 v33, v35  }
0x227: {  	v31 =	vld.idx.msk [tilespmem:v31+s12+$0x0], $0xffff  }
0x228: {  	v60 =	vadd.s32 v14, v30;
	v33 =	vadd.f32 v34, v33  }
0x229: {  	v61 =	vld.idx.msk [tilespmem:v58+s12+$0x0], $0xffff  }
0x22a: {  	v62 =	vadd.s32 v15, v30;
	v32 =	vadd.f32 v32, v33  }
0x22b: {  	v63 =	vld.idx.msk [tilespmem:v59+s12+$0x0], $0xffff  }
0x22c: {  	v40 =	vadd.s32 v16, v30;
	v31 =	vadd.f32 v31, v32  }
0x22d: {  	v41 =	vld.idx.msk [tilespmem:v60+s12+$0x0], $0xffff  }
0x22e: {  	v42 =	vadd.s32 v17, v30;
	v31 =	vadd.f32 v61, v31  }
0x22f: {  	v43 =	vld.idx.msk [tilespmem:v62+s12+$0x0], $0xffff  }
0x230: {  	v44 =	vadd.s32 v18, v30;
	v31 =	vadd.f32 v63, v31  }
0x231: {  	v45 =	vld.idx.msk [tilespmem:v40+s12+$0x0], $0xffff  }
0x232: {  	v46 =	vadd.s32 v19, v30;
	v31 =	vadd.f32 v41, v31  }
0x233: {  	v47 =	vld.idx.msk [tilespmem:v42+s12+$0x0], $0xffff  }
0x234: {  	v48 =	vadd.s32 v20, v30;
	v31 =	vadd.f32 v43, v31  }
0x235: {  	v49 =	vld.idx.msk [tilespmem:v44+s12+$0x0], $0xffff  }
0x236: {  	v50 =	vadd.s32 v21, v30;
	v31 =	vadd.f32 v45, v31  }
0x237: {  	v51 =	vld.idx.msk [tilespmem:v46+s12+$0x0], $0xffff  }
0x238: {  	v52 =	vadd.s32 v22, v30;
	v31 =	vadd.f32 v47, v31  }
0x239: {  	v53 =	vld.idx.msk [tilespmem:v48+s12+$0x0], $0xffff  }
0x23a: {  	v54 =	vadd.s32 v23, v30;
	v31 =	vadd.f32 v49, v31  }
0x23b: {  	v55 =	vld.idx.msk [tilespmem:v50+s12+$0x0], $0xffff  }
0x23c: {  	v56 =	vadd.s32 v24, v30;
	v31 =	vadd.f32 v51, v31  }
0x23d: {  	v57 =	vld.idx.msk [tilespmem:v52+s12+$0x0], $0xffff  }
0x23e: {  	v58 =	vadd.s32 v25, v30;
	v31 =	vadd.f32 v53, v31  }
0x23f: {  	v59 =	vld.idx.msk [tilespmem:v54+s12+$0x0], $0xffff  }
0x240: {  	v60 =	vadd.s32 v26, v30;
	v31 =	vadd.f32 v55, v31  }
0x241: {  	v61 =	vld.idx.msk [tilespmem:v56+s12+$0x0], $0xffff  }
0x242: {  	v30 =	vadd.s32 v27, v30;
	v31 =	vadd.f32 v57, v31  }
0x243: {  	v62 =	vld.idx.msk [tilespmem:v58+s12+$0x0], $0xffff  }
0x244: {  	v31 =	vadd.f32 v59, v31  }
0x245: {  	v63 =	vld.idx.msk [tilespmem:v60+s12+$0x0], $0xffff  }
0x246: {  	v31 =	vadd.f32 v61, v31  }
0x247: {  	v30 =	vld.idx.msk [tilespmem:v30+s12+$0x0], $0xffff  }
0x248: {  	v31 =	vadd.f32 v62, v31;
	_ =	sdelay $0x1  }
0x249: {  	v31 =	vadd.f32 v63, v31;
	_ =	sdelay $0x1  }
0x24a: {  	v30 =	vadd.f32 v30, v31  }
0x24b: {  	s31 =	sadd.s32 $0x10, s20  }
0x24c: {  	s19 =	sand.u32 $0x7E0, s19;
	[tilespmem:s31+$0x0] =	vst v30  }
0x24d: {  	v30 =	vld [tilespmem:s19+$0x1A00];
	_ =	sdelay $0x4  }
0x24e: {  	s21 =	simm.s32 $0x3410;
	v30 =	vadd.s32 v1, v30  }
0x24f: {  	s19 =	simm.s32 $0x1A10;
	[tilespmem:s21+$0xFFFFFFF0] =	vst v30  }
0x250: {  	v31 =	vld [tilespmem:s19+$0x0];
	_ =	sdelay $0x2  }
0x251: {  	v30 =	vadd.s32 $0x963E0, v29  }
0x252: {  	vm0 =	vlt.s32 v30, $0xF424C  }
0x253: {  	s22 =	simm.s32 $0x20;
	s23 =	simm.s32 $0x40;
	s20 =	simm.s32 $0x3430;
	v32 =	vadd.s32 v29, v31;
	v31 =	vsel vm0, $0x0, v2  }
.LBB2_16:
0x254: {  	s24 =	sand.u32 $0x7E0, s22;
	s19 =	sadd.s32 $0x20, s19  }
0x255: {  	[tilespmem:s21+$0x0] =	vst v32;
	v30 =	vadd.s32 v30, v31;
	s22 =	smov.u32 s23;
	s25 =	sadd.s32 $0x20, s23;
	s21 =	smov.u32 s20  }
0x256: {  	p0 =	sne.s32 s23, $0x660;
	v31 =	vld [tilespmem:s24+$0x1A00];
	_ =	sdelay $0x4  }
0x257: {  	v31 =	vadd.s32 v30, v31  }
0x258: {  	v30 =	vadd.s32 $0x963E0, v30;
	[tilespmem:s20+$0xFFFFFFF0] =	vst v31  }
0x259: {  	vm0 =	vlt.s32 v30, $0xF424C;
	v31 =	vld [tilespmem:s19+$0x0]  }
.Ltmp7:
0x25a: {  	v32 =	vsel vm0, $0x0, v2;
	(pc) =	sbr.rel @p0 .LBB2_16-.Ltmp7, $4  }
0x25b: {  	v32 =	vadd.s32 v30, v32  }
0x25c: {  	v30 =	vadd.s32 $0x963E0, v32  }
0x25d: {  	vm0 =	vlt.s32 v30, $0xF424C  }
0x25e: {  	s23 =	smov.u32 s25;
	s20 =	sadd.s32 $0x20, s20;
	v32 =	vadd.s32 v32, v31;
	v31 =	vsel vm0, $0x0, v2  }
0x25f: {  	s22 =	sand.u32 $0x7E0, s22;
	[tilespmem:s21+$0x0] =	vst v32  }
0x260: {  	v32 =	vld [tilespmem:s22+$0x1A00];
	_ =	sdelay $0x3  }
0x261: {  	v30 =	vadd.s32 v30, v31  }
0x262: {  	v31 =	vadd.s32 v30, v32  }
0x263: {  	s19 =	sadd.s32 $0x20, s19;
	[tilespmem:s20+$0xFFFFFFF0] =	vst v31  }
0x264: {  	v31 =	vld [tilespmem:s19+$0x0];
	s19 =	simm.s32 $0x0  }
0x265: {  	v30 =	vadd.s32 $0x963E0, v30;
	v53 =	vmov s19  }
0x266: {  	vm0 =	vlt.s32 v30, $0xF424C;
	v32 =	vmul.u32 $0x1A, v53  }
0x267: {  	v33 =	vsel vm0, $0x0, v2  }
0x268: {  	v30 =	vadd.s32 v30, v33;
	v32 =	vbroadcast v32, $0x0  }
0x269: {  	v30 =	vadd.s32 v30, v31  }
0x26a: {  	[tilespmem:s20+$0x0] =	vst v30;
	v30 =	vadd.s32 v0, v32  }
0x26b: {  	[tilespmem:s12], [sflag:$0x1] =	stream.indirect.gather [hbm4b:s4+s10], $0x1, s11, s10, $0xb8;
	[tilespmem:$0x5080] =	vst v63  }
0x26c: {  	v31 =	vadd.s32 v3, v32;
	_ =	swait.ge [sflag:s16], $0x680  }
0x26d: {  	[sflag:s16] =	ssyncset.done $0x0  }
0x26e: {  	v54 =	vadd.s32 v4, v32;
	[sflag:s16] =	ssyncadd.s32 $0xFFFFF980  }
0x26f: {  	v30 =	vld.idx.msk [tilespmem:v30+s14+$0x0], $0xffff  }
0x270: {  	v34 =	vadd.s32 v5, v32  }
0x271: {  	v31 =	vld.idx.msk [tilespmem:v31+s14+$0x0], $0xffff  }
0x272: {  	v35 =	vadd.s32 v6, v32  }
0x273: {  	v33 =	vld.idx.msk [tilespmem:v54+s14+$0x0], $0xffff  }
0x274: {  	v36 =	vadd.s32 v7, v32;
	v30 =	vadd.f32 v30, v28  }
0x275: {  	v34 =	vld.idx.msk [tilespmem:v34+s14+$0x0], $0xffff  }
0x276: {  	v37 =	vadd.s32 v8, v32;
	v30 =	vadd.f32 v31, v30  }
0x277: {  	v31 =	vld.idx.msk [tilespmem:v35+s14+$0x0], $0xffff  }
0x278: {  	v55 =	vadd.s32 v9, v32;
	v30 =	vadd.f32 v33, v30  }
0x279: {  	v56 =	vld.idx.msk [tilespmem:v36+s14+$0x0], $0xffff  }
0x27a: {  	v57 =	vadd.s32 v10, v32;
	v30 =	vadd.f32 v34, v30  }
0x27b: {  	v58 =	vld.idx.msk [tilespmem:v37+s14+$0x0], $0xffff  }
0x27c: {  	v59 =	vadd.s32 v11, v32;
	v30 =	vadd.f32 v31, v30  }
0x27d: {  	v31 =	vld.idx.msk [tilespmem:v55+s14+$0x0], $0xffff  }
0x27e: {  	v60 =	vadd.s32 v12, v32;
	v30 =	vadd.f32 v56, v30  }
0x27f: {  	v61 =	vld.idx.msk [tilespmem:v57+s14+$0x0], $0xffff  }
0x280: {  	v62 =	vadd.s32 v13, v32;
	v30 =	vadd.f32 v58, v30  }
0x281: {  	v63 =	vld.idx.msk [tilespmem:v59+s14+$0x0], $0xffff  }
0x282: {  	v40 =	vadd.s32 v14, v32;
	v30 =	vadd.f32 v31, v30  }
0x283: {  	v31 =	vld.idx.msk [tilespmem:v60+s14+$0x0], $0xffff  }
0x284: {  	v41 =	vadd.s32 v15, v32;
	v30 =	vadd.f32 v61, v30  }
0x285: {  	v42 =	vld.idx.msk [tilespmem:v62+s14+$0x0], $0xffff  }
0x286: {  	v43 =	vadd.s32 v16, v32;
	v30 =	vadd.f32 v63, v30  }
0x287: {  	v44 =	vld.idx.msk [tilespmem:v40+s14+$0x0], $0xffff  }
0x288: {  	v45 =	vadd.s32 v17, v32;
	v30 =	vadd.f32 v31, v30  }
0x289: {  	v31 =	vld.idx.msk [tilespmem:v41+s14+$0x0], $0xffff  }
0x28a: {  	v46 =	vadd.s32 v18, v32;
	v30 =	vadd.f32 v42, v30  }
0x28b: {  	v47 =	vld.idx.msk [tilespmem:v43+s14+$0x0], $0xffff  }
0x28c: {  	v48 =	vadd.s32 v19, v32;
	v30 =	vadd.f32 v44, v30  }
0x28d: {  	v49 =	vld.idx.msk [tilespmem:v45+s14+$0x0], $0xffff  }
0x28e: {  	v50 =	vadd.s32 v20, v32;
	v30 =	vadd.f32 v31, v30  }
0x28f: {  	v31 =	vld.idx.msk [tilespmem:v46+s14+$0x0], $0xffff  }
0x290: {  	v51 =	vadd.s32 v21, v32;
	v30 =	vadd.f32 v47, v30  }
0x291: {  	v52 =	vld.idx.msk [tilespmem:v48+s14+$0x0], $0xffff  }
0x292: {  	v53 =	vadd.s32 v22, v32;
	v30 =	vadd.f32 v49, v30  }
0x293: {  	v54 =	vld.idx.msk [tilespmem:v50+s14+$0x0], $0xffff  }
0x294: {  	v55 =	vadd.s32 v23, v32;
	v30 =	vadd.f32 v31, v30  }
0x295: {  	v31 =	vld.idx.msk [tilespmem:v51+s14+$0x0], $0xffff  }
0x296: {  	v56 =	vadd.s32 v24, v32;
	v30 =	vadd.f32 v52, v30  }
0x297: {  	v57 =	vld.idx.msk [tilespmem:v53+s14+$0x0], $0xffff  }
0x298: {  	v58 =	vadd.s32 v25, v32;
	v30 =	vadd.f32 v54, v30  }
0x299: {  	v59 =	vld.idx.msk [tilespmem:v55+s14+$0x0], $0xffff  }
0x29a: {  	v60 =	vadd.s32 v26, v32;
	v30 =	vadd.f32 v31, v30  }
0x29b: {  	v31 =	vld.idx.msk [tilespmem:v56+s14+$0x0], $0xffff  }
0x29c: {  	v32 =	vadd.s32 v27, v32;
	v30 =	vadd.f32 v57, v30  }
0x29d: {  	s31 =	simm.s32 $0x10;
	v61 =	vld.idx.msk [tilespmem:v58+s14+$0x0], $0xffff  }
0x29e: {  	v63 =	vmov s31;
	v30 =	vadd.f32 v59, v30  }
0x29f: {  	v62 =	vld.idx.msk [tilespmem:v60+s14+$0x0], $0xffff;
	v35 =	vmul.u32 $0x1A, v63  }
0x2a0: {  	v31 =	vadd.f32 v31, v30  }
0x2a1: {  	v32 =	vld.idx.msk [tilespmem:v32+s14+$0x0], $0xffff;
	v30 =	vbroadcast v35, $0x0  }
0x2a2: {  	v31 =	vadd.f32 v61, v31  }
0x2a3: {  	v40 =	vadd.s32 v0, v30;
	v39 =	vadd.s32 v3, v30;
	v38 =	vadd.s32 v4, v30  }
0x2a4: {  	v37 =	vadd.s32 v5, v30;
	v36 =	vadd.s32 v6, v30;
	v31 =	vadd.f32 v62, v31  }
0x2a5: {  	v35 =	vadd.s32 v7, v30;
	v33 =	vadd.s32 v8, v30;
	v34 =	vadd.s32 v9, v30  }
0x2a6: {  	s21 =	simm.s32 $0x20;
	s20 =	simm.s32 $0x4EC0;
	v41 =	vadd.f32 v32, v31;
	v32 =	vadd.s32 v10, v30;
	v31 =	vadd.s32 v11, v30  }
.LBB2_18:
0x2a7: {  	p0 =	sne.s32 s21, $0x30  }
0x2a8: {  	v42 =	vadd.s32 v12, v30;
	v43 =	vadd.s32 v13, v30;
	v44 =	vadd.s32 v14, v30;
	[tilespmem:s20+$0x0] =	vst v41;
	s20 =	sadd.s32 $0x10, s20;
	s22 =	smov.u32 s21;
	s21 =	sadd.s32 $0x10, s21  }
0x2a9: {  	v41 =	vadd.s32 v15, v30;
	v45 =	vadd.s32 v16, v30;
	v46 =	vadd.s32 v17, v30;
	v40 =	vld.idx.msk [tilespmem:v40+s14+$0x0], $0xffff  }
0x2aa: {  	v47 =	vadd.s32 v18, v30;
	v48 =	vadd.s32 v19, v30;
	v49 =	vadd.s32 v20, v30  }
0x2ab: {  	v50 =	vadd.s32 v21, v30;
	v51 =	vadd.s32 v22, v30;
	v52 =	vadd.s32 v23, v30;
	v39 =	vld.idx.msk [tilespmem:v39+s14+$0x0], $0xffff  }
0x2ac: {  	v53 =	vadd.s32 v24, v30;
	v54 =	vadd.s32 v25, v30;
	v55 =	vadd.s32 v26, v30  }
0x2ad: {  	v30 =	vadd.s32 v27, v30;
	v38 =	vld.idx.msk [tilespmem:v38+s14+$0x0], $0xffff;
	_ =	sdelay $0x1  }
0x2ae: {  	v40 =	vadd.f32 v40, v28;
	v37 =	vld.idx.msk [tilespmem:v37+s14+$0x0], $0xffff;
	_ =	sdelay $0x1  }
0x2af: {  	v39 =	vadd.f32 v39, v40;
	v36 =	vld.idx.msk [tilespmem:v36+s14+$0x0], $0xffff;
	_ =	sdelay $0x1  }
0x2b0: {  	v38 =	vadd.f32 v38, v39;
	v35 =	vld.idx.msk [tilespmem:v35+s14+$0x0], $0xffff;
	_ =	sdelay $0x1  }
0x2b1: {  	v37 =	vadd.f32 v37, v38;
	v33 =	vld.idx.msk [tilespmem:v33+s14+$0x0], $0xffff;
	_ =	sdelay $0x1  }
0x2b2: {  	v36 =	vadd.f32 v36, v37;
	v34 =	vld.idx.msk [tilespmem:v34+s14+$0x0], $0xffff;
	_ =	sdelay $0x1  }
0x2b3: {  	v35 =	vadd.f32 v35, v36;
	v32 =	vld.idx.msk [tilespmem:v32+s14+$0x0], $0xffff;
	_ =	sdelay $0x1  }
0x2b4: {  	v33 =	vadd.f32 v33, v35;
	v31 =	vld.idx.msk [tilespmem:v31+s14+$0x0], $0xffff;
	_ =	sdelay $0x1  }
0x2b5: {  	v33 =	vadd.f32 v34, v33;
	v34 =	vld.idx.msk [tilespmem:v42+s14+$0x0], $0xffff;
	_ =	sdelay $0x1  }
0x2b6: {  	v32 =	vadd.f32 v32, v33;
	v33 =	vld.idx.msk [tilespmem:v43+s14+$0x0], $0xffff;
	_ =	sdelay $0x1  }
0x2b7: {  	v31 =	vadd.f32 v31, v32;
	v32 =	vld.idx.msk [tilespmem:v44+s14+$0x0], $0xffff;
	_ =	sdelay $0x1  }
0x2b8: {  	v31 =	vadd.f32 v34, v31;
	v34 =	vld.idx.msk [tilespmem:v41+s14+$0x0], $0xffff;
	_ =	sdelay $0x1  }
0x2b9: {  	v31 =	vadd.f32 v33, v31;
	v33 =	vld.idx.msk [tilespmem:v45+s14+$0x0], $0xffff;
	_ =	sdelay $0x1  }
0x2ba: {  	v31 =	vadd.f32 v32, v31;
	v32 =	vld.idx.msk [tilespmem:v46+s14+$0x0], $0xffff;
	_ =	sdelay $0x1  }
0x2bb: {  	v31 =	vadd.f32 v34, v31;
	v34 =	vld.idx.msk [tilespmem:v47+s14+$0x0], $0xffff;
	_ =	sdelay $0x1  }
0x2bc: {  	v31 =	vadd.f32 v33, v31;
	v33 =	vld.idx.msk [tilespmem:v48+s14+$0x0], $0xffff;
	_ =	sdelay $0x1  }
0x2bd: {  	v31 =	vadd.f32 v32, v31;
	v32 =	vld.idx.msk [tilespmem:v49+s14+$0x0], $0xffff;
	_ =	sdelay $0x1  }
0x2be: {  	v31 =	vadd.f32 v34, v31;
	v34 =	vld.idx.msk [tilespmem:v50+s14+$0x0], $0xffff;
	_ =	sdelay $0x1  }
0x2bf: {  	v31 =	vadd.f32 v33, v31;
	v33 =	vld.idx.msk [tilespmem:v51+s14+$0x0], $0xffff;
	_ =	sdelay $0x1  }
0x2c0: {  	v31 =	vadd.f32 v32, v31;
	v32 =	vld.idx.msk [tilespmem:v52+s14+$0x0], $0xffff;
	_ =	sdelay $0x1  }
0x2c1: {  	v31 =	vadd.f32 v34, v31;
	v34 =	vld.idx.msk [tilespmem:v53+s14+$0x0], $0xffff;
	_ =	sdelay $0x1  }
0x2c2: {  	v31 =	vadd.f32 v33, v31;
	v33 =	vld.idx.msk [tilespmem:v54+s14+$0x0], $0xffff;
	_ =	sdelay $0x1  }
0x2c3: {  	v31 =	vadd.f32 v32, v31;
	v32 =	vld.idx.msk [tilespmem:v55+s14+$0x0], $0xffff  }
0x2c4: {  	v35 =	vmov s22  }
0x2c5: {  	v35 =	vmul.u32 $0x1A, v35;
	v31 =	vadd.f32 v34, v31;
	v34 =	vld.idx.msk [tilespmem:v30+s14+$0x0], $0xffff;
	_ =	sdelay $0x1  }
0x2c6: {  	v30 =	vbroadcast v35, $0x0;
	v31 =	vadd.f32 v33, v31  }
.Ltmp8:
0x2c7: {  	(pc) =	sbr.rel @p0 .LBB2_18-.Ltmp8, $4  }
0x2c8: {  	v40 =	vadd.s32 v0, v30;
	v39 =	vadd.s32 v3, v30;
	v31 =	vadd.f32 v32, v31  }
0x2c9: {  	v38 =	vadd.s32 v4, v30;
	v37 =	vadd.s32 v5, v30;
	v36 =	vadd.s32 v6, v30  }
0x2ca: {  	v35 =	vadd.s32 v7, v30;
	v33 =	vadd.s32 v8, v30;
	v41 =	vadd.f32 v34, v31  }
0x2cb: {  	v32 =	vadd.s32 v10, v30;
	v34 =	vadd.s32 v9, v30;
	v31 =	vadd.s32 v11, v30  }
0x2cc: {  	_ =	sdelay $0x2  }
0x2cd: {  	[tilespmem:s20+$0x0] =	vst v41  }
0x2ce: {  	v40 =	vld.idx.msk [tilespmem:v40+s14+$0x0], $0xffff;
	_ =	sdelay $0x1  }
0x2cf: {  	v39 =	vld.idx.msk [tilespmem:v39+s14+$0x0], $0xffff;
	_ =	sdelay $0x1  }
0x2d0: {  	v38 =	vld.idx.msk [tilespmem:v38+s14+$0x0], $0xffff  }
0x2d1: {  	v40 =	vadd.f32 v40, v28  }
0x2d2: {  	v37 =	vld.idx.msk [tilespmem:v37+s14+$0x0], $0xffff  }
0x2d3: {  	v39 =	vadd.f32 v39, v40  }
0x2d4: {  	v36 =	vld.idx.msk [tilespmem:v36+s14+$0x0], $0xffff  }
0x2d5: {  	v38 =	vadd.f32 v38, v39  }
0x2d6: {  	v35 =	vld.idx.msk [tilespmem:v35+s14+$0x0], $0xffff  }
0x2d7: {  	v37 =	vadd.f32 v37, v38  }
0x2d8: {  	v33 =	vld.idx.msk [tilespmem:v33+s14+$0x0], $0xffff  }
0x2d9: {  	v36 =	vadd.f32 v36, v37  }
0x2da: {  	v34 =	vld.idx.msk [tilespmem:v34+s14+$0x0], $0xffff  }
0x2db: {  	v58 =	vadd.s32 v12, v30;
	v35 =	vadd.f32 v35, v36  }
0x2dc: {  	v32 =	vld.idx.msk [tilespmem:v32+s14+$0x0], $0xffff  }
0x2dd: {  	v59 =	vadd.s32 v13, v30;
	v33 =	vadd.f32 v33, v35  }
0x2de: {  	v31 =	vld.idx.msk [tilespmem:v31+s14+$0x0], $0xffff  }
0x2df: {  	v60 =	vadd.s32 v14, v30;
	v33 =	vadd.f32 v34, v33  }
0x2e0: {  	v61 =	vld.idx.msk [tilespmem:v58+s14+$0x0], $0xffff  }
0x2e1: {  	v62 =	vadd.s32 v15, v30;
	v32 =	vadd.f32 v32, v33  }
0x2e2: {  	v63 =	vld.idx.msk [tilespmem:v59+s14+$0x0], $0xffff  }
0x2e3: {  	v40 =	vadd.s32 v16, v30;
	v31 =	vadd.f32 v31, v32  }
0x2e4: {  	v41 =	vld.idx.msk [tilespmem:v60+s14+$0x0], $0xffff  }
0x2e5: {  	v42 =	vadd.s32 v17, v30;
	v31 =	vadd.f32 v61, v31  }
0x2e6: {  	v43 =	vld.idx.msk [tilespmem:v62+s14+$0x0], $0xffff  }
0x2e7: {  	v44 =	vadd.s32 v18, v30;
	v31 =	vadd.f32 v63, v31  }
0x2e8: {  	v45 =	vld.idx.msk [tilespmem:v40+s14+$0x0], $0xffff  }
0x2e9: {  	v46 =	vadd.s32 v19, v30;
	v31 =	vadd.f32 v41, v31  }
0x2ea: {  	v47 =	vld.idx.msk [tilespmem:v42+s14+$0x0], $0xffff  }
0x2eb: {  	v48 =	vadd.s32 v20, v30;
	v31 =	vadd.f32 v43, v31  }
0x2ec: {  	v49 =	vld.idx.msk [tilespmem:v44+s14+$0x0], $0xffff  }
0x2ed: {  	v50 =	vadd.s32 v21, v30;
	v31 =	vadd.f32 v45, v31  }
0x2ee: {  	v51 =	vld.idx.msk [tilespmem:v46+s14+$0x0], $0xffff  }
0x2ef: {  	v52 =	vadd.s32 v22, v30;
	v31 =	vadd.f32 v47, v31  }
0x2f0: {  	v53 =	vld.idx.msk [tilespmem:v48+s14+$0x0], $0xffff  }
0x2f1: {  	v54 =	vadd.s32 v23, v30;
	v31 =	vadd.f32 v49, v31  }
0x2f2: {  	v55 =	vld.idx.msk [tilespmem:v50+s14+$0x0], $0xffff  }
0x2f3: {  	v56 =	vadd.s32 v24, v30;
	v31 =	vadd.f32 v51, v31  }
0x2f4: {  	v57 =	vld.idx.msk [tilespmem:v52+s14+$0x0], $0xffff  }
0x2f5: {  	v58 =	vadd.s32 v25, v30;
	v31 =	vadd.f32 v53, v31  }
0x2f6: {  	v59 =	vld.idx.msk [tilespmem:v54+s14+$0x0], $0xffff  }
0x2f7: {  	v60 =	vadd.s32 v26, v30;
	v31 =	vadd.f32 v55, v31  }
0x2f8: {  	v61 =	vld.idx.msk [tilespmem:v56+s14+$0x0], $0xffff  }
0x2f9: {  	v30 =	vadd.s32 v27, v30;
	v31 =	vadd.f32 v57, v31  }
0x2fa: {  	v62 =	vld.idx.msk [tilespmem:v58+s14+$0x0], $0xffff  }
0x2fb: {  	v31 =	vadd.f32 v59, v31  }
0x2fc: {  	v63 =	vld.idx.msk [tilespmem:v60+s14+$0x0], $0xffff  }
0x2fd: {  	v31 =	vadd.f32 v61, v31  }
0x2fe: {  	v30 =	vld.idx.msk [tilespmem:v30+s14+$0x0], $0xffff  }
0x2ff: {  	v31 =	vadd.f32 v62, v31;
	_ =	sdelay $0x1  }
0x300: {  	v31 =	vadd.f32 v63, v31;
	_ =	sdelay $0x1  }
0x301: {  	v30 =	vadd.f32 v30, v31  }
0x302: {  	s31 =	sadd.s32 $0x10, s20  }
0x303: {  	s19 =	sand.u32 $0x7E0, s19;
	[tilespmem:s31+$0x0] =	vst v30  }
0x304: {  	v30 =	vld [tilespmem:s19+$0x2080];
	_ =	sdelay $0x4  }
0x305: {  	s21 =	simm.s32 $0x3A90;
	v30 =	vadd.s32 v1, v30  }
0x306: {  	s19 =	simm.s32 $0x2090;
	[tilespmem:s21+$0xFFFFFFF0] =	vst v30  }
0x307: {  	v31 =	vld [tilespmem:s19+$0x0];
	_ =	sdelay $0x2  }
0x308: {  	v30 =	vadd.s32 $0x963E0, v29  }
0x309: {  	vm0 =	vlt.s32 v30, $0xF424C  }
0x30a: {  	s22 =	simm.s32 $0x20;
	s23 =	simm.s32 $0x40;
	s20 =	simm.s32 $0x3AB0;
	v32 =	vadd.s32 v29, v31;
	v31 =	vsel vm0, $0x0, v2  }
.LBB2_20:
0x30b: {  	s24 =	sand.u32 $0x7E0, s22;
	s19 =	sadd.s32 $0x20, s19  }
0x30c: {  	[tilespmem:s21+$0x0] =	vst v32;
	v30 =	vadd.s32 v30, v31;
	s22 =	smov.u32 s23;
	s25 =	sadd.s32 $0x20, s23;
	s21 =	smov.u32 s20  }
0x30d: {  	p0 =	sne.s32 s23, $0x660;
	v31 =	vld [tilespmem:s24+$0x2080];
	_ =	sdelay $0x4  }
0x30e: {  	v31 =	vadd.s32 v30, v31  }
0x30f: {  	v30 =	vadd.s32 $0x963E0, v30;
	[tilespmem:s20+$0xFFFFFFF0] =	vst v31  }
0x310: {  	vm0 =	vlt.s32 v30, $0xF424C;
	v31 =	vld [tilespmem:s19+$0x0]  }
.Ltmp9:
0x311: {  	v32 =	vsel vm0, $0x0, v2;
	(pc) =	sbr.rel @p0 .LBB2_20-.Ltmp9, $4  }
0x312: {  	v32 =	vadd.s32 v30, v32  }
0x313: {  	v30 =	vadd.s32 $0x963E0, v32  }
0x314: {  	vm0 =	vlt.s32 v30, $0xF424C  }
0x315: {  	s23 =	smov.u32 s25;
	s20 =	sadd.s32 $0x20, s20;
	v32 =	vadd.s32 v32, v31;
	v31 =	vsel vm0, $0x0, v2  }
0x316: {  	s22 =	sand.u32 $0x7E0, s22;
	[tilespmem:s21+$0x0] =	vst v32  }
0x317: {  	v32 =	vld [tilespmem:s22+$0x2080];
	_ =	sdelay $0x3  }
0x318: {  	v30 =	vadd.s32 v30, v31  }
0x319: {  	v31 =	vadd.s32 v30, v32  }
0x31a: {  	s19 =	sadd.s32 $0x20, s19;
	[tilespmem:s20+$0xFFFFFFF0] =	vst v31  }
0x31b: {  	v31 =	vld [tilespmem:s19+$0x0];
	s19 =	simm.s32 $0x0  }
0x31c: {  	v30 =	vadd.s32 $0x963E0, v30;
	v53 =	vmov s19  }
0x31d: {  	vm0 =	vlt.s32 v30, $0xF424C;
	v32 =	vmul.u32 $0x1A, v53  }
0x31e: {  	v33 =	vsel vm0, $0x0, v2  }
0x31f: {  	v30 =	vadd.s32 v30, v33;
	v32 =	vbroadcast v32, $0x0  }
0x320: {  	v30 =	vadd.s32 v30, v31  }
0x321: {  	[tilespmem:s20+$0x0] =	vst v30;
	v30 =	vadd.s32 v0, v32  }
0x322: {  	[tilespmem:s14], [sflag:$0x2] =	stream.indirect.gather [hbm4b:s4+s10], $0x1, s13, s10, $0xb8;
	[tilespmem:$0x5080] =	vst v63  }
0x323: {  	v31 =	vadd.s32 v3, v32;
	_ =	swait.ge [sflag:s15], $0x680  }
0x324: {  	[sflag:s15] =	ssyncset.done $0x0  }
0x325: {  	v54 =	vadd.s32 v4, v32;
	[sflag:s15] =	ssyncadd.s32 $0xFFFFF980  }
0x326: {  	v30 =	vld.idx.msk [tilespmem:v30+s12+$0x0], $0xffff  }
0x327: {  	v34 =	vadd.s32 v5, v32  }
0x328: {  	v31 =	vld.idx.msk [tilespmem:v31+s12+$0x0], $0xffff  }
0x329: {  	v35 =	vadd.s32 v6, v32  }
0x32a: {  	v33 =	vld.idx.msk [tilespmem:v54+s12+$0x0], $0xffff  }
0x32b: {  	v36 =	vadd.s32 v7, v32;
	v30 =	vadd.f32 v30, v28  }
0x32c: {  	v34 =	vld.idx.msk [tilespmem:v34+s12+$0x0], $0xffff  }
0x32d: {  	v37 =	vadd.s32 v8, v32;
	v30 =	vadd.f32 v31, v30  }
0x32e: {  	v31 =	vld.idx.msk [tilespmem:v35+s12+$0x0], $0xffff  }
0x32f: {  	v55 =	vadd.s32 v9, v32;
	v30 =	vadd.f32 v33, v30  }
0x330: {  	v56 =	vld.idx.msk [tilespmem:v36+s12+$0x0], $0xffff  }
0x331: {  	v57 =	vadd.s32 v10, v32;
	v30 =	vadd.f32 v34, v30  }
0x332: {  	v58 =	vld.idx.msk [tilespmem:v37+s12+$0x0], $0xffff  }
0x333: {  	v59 =	vadd.s32 v11, v32;
	v30 =	vadd.f32 v31, v30  }
0x334: {  	v31 =	vld.idx.msk [tilespmem:v55+s12+$0x0], $0xffff  }
0x335: {  	v60 =	vadd.s32 v12, v32;
	v30 =	vadd.f32 v56, v30  }
0x336: {  	v61 =	vld.idx.msk [tilespmem:v57+s12+$0x0], $0xffff  }
0x337: {  	v62 =	vadd.s32 v13, v32;
	v30 =	vadd.f32 v58, v30  }
0x338: {  	v63 =	vld.idx.msk [tilespmem:v59+s12+$0x0], $0xffff  }
0x339: {  	v40 =	vadd.s32 v14, v32;
	v30 =	vadd.f32 v31, v30  }
0x33a: {  	v31 =	vld.idx.msk [tilespmem:v60+s12+$0x0], $0xffff  }
0x33b: {  	v41 =	vadd.s32 v15, v32;
	v30 =	vadd.f32 v61, v30  }
0x33c: {  	v42 =	vld.idx.msk [tilespmem:v62+s12+$0x0], $0xffff  }
0x33d: {  	v43 =	vadd.s32 v16, v32;
	v30 =	vadd.f32 v63, v30  }
0x33e: {  	v44 =	vld.idx.msk [tilespmem:v40+s12+$0x0], $0xffff  }
0x33f: {  	v45 =	vadd.s32 v17, v32;
	v30 =	vadd.f32 v31, v30  }
0x340: {  	v31 =	vld.idx.msk [tilespmem:v41+s12+$0x0], $0xffff  }
0x341: {  	v46 =	vadd.s32 v18, v32;
	v30 =	vadd.f32 v42, v30  }
0x342: {  	v47 =	vld.idx.msk [tilespmem:v43+s12+$0x0], $0xffff  }
0x343: {  	v48 =	vadd.s32 v19, v32;
	v30 =	vadd.f32 v44, v30  }
0x344: {  	v49 =	vld.idx.msk [tilespmem:v45+s12+$0x0], $0xffff  }
0x345: {  	v50 =	vadd.s32 v20, v32;
	v30 =	vadd.f32 v31, v30  }
0x346: {  	v31 =	vld.idx.msk [tilespmem:v46+s12+$0x0], $0xffff  }
0x347: {  	v51 =	vadd.s32 v21, v32;
	v30 =	vadd.f32 v47, v30  }
0x348: {  	v52 =	vld.idx.msk [tilespmem:v48+s12+$0x0], $0xffff  }
0x349: {  	v53 =	vadd.s32 v22, v32;
	v30 =	vadd.f32 v49, v30  }
0x34a: {  	v54 =	vld.idx.msk [tilespmem:v50+s12+$0x0], $0xffff  }
0x34b: {  	v55 =	vadd.s32 v23, v32;
	v30 =	vadd.f32 v31, v30  }
0x34c: {  	v31 =	vld.idx.msk [tilespmem:v51+s12+$0x0], $0xffff  }
0x34d: {  	v56 =	vadd.s32 v24, v32;
	v30 =	vadd.f32 v52, v30  }
0x34e: {  	v57 =	vld.idx.msk [tilespmem:v53+s12+$0x0], $0xffff  }
0x34f: {  	v58 =	vadd.s32 v25, v32;
	v30 =	vadd.f32 v54, v30  }
0x350: {  	v59 =	vld.idx.msk [tilespmem:v55+s12+$0x0], $0xffff  }
0x351: {  	v60 =	vadd.s32 v26, v32;
	v30 =	vadd.f32 v31, v30  }
0x352: {  	v31 =	vld.idx.msk [tilespmem:v56+s12+$0x0], $0xffff  }
0x353: {  	v32 =	vadd.s32 v27, v32;
	v30 =	vadd.f32 v57, v30  }
0x354: {  	s31 =	simm.s32 $0x10;
	v61 =	vld.idx.msk [tilespmem:v58+s12+$0x0], $0xffff  }
0x355: {  	v63 =	vmov s31;
	v30 =	vadd.f32 v59, v30  }
0x356: {  	v62 =	vld.idx.msk [tilespmem:v60+s12+$0x0], $0xffff;
	v35 =	vmul.u32 $0x1A, v63  }
0x357: {  	v31 =	vadd.f32 v31, v30  }
0x358: {  	v32 =	vld.idx.msk [tilespmem:v32+s12+$0x0], $0xffff;
	v30 =	vbroadcast v35, $0x0  }
0x359: {  	v31 =	vadd.f32 v61, v31  }
0x35a: {  	v40 =	vadd.s32 v0, v30;
	v39 =	vadd.s32 v3, v30;
	v38 =	vadd.s32 v4, v30  }
0x35b: {  	v37 =	vadd.s32 v5, v30;
	v36 =	vadd.s32 v6, v30;
	v31 =	vadd.f32 v62, v31  }
0x35c: {  	v35 =	vadd.s32 v7, v30;
	v33 =	vadd.s32 v8, v30;
	v34 =	vadd.s32 v9, v30  }
0x35d: {  	s21 =	simm.s32 $0x20;
	s20 =	simm.s32 $0x4F00;
	v41 =	vadd.f32 v32, v31;
	v32 =	vadd.s32 v10, v30;
	v31 =	vadd.s32 v11, v30  }
.LBB2_22:
0x35e: {  	p0 =	sne.s32 s21, $0x30  }
0x35f: {  	v42 =	vadd.s32 v12, v30;
	v43 =	vadd.s32 v13, v30;
	v44 =	vadd.s32 v14, v30;
	[tilespmem:s20+$0x0] =	vst v41;
	s20 =	sadd.s32 $0x10, s20;
	s22 =	smov.u32 s21;
	s21 =	sadd.s32 $0x10, s21  }
0x360: {  	v41 =	vadd.s32 v15, v30;
	v45 =	vadd.s32 v16, v30;
	v46 =	vadd.s32 v17, v30;
	v40 =	vld.idx.msk [tilespmem:v40+s12+$0x0], $0xffff  }
0x361: {  	v47 =	vadd.s32 v18, v30;
	v48 =	vadd.s32 v19, v30;
	v49 =	vadd.s32 v20, v30  }
0x362: {  	v50 =	vadd.s32 v21, v30;
	v51 =	vadd.s32 v22, v30;
	v52 =	vadd.s32 v23, v30;
	v39 =	vld.idx.msk [tilespmem:v39+s12+$0x0], $0xffff  }
0x363: {  	v53 =	vadd.s32 v24, v30;
	v54 =	vadd.s32 v25, v30;
	v55 =	vadd.s32 v26, v30  }
0x364: {  	v30 =	vadd.s32 v27, v30;
	v38 =	vld.idx.msk [tilespmem:v38+s12+$0x0], $0xffff;
	_ =	sdelay $0x1  }
0x365: {  	v40 =	vadd.f32 v40, v28;
	v37 =	vld.idx.msk [tilespmem:v37+s12+$0x0], $0xffff;
	_ =	sdelay $0x1  }
0x366: {  	v39 =	vadd.f32 v39, v40;
	v36 =	vld.idx.msk [tilespmem:v36+s12+$0x0], $0xffff;
	_ =	sdelay $0x1  }
0x367: {  	v38 =	vadd.f32 v38, v39;
	v35 =	vld.idx.msk [tilespmem:v35+s12+$0x0], $0xffff;
	_ =	sdelay $0x1  }
0x368: {  	v37 =	vadd.f32 v37, v38;
	v33 =	vld.idx.msk [tilespmem:v33+s12+$0x0], $0xffff;
	_ =	sdelay $0x1  }
0x369: {  	v36 =	vadd.f32 v36, v37;
	v34 =	vld.idx.msk [tilespmem:v34+s12+$0x0], $0xffff;
	_ =	sdelay $0x1  }
0x36a: {  	v35 =	vadd.f32 v35, v36;
	v32 =	vld.idx.msk [tilespmem:v32+s12+$0x0], $0xffff;
	_ =	sdelay $0x1  }
0x36b: {  	v33 =	vadd.f32 v33, v35;
	v31 =	vld.idx.msk [tilespmem:v31+s12+$0x0], $0xffff;
	_ =	sdelay $0x1  }
0x36c: {  	v33 =	vadd.f32 v34, v33;
	v34 =	vld.idx.msk [tilespmem:v42+s12+$0x0], $0xffff;
	_ =	sdelay $0x1  }
0x36d: {  	v32 =	vadd.f32 v32, v33;
	v33 =	vld.idx.msk [tilespmem:v43+s12+$0x0], $0xffff;
	_ =	sdelay $0x1  }
0x36e: {  	v31 =	vadd.f32 v31, v32;
	v32 =	vld.idx.msk [tilespmem:v44+s12+$0x0], $0xffff;
	_ =	sdelay $0x1  }
0x36f: {  	v31 =	vadd.f32 v34, v31;
	v34 =	vld.idx.msk [tilespmem:v41+s12+$0x0], $0xffff;
	_ =	sdelay $0x1  }
0x370: {  	v31 =	vadd.f32 v33, v31;
	v33 =	vld.idx.msk [tilespmem:v45+s12+$0x0], $0xffff;
	_ =	sdelay $0x1  }
0x371: {  	v31 =	vadd.f32 v32, v31;
	v32 =	vld.idx.msk [tilespmem:v46+s12+$0x0], $0xffff;
	_ =	sdelay $0x1  }
0x372: {  	v31 =	vadd.f32 v34, v31;
	v34 =	vld.idx.msk [tilespmem:v47+s12+$0x0], $0xffff;
	_ =	sdelay $0x1  }
0x373: {  	v31 =	vadd.f32 v33, v31;
	v33 =	vld.idx.msk [tilespmem:v48+s12+$0x0], $0xffff;
	_ =	sdelay $0x1  }
0x374: {  	v31 =	vadd.f32 v32, v31;
	v32 =	vld.idx.msk [tilespmem:v49+s12+$0x0], $0xffff;
	_ =	sdelay $0x1  }
0x375: {  	v31 =	vadd.f32 v34, v31;
	v34 =	vld.idx.msk [tilespmem:v50+s12+$0x0], $0xffff;
	_ =	sdelay $0x1  }
0x376: {  	v31 =	vadd.f32 v33, v31;
	v33 =	vld.idx.msk [tilespmem:v51+s12+$0x0], $0xffff;
	_ =	sdelay $0x1  }
0x377: {  	v31 =	vadd.f32 v32, v31;
	v32 =	vld.idx.msk [tilespmem:v52+s12+$0x0], $0xffff;
	_ =	sdelay $0x1  }
0x378: {  	v31 =	vadd.f32 v34, v31;
	v34 =	vld.idx.msk [tilespmem:v53+s12+$0x0], $0xffff;
	_ =	sdelay $0x1  }
0x379: {  	v31 =	vadd.f32 v33, v31;
	v33 =	vld.idx.msk [tilespmem:v54+s12+$0x0], $0xffff;
	_ =	sdelay $0x1  }
0x37a: {  	v31 =	vadd.f32 v32, v31;
	v32 =	vld.idx.msk [tilespmem:v55+s12+$0x0], $0xffff  }
0x37b: {  	v35 =	vmov s22  }
0x37c: {  	v35 =	vmul.u32 $0x1A, v35;
	v31 =	vadd.f32 v34, v31;
	v34 =	vld.idx.msk [tilespmem:v30+s12+$0x0], $0xffff;
	_ =	sdelay $0x1  }
0x37d: {  	v30 =	vbroadcast v35, $0x0;
	v31 =	vadd.f32 v33, v31  }
.Ltmp10:
0x37e: {  	(pc) =	sbr.rel @p0 .LBB2_22-.Ltmp10, $4  }
0x37f: {  	v40 =	vadd.s32 v0, v30;
	v39 =	vadd.s32 v3, v30;
	v31 =	vadd.f32 v32, v31  }
0x380: {  	v38 =	vadd.s32 v4, v30;
	v37 =	vadd.s32 v5, v30;
	v36 =	vadd.s32 v6, v30  }
0x381: {  	v35 =	vadd.s32 v7, v30;
	v33 =	vadd.s32 v8, v30;
	v41 =	vadd.f32 v34, v31  }
0x382: {  	v32 =	vadd.s32 v10, v30;
	v34 =	vadd.s32 v9, v30;
	v31 =	vadd.s32 v11, v30  }
0x383: {  	_ =	sdelay $0x2  }
0x384: {  	[tilespmem:s20+$0x0] =	vst v41  }
0x385: {  	v40 =	vld.idx.msk [tilespmem:v40+s12+$0x0], $0xffff;
	_ =	sdelay $0x1  }
0x386: {  	v39 =	vld.idx.msk [tilespmem:v39+s12+$0x0], $0xffff;
	_ =	sdelay $0x1  }
0x387: {  	v38 =	vld.idx.msk [tilespmem:v38+s12+$0x0], $0xffff  }
0x388: {  	v40 =	vadd.f32 v40, v28  }
0x389: {  	v37 =	vld.idx.msk [tilespmem:v37+s12+$0x0], $0xffff  }
0x38a: {  	v39 =	vadd.f32 v39, v40  }
0x38b: {  	v36 =	vld.idx.msk [tilespmem:v36+s12+$0x0], $0xffff  }
0x38c: {  	v38 =	vadd.f32 v38, v39  }
0x38d: {  	v35 =	vld.idx.msk [tilespmem:v35+s12+$0x0], $0xffff  }
0x38e: {  	v37 =	vadd.f32 v37, v38  }
0x38f: {  	v33 =	vld.idx.msk [tilespmem:v33+s12+$0x0], $0xffff  }
0x390: {  	v36 =	vadd.f32 v36, v37  }
0x391: {  	v34 =	vld.idx.msk [tilespmem:v34+s12+$0x0], $0xffff  }
0x392: {  	v58 =	vadd.s32 v12, v30;
	v35 =	vadd.f32 v35, v36  }
0x393: {  	v32 =	vld.idx.msk [tilespmem:v32+s12+$0x0], $0xffff  }
0x394: {  	v59 =	vadd.s32 v13, v30;
	v33 =	vadd.f32 v33, v35  }
0x395: {  	v31 =	vld.idx.msk [tilespmem:v31+s12+$0x0], $0xffff  }
0x396: {  	v60 =	vadd.s32 v14, v30;
	v33 =	vadd.f32 v34, v33  }
0x397: {  	v61 =	vld.idx.msk [tilespmem:v58+s12+$0x0], $0xffff  }
0x398: {  	v62 =	vadd.s32 v15, v30;
	v32 =	vadd.f32 v32, v33  }
0x399: {  	v63 =	vld.idx.msk [tilespmem:v59+s12+$0x0], $0xffff  }
0x39a: {  	v40 =	vadd.s32 v16, v30;
	v31 =	vadd.f32 v31, v32  }
0x39b: {  	v41 =	vld.idx.msk [tilespmem:v60+s12+$0x0], $0xffff  }
0x39c: {  	v42 =	vadd.s32 v17, v30;
	v31 =	vadd.f32 v61, v31  }
0x39d: {  	v43 =	vld.idx.msk [tilespmem:v62+s12+$0x0], $0xffff  }
0x39e: {  	v44 =	vadd.s32 v18, v30;
	v31 =	vadd.f32 v63, v31  }
0x39f: {  	v45 =	vld.idx.msk [tilespmem:v40+s12+$0x0], $0xffff  }
0x3a0: {  	v46 =	vadd.s32 v19, v30;
	v31 =	vadd.f32 v41, v31  }
0x3a1: {  	v47 =	vld.idx.msk [tilespmem:v42+s12+$0x0], $0xffff  }
0x3a2: {  	v48 =	vadd.s32 v20, v30;
	v31 =	vadd.f32 v43, v31  }
0x3a3: {  	v49 =	vld.idx.msk [tilespmem:v44+s12+$0x0], $0xffff  }
0x3a4: {  	v50 =	vadd.s32 v21, v30;
	v31 =	vadd.f32 v45, v31  }
0x3a5: {  	v51 =	vld.idx.msk [tilespmem:v46+s12+$0x0], $0xffff  }
0x3a6: {  	v52 =	vadd.s32 v22, v30;
	v31 =	vadd.f32 v47, v31  }
0x3a7: {  	v53 =	vld.idx.msk [tilespmem:v48+s12+$0x0], $0xffff  }
0x3a8: {  	v54 =	vadd.s32 v23, v30;
	v31 =	vadd.f32 v49, v31  }
0x3a9: {  	v55 =	vld.idx.msk [tilespmem:v50+s12+$0x0], $0xffff  }
0x3aa: {  	v56 =	vadd.s32 v24, v30;
	v31 =	vadd.f32 v51, v31  }
0x3ab: {  	v57 =	vld.idx.msk [tilespmem:v52+s12+$0x0], $0xffff  }
0x3ac: {  	v58 =	vadd.s32 v25, v30;
	v31 =	vadd.f32 v53, v31  }
0x3ad: {  	v59 =	vld.idx.msk [tilespmem:v54+s12+$0x0], $0xffff  }
0x3ae: {  	v60 =	vadd.s32 v26, v30;
	v31 =	vadd.f32 v55, v31  }
0x3af: {  	v61 =	vld.idx.msk [tilespmem:v56+s12+$0x0], $0xffff  }
0x3b0: {  	v30 =	vadd.s32 v27, v30;
	v31 =	vadd.f32 v57, v31  }
0x3b1: {  	v62 =	vld.idx.msk [tilespmem:v58+s12+$0x0], $0xffff  }
0x3b2: {  	v31 =	vadd.f32 v59, v31  }
0x3b3: {  	v63 =	vld.idx.msk [tilespmem:v60+s12+$0x0], $0xffff  }
0x3b4: {  	v31 =	vadd.f32 v61, v31  }
0x3b5: {  	v30 =	vld.idx.msk [tilespmem:v30+s12+$0x0], $0xffff  }
0x3b6: {  	v31 =	vadd.f32 v62, v31;
	_ =	sdelay $0x1  }
0x3b7: {  	v31 =	vadd.f32 v63, v31;
	_ =	sdelay $0x1  }
0x3b8: {  	v30 =	vadd.f32 v30, v31  }
0x3b9: {  	s31 =	sadd.s32 $0x10, s20  }
0x3ba: {  	s19 =	sand.u32 $0x7E0, s19;
	[tilespmem:s31+$0x0] =	vst v30  }
0x3bb: {  	v30 =	vld [tilespmem:s19+$0x2700];
	_ =	sdelay $0x4  }
0x3bc: {  	s21 =	simm.s32 $0x3410;
	v30 =	vadd.s32 v1, v30  }
0x3bd: {  	s19 =	simm.s32 $0x2710;
	[tilespmem:s21+$0xFFFFFFF0] =	vst v30  }
0x3be: {  	v31 =	vld [tilespmem:s19+$0x0];
	_ =	sdelay $0x2  }
0x3bf: {  	v30 =	vadd.s32 $0x963E0, v29  }
0x3c0: {  	vm0 =	vlt.s32 v30, $0xF424C  }
0x3c1: {  	s22 =	simm.s32 $0x20;
	s23 =	simm.s32 $0x40;
	s20 =	simm.s32 $0x3430;
	v32 =	vadd.s32 v29, v31;
	v31 =	vsel vm0, $0x0, v2  }
.LBB2_24:
0x3c2: {  	s24 =	sand.u32 $0x7E0, s22;
	s19 =	sadd.s32 $0x20, s19  }
0x3c3: {  	[tilespmem:s21+$0x0] =	vst v32;
	v30 =	vadd.s32 v30, v31;
	s22 =	smov.u32 s23;
	s25 =	sadd.s32 $0x20, s23;
	s21 =	smov.u32 s20  }
0x3c4: {  	p0 =	sne.s32 s23, $0x660;
	v31 =	vld [tilespmem:s24+$0x2700];
	_ =	sdelay $0x4  }
0x3c5: {  	v31 =	vadd.s32 v30, v31  }
0x3c6: {  	v30 =	vadd.s32 $0x963E0, v30;
	[tilespmem:s20+$0xFFFFFFF0] =	vst v31  }
0x3c7: {  	vm0 =	vlt.s32 v30, $0xF424C;
	v31 =	vld [tilespmem:s19+$0x0]  }
.Ltmp11:
0x3c8: {  	v32 =	vsel vm0, $0x0, v2;
	(pc) =	sbr.rel @p0 .LBB2_24-.Ltmp11, $4  }
0x3c9: {  	v32 =	vadd.s32 v30, v32  }
0x3ca: {  	v30 =	vadd.s32 $0x963E0, v32  }
0x3cb: {  	vm0 =	vlt.s32 v30, $0xF424C  }
0x3cc: {  	s23 =	smov.u32 s25;
	s20 =	sadd.s32 $0x20, s20;
	v32 =	vadd.s32 v32, v31;
	v31 =	vsel vm0, $0x0, v2  }
0x3cd: {  	s22 =	sand.u32 $0x7E0, s22;
	[tilespmem:s21+$0x0] =	vst v32  }
0x3ce: {  	v32 =	vld [tilespmem:s22+$0x2700];
	_ =	sdelay $0x3  }
0x3cf: {  	v30 =	vadd.s32 v30, v31  }
0x3d0: {  	v31 =	vadd.s32 v30, v32  }
0x3d1: {  	s19 =	sadd.s32 $0x20, s19;
	[tilespmem:s20+$0xFFFFFFF0] =	vst v31  }
0x3d2: {  	v31 =	vld [tilespmem:s19+$0x0];
	s19 =	simm.s32 $0x0  }
0x3d3: {  	v30 =	vadd.s32 $0x963E0, v30;
	v53 =	vmov s19  }
0x3d4: {  	vm0 =	vlt.s32 v30, $0xF424C;
	v32 =	vmul.u32 $0x1A, v53  }
0x3d5: {  	v33 =	vsel vm0, $0x0, v2  }
0x3d6: {  	v30 =	vadd.s32 v30, v33;
	v32 =	vbroadcast v32, $0x0  }
0x3d7: {  	v30 =	vadd.s32 v30, v31  }
0x3d8: {  	[tilespmem:s20+$0x0] =	vst v30;
	v30 =	vadd.s32 v0, v32  }
0x3d9: {  	[tilespmem:s12], [sflag:$0x1] =	stream.indirect.gather [hbm4b:s4+s10], $0x1, s11, s10, $0xb8;
	[tilespmem:$0x5080] =	vst v63  }
0x3da: {  	v31 =	vadd.s32 v3, v32;
	_ =	swait.ge [sflag:s16], $0x680  }
0x3db: {  	[sflag:s16] =	ssyncset.done $0x0  }
0x3dc: {  	v54 =	vadd.s32 v4, v32;
	[sflag:s16] =	ssyncadd.s32 $0xFFFFF980  }
0x3dd: {  	v30 =	vld.idx.msk [tilespmem:v30+s14+$0x0], $0xffff  }
0x3de: {  	v34 =	vadd.s32 v5, v32  }
0x3df: {  	v31 =	vld.idx.msk [tilespmem:v31+s14+$0x0], $0xffff  }
0x3e0: {  	v35 =	vadd.s32 v6, v32  }
0x3e1: {  	v33 =	vld.idx.msk [tilespmem:v54+s14+$0x0], $0xffff  }
0x3e2: {  	v36 =	vadd.s32 v7, v32;
	v30 =	vadd.f32 v30, v28  }
0x3e3: {  	v34 =	vld.idx.msk [tilespmem:v34+s14+$0x0], $0xffff  }
0x3e4: {  	v37 =	vadd.s32 v8, v32;
	v30 =	vadd.f32 v31, v30  }
0x3e5: {  	v31 =	vld.idx.msk [tilespmem:v35+s14+$0x0], $0xffff  }
0x3e6: {  	v55 =	vadd.s32 v9, v32;
	v30 =	vadd.f32 v33, v30  }
0x3e7: {  	v56 =	vld.idx.msk [tilespmem:v36+s14+$0x0], $0xffff  }
0x3e8: {  	v57 =	vadd.s32 v10, v32;
	v30 =	vadd.f32 v34, v30  }
0x3e9: {  	v58 =	vld.idx.msk [tilespmem:v37+s14+$0x0], $0xffff  }
0x3ea: {  	v59 =	vadd.s32 v11, v32;
	v30 =	vadd.f32 v31, v30  }
0x3eb: {  	v31 =	vld.idx.msk [tilespmem:v55+s14+$0x0], $0xffff  }
0x3ec: {  	v60 =	vadd.s32 v12, v32;
	v30 =	vadd.f32 v56, v30  }
0x3ed: {  	v61 =	vld.idx.msk [tilespmem:v57+s14+$0x0], $0xffff  }
0x3ee: {  	v62 =	vadd.s32 v13, v32;
	v30 =	vadd.f32 v58, v30  }
0x3ef: {  	v63 =	vld.idx.msk [tilespmem:v59+s14+$0x0], $0xffff  }
0x3f0: {  	v40 =	vadd.s32 v14, v32;
	v30 =	vadd.f32 v31, v30  }
0x3f1: {  	v31 =	vld.idx.msk [tilespmem:v60+s14+$0x0], $0xffff  }
0x3f2: {  	v41 =	vadd.s32 v15, v32;
	v30 =	vadd.f32 v61, v30  }
0x3f3: {  	v42 =	vld.idx.msk [tilespmem:v62+s14+$0x0], $0xffff  }
0x3f4: {  	v43 =	vadd.s32 v16, v32;
	v30 =	vadd.f32 v63, v30  }
0x3f5: {  	v44 =	vld.idx.msk [tilespmem:v40+s14+$0x0], $0xffff  }
0x3f6: {  	v45 =	vadd.s32 v17, v32;
	v30 =	vadd.f32 v31, v30  }
0x3f7: {  	v31 =	vld.idx.msk [tilespmem:v41+s14+$0x0], $0xffff  }
0x3f8: {  	v46 =	vadd.s32 v18, v32;
	v30 =	vadd.f32 v42, v30  }
0x3f9: {  	v47 =	vld.idx.msk [tilespmem:v43+s14+$0x0], $0xffff  }
0x3fa: {  	v48 =	vadd.s32 v19, v32;
	v30 =	vadd.f32 v44, v30  }
0x3fb: {  	v49 =	vld.idx.msk [tilespmem:v45+s14+$0x0], $0xffff  }
0x3fc: {  	v50 =	vadd.s32 v20, v32;
	v30 =	vadd.f32 v31, v30  }
0x3fd: {  	v31 =	vld.idx.msk [tilespmem:v46+s14+$0x0], $0xffff  }
0x3fe: {  	v51 =	vadd.s32 v21, v32;
	v30 =	vadd.f32 v47, v30  }
0x3ff: {  	v52 =	vld.idx.msk [tilespmem:v48+s14+$0x0], $0xffff  }
0x400: {  	v53 =	vadd.s32 v22, v32;
	v30 =	vadd.f32 v49, v30  }
0x401: {  	v54 =	vld.idx.msk [tilespmem:v50+s14+$0x0], $0xffff  }
0x402: {  	v55 =	vadd.s32 v23, v32;
	v30 =	vadd.f32 v31, v30  }
0x403: {  	v31 =	vld.idx.msk [tilespmem:v51+s14+$0x0], $0xffff  }
0x404: {  	v56 =	vadd.s32 v24, v32;
	v30 =	vadd.f32 v52, v30  }
0x405: {  	v57 =	vld.idx.msk [tilespmem:v53+s14+$0x0], $0xffff  }
0x406: {  	v58 =	vadd.s32 v25, v32;
	v30 =	vadd.f32 v54, v30  }
0x407: {  	v59 =	vld.idx.msk [tilespmem:v55+s14+$0x0], $0xffff  }
0x408: {  	v60 =	vadd.s32 v26, v32;
	v30 =	vadd.f32 v31, v30  }
0x409: {  	v31 =	vld.idx.msk [tilespmem:v56+s14+$0x0], $0xffff  }
0x40a: {  	v32 =	vadd.s32 v27, v32;
	v30 =	vadd.f32 v57, v30  }
0x40b: {  	s31 =	simm.s32 $0x10;
	v61 =	vld.idx.msk [tilespmem:v58+s14+$0x0], $0xffff  }
0x40c: {  	v63 =	vmov s31;
	v30 =	vadd.f32 v59, v30  }
0x40d: {  	v62 =	vld.idx.msk [tilespmem:v60+s14+$0x0], $0xffff;
	v35 =	vmul.u32 $0x1A, v63  }
0x40e: {  	v31 =	vadd.f32 v31, v30  }
0x40f: {  	v32 =	vld.idx.msk [tilespmem:v32+s14+$0x0], $0xffff;
	v30 =	vbroadcast v35, $0x0  }
0x410: {  	v31 =	vadd.f32 v61, v31  }
0x411: {  	v40 =	vadd.s32 v0, v30;
	v39 =	vadd.s32 v3, v30;
	v38 =	vadd.s32 v4, v30  }
0x412: {  	v37 =	vadd.s32 v5, v30;
	v36 =	vadd.s32 v6, v30;
	v31 =	vadd.f32 v62, v31  }
0x413: {  	v35 =	vadd.s32 v7, v30;
	v33 =	vadd.s32 v8, v30;
	v34 =	vadd.s32 v9, v30  }
0x414: {  	s21 =	simm.s32 $0x20;
	s20 =	simm.s32 $0x4F40;
	v41 =	vadd.f32 v32, v31;
	v32 =	vadd.s32 v10, v30;
	v31 =	vadd.s32 v11, v30  }
.LBB2_26:
0x415: {  	p0 =	sne.s32 s21, $0x30  }
0x416: {  	v42 =	vadd.s32 v12, v30;
	v43 =	vadd.s32 v13, v30;
	v44 =	vadd.s32 v14, v30;
	[tilespmem:s20+$0x0] =	vst v41;
	s20 =	sadd.s32 $0x10, s20;
	s22 =	smov.u32 s21;
	s21 =	sadd.s32 $0x10, s21  }
0x417: {  	v41 =	vadd.s32 v15, v30;
	v45 =	vadd.s32 v16, v30;
	v46 =	vadd.s32 v17, v30;
	v40 =	vld.idx.msk [tilespmem:v40+s14+$0x0], $0xffff  }
0x418: {  	v47 =	vadd.s32 v18, v30;
	v48 =	vadd.s32 v19, v30;
	v49 =	vadd.s32 v20, v30  }
0x419: {  	v50 =	vadd.s32 v21, v30;
	v51 =	vadd.s32 v22, v30;
	v52 =	vadd.s32 v23, v30;
	v39 =	vld.idx.msk [tilespmem:v39+s14+$0x0], $0xffff  }
0x41a: {  	v53 =	vadd.s32 v24, v30;
	v54 =	vadd.s32 v25, v30;
	v55 =	vadd.s32 v26, v30  }
0x41b: {  	v30 =	vadd.s32 v27, v30;
	v38 =	vld.idx.msk [tilespmem:v38+s14+$0x0], $0xffff;
	_ =	sdelay $0x1  }
0x41c: {  	v40 =	vadd.f32 v40, v28;
	v37 =	vld.idx.msk [tilespmem:v37+s14+$0x0], $0xffff;
	_ =	sdelay $0x1  }
0x41d: {  	v39 =	vadd.f32 v39, v40;
	v36 =	vld.idx.msk [tilespmem:v36+s14+$0x0], $0xffff;
	_ =	sdelay $0x1  }
0x41e: {  	v38 =	vadd.f32 v38, v39;
	v35 =	vld.idx.msk [tilespmem:v35+s14+$0x0], $0xffff;
	_ =	sdelay $0x1  }
0x41f: {  	v37 =	vadd.f32 v37, v38;
	v33 =	vld.idx.msk [tilespmem:v33+s14+$0x0], $0xffff;
	_ =	sdelay $0x1  }
0x420: {  	v36 =	vadd.f32 v36, v37;
	v34 =	vld.idx.msk [tilespmem:v34+s14+$0x0], $0xffff;
	_ =	sdelay $0x1  }
0x421: {  	v35 =	vadd.f32 v35, v36;
	v32 =	vld.idx.msk [tilespmem:v32+s14+$0x0], $0xffff;
	_ =	sdelay $0x1  }
0x422: {  	v33 =	vadd.f32 v33, v35;
	v31 =	vld.idx.msk [tilespmem:v31+s14+$0x0], $0xffff;
	_ =	sdelay $0x1  }
0x423: {  	v33 =	vadd.f32 v34, v33;
	v34 =	vld.idx.msk [tilespmem:v42+s14+$0x0], $0xffff;
	_ =	sdelay $0x1  }
0x424: {  	v32 =	vadd.f32 v32, v33;
	v33 =	vld.idx.msk [tilespmem:v43+s14+$0x0], $0xffff;
	_ =	sdelay $0x1  }
0x425: {  	v31 =	vadd.f32 v31, v32;
	v32 =	vld.idx.msk [tilespmem:v44+s14+$0x0], $0xffff;
	_ =	sdelay $0x1  }
0x426: {  	v31 =	vadd.f32 v34, v31;
	v34 =	vld.idx.msk [tilespmem:v41+s14+$0x0], $0xffff;
	_ =	sdelay $0x1  }
0x427: {  	v31 =	vadd.f32 v33, v31;
	v33 =	vld.idx.msk [tilespmem:v45+s14+$0x0], $0xffff;
	_ =	sdelay $0x1  }
0x428: {  	v31 =	vadd.f32 v32, v31;
	v32 =	vld.idx.msk [tilespmem:v46+s14+$0x0], $0xffff;
	_ =	sdelay $0x1  }
0x429: {  	v31 =	vadd.f32 v34, v31;
	v34 =	vld.idx.msk [tilespmem:v47+s14+$0x0], $0xffff;
	_ =	sdelay $0x1  }
0x42a: {  	v31 =	vadd.f32 v33, v31;
	v33 =	vld.idx.msk [tilespmem:v48+s14+$0x0], $0xffff;
	_ =	sdelay $0x1  }
0x42b: {  	v31 =	vadd.f32 v32, v31;
	v32 =	vld.idx.msk [tilespmem:v49+s14+$0x0], $0xffff;
	_ =	sdelay $0x1  }
0x42c: {  	v31 =	vadd.f32 v34, v31;
	v34 =	vld.idx.msk [tilespmem:v50+s14+$0x0], $0xffff;
	_ =	sdelay $0x1  }
0x42d: {  	v31 =	vadd.f32 v33, v31;
	v33 =	vld.idx.msk [tilespmem:v51+s14+$0x0], $0xffff;
	_ =	sdelay $0x1  }
0x42e: {  	v31 =	vadd.f32 v32, v31;
	v32 =	vld.idx.msk [tilespmem:v52+s14+$0x0], $0xffff;
	_ =	sdelay $0x1  }
0x42f: {  	v31 =	vadd.f32 v34, v31;
	v34 =	vld.idx.msk [tilespmem:v53+s14+$0x0], $0xffff;
	_ =	sdelay $0x1  }
0x430: {  	v31 =	vadd.f32 v33, v31;
	v33 =	vld.idx.msk [tilespmem:v54+s14+$0x0], $0xffff;
	_ =	sdelay $0x1  }
0x431: {  	v31 =	vadd.f32 v32, v31;
	v32 =	vld.idx.msk [tilespmem:v55+s14+$0x0], $0xffff  }
0x432: {  	v35 =	vmov s22  }
0x433: {  	v35 =	vmul.u32 $0x1A, v35;
	v31 =	vadd.f32 v34, v31;
	v34 =	vld.idx.msk [tilespmem:v30+s14+$0x0], $0xffff;
	_ =	sdelay $0x1  }
0x434: {  	v30 =	vbroadcast v35, $0x0;
	v31 =	vadd.f32 v33, v31  }
.Ltmp12:
0x435: {  	(pc) =	sbr.rel @p0 .LBB2_26-.Ltmp12, $4  }
0x436: {  	v40 =	vadd.s32 v0, v30;
	v39 =	vadd.s32 v3, v30;
	v31 =	vadd.f32 v32, v31  }
0x437: {  	v38 =	vadd.s32 v4, v30;
	v37 =	vadd.s32 v5, v30;
	v36 =	vadd.s32 v6, v30  }
0x438: {  	v35 =	vadd.s32 v7, v30;
	v33 =	vadd.s32 v8, v30;
	v41 =	vadd.f32 v34, v31  }
0x439: {  	v32 =	vadd.s32 v10, v30;
	v34 =	vadd.s32 v9, v30;
	v31 =	vadd.s32 v11, v30  }
0x43a: {  	_ =	sdelay $0x2  }
0x43b: {  	[tilespmem:s20+$0x0] =	vst v41  }
0x43c: {  	v40 =	vld.idx.msk [tilespmem:v40+s14+$0x0], $0xffff;
	_ =	sdelay $0x1  }
0x43d: {  	v39 =	vld.idx.msk [tilespmem:v39+s14+$0x0], $0xffff;
	_ =	sdelay $0x1  }
0x43e: {  	v38 =	vld.idx.msk [tilespmem:v38+s14+$0x0], $0xffff  }
0x43f: {  	v40 =	vadd.f32 v40, v28  }
0x440: {  	v37 =	vld.idx.msk [tilespmem:v37+s14+$0x0], $0xffff  }
0x441: {  	v39 =	vadd.f32 v39, v40  }
0x442: {  	v36 =	vld.idx.msk [tilespmem:v36+s14+$0x0], $0xffff  }
0x443: {  	v38 =	vadd.f32 v38, v39  }
0x444: {  	v35 =	vld.idx.msk [tilespmem:v35+s14+$0x0], $0xffff  }
0x445: {  	v37 =	vadd.f32 v37, v38  }
0x446: {  	v33 =	vld.idx.msk [tilespmem:v33+s14+$0x0], $0xffff  }
0x447: {  	v36 =	vadd.f32 v36, v37  }
0x448: {  	v34 =	vld.idx.msk [tilespmem:v34+s14+$0x0], $0xffff  }
0x449: {  	v58 =	vadd.s32 v12, v30;
	v35 =	vadd.f32 v35, v36  }
0x44a: {  	v32 =	vld.idx.msk [tilespmem:v32+s14+$0x0], $0xffff  }
0x44b: {  	v59 =	vadd.s32 v13, v30;
	v33 =	vadd.f32 v33, v35  }
0x44c: {  	v31 =	vld.idx.msk [tilespmem:v31+s14+$0x0], $0xffff  }
0x44d: {  	v60 =	vadd.s32 v14, v30;
	v33 =	vadd.f32 v34, v33  }
0x44e: {  	v61 =	vld.idx.msk [tilespmem:v58+s14+$0x0], $0xffff  }
0x44f: {  	v62 =	vadd.s32 v15, v30;
	v32 =	vadd.f32 v32, v33  }
0x450: {  	v63 =	vld.idx.msk [tilespmem:v59+s14+$0x0], $0xffff  }
0x451: {  	v40 =	vadd.s32 v16, v30;
	v31 =	vadd.f32 v31, v32  }
0x452: {  	v41 =	vld.idx.msk [tilespmem:v60+s14+$0x0], $0xffff  }
0x453: {  	v42 =	vadd.s32 v17, v30;
	v31 =	vadd.f32 v61, v31  }
0x454: {  	v43 =	vld.idx.msk [tilespmem:v62+s14+$0x0], $0xffff  }
0x455: {  	v44 =	vadd.s32 v18, v30;
	v31 =	vadd.f32 v63, v31  }
0x456: {  	v45 =	vld.idx.msk [tilespmem:v40+s14+$0x0], $0xffff  }
0x457: {  	v46 =	vadd.s32 v19, v30;
	v31 =	vadd.f32 v41, v31  }
0x458: {  	v47 =	vld.idx.msk [tilespmem:v42+s14+$0x0], $0xffff  }
0x459: {  	v48 =	vadd.s32 v20, v30;
	v31 =	vadd.f32 v43, v31  }
0x45a: {  	v49 =	vld.idx.msk [tilespmem:v44+s14+$0x0], $0xffff  }
0x45b: {  	v50 =	vadd.s32 v21, v30;
	v31 =	vadd.f32 v45, v31  }
0x45c: {  	v51 =	vld.idx.msk [tilespmem:v46+s14+$0x0], $0xffff  }
0x45d: {  	v52 =	vadd.s32 v22, v30;
	v31 =	vadd.f32 v47, v31  }
0x45e: {  	v53 =	vld.idx.msk [tilespmem:v48+s14+$0x0], $0xffff  }
0x45f: {  	v54 =	vadd.s32 v23, v30;
	v31 =	vadd.f32 v49, v31  }
0x460: {  	v55 =	vld.idx.msk [tilespmem:v50+s14+$0x0], $0xffff  }
0x461: {  	v56 =	vadd.s32 v24, v30;
	v31 =	vadd.f32 v51, v31  }
0x462: {  	v57 =	vld.idx.msk [tilespmem:v52+s14+$0x0], $0xffff  }
0x463: {  	v58 =	vadd.s32 v25, v30;
	v31 =	vadd.f32 v53, v31  }
0x464: {  	v59 =	vld.idx.msk [tilespmem:v54+s14+$0x0], $0xffff  }
0x465: {  	v60 =	vadd.s32 v26, v30;
	v31 =	vadd.f32 v55, v31  }
0x466: {  	v61 =	vld.idx.msk [tilespmem:v56+s14+$0x0], $0xffff  }
0x467: {  	v30 =	vadd.s32 v27, v30;
	v31 =	vadd.f32 v57, v31  }
0x468: {  	v62 =	vld.idx.msk [tilespmem:v58+s14+$0x0], $0xffff  }
0x469: {  	v31 =	vadd.f32 v59, v31  }
0x46a: {  	v63 =	vld.idx.msk [tilespmem:v60+s14+$0x0], $0xffff  }
0x46b: {  	v31 =	vadd.f32 v61, v31  }
0x46c: {  	v30 =	vld.idx.msk [tilespmem:v30+s14+$0x0], $0xffff  }
0x46d: {  	v31 =	vadd.f32 v62, v31;
	_ =	sdelay $0x1  }
0x46e: {  	v31 =	vadd.f32 v63, v31;
	_ =	sdelay $0x1  }
0x46f: {  	v30 =	vadd.f32 v30, v31  }
0x470: {  	s31 =	sadd.s32 $0x10, s20  }
0x471: {  	s19 =	sand.u32 $0x7E0, s19;
	[tilespmem:s31+$0x0] =	vst v30  }
0x472: {  	v30 =	vld [tilespmem:s19+$0x2D80];
	_ =	sdelay $0x4  }
0x473: {  	s21 =	simm.s32 $0x3A90;
	v30 =	vadd.s32 v1, v30  }
0x474: {  	s20 =	simm.s32 $0x2D90;
	[tilespmem:s21+$0xFFFFFFF0] =	vst v30  }
0x475: {  	v31 =	vld [tilespmem:s20+$0x0];
	_ =	sdelay $0x2  }
0x476: {  	v30 =	vadd.s32 $0x963E0, v29  }
0x477: {  	vm0 =	vlt.s32 v30, $0xF424C  }
0x478: {  	s22 =	simm.s32 $0x20;
	s23 =	simm.s32 $0x40;
	s19 =	simm.s32 $0x3AB0;
	v31 =	vadd.s32 v29, v31;
	v29 =	vsel vm0, $0x0, v2  }
.LBB2_28:
0x479: {  	s24 =	sand.u32 $0x7E0, s22;
	s20 =	sadd.s32 $0x20, s20  }
0x47a: {  	[tilespmem:s21+$0x0] =	vst v31;
	v29 =	vadd.s32 v30, v29;
	s22 =	smov.u32 s23;
	s25 =	sadd.s32 $0x20, s23;
	s21 =	smov.u32 s19  }
0x47b: {  	p0 =	sne.s32 s23, $0x660;
	v30 =	vld [tilespmem:s24+$0x2D80];
	_ =	sdelay $0x4  }
0x47c: {  	v30 =	vadd.s32 v29, v30  }
0x47d: {  	v29 =	vadd.s32 $0x963E0, v29;
	[tilespmem:s19+$0xFFFFFFF0] =	vst v30  }
0x47e: {  	vm0 =	vlt.s32 v29, $0xF424C;
	v31 =	vld [tilespmem:s20+$0x0]  }
.Ltmp13:
0x47f: {  	v30 =	vsel vm0, $0x0, v2;
	(pc) =	sbr.rel @p0 .LBB2_28-.Ltmp13, $4  }
0x480: {  	v29 =	vadd.s32 v29, v30  }
0x481: {  	v30 =	vadd.s32 $0x963E0, v29  }
0x482: {  	vm0 =	vlt.s32 v30, $0xF424C  }
0x483: {  	s23 =	smov.u32 s25;
	s19 =	sadd.s32 $0x20, s19;
	v31 =	vadd.s32 v29, v31;
	v29 =	vsel vm0, $0x0, v2  }
0x484: {  	s22 =	sand.u32 $0x7E0, s22;
	[tilespmem:s21+$0x0] =	vst v31  }
0x485: {  	v31 =	vld [tilespmem:s22+$0x2D80];
	_ =	sdelay $0x3  }
0x486: {  	v29 =	vadd.s32 v30, v29  }
0x487: {  	v30 =	vadd.s32 v29, v31  }
0x488: {  	s20 =	sadd.s32 $0x20, s20;
	[tilespmem:s19+$0xFFFFFFF0] =	vst v30  }
0x489: {  	s30 =	simm.s32 $0x0;
	v30 =	vld [tilespmem:s20+$0x0]  }
0x48a: {  	v29 =	vadd.s32 $0x963E0, v29;
	v31 =	vmov s30  }
0x48b: {  	vm0 =	vlt.s32 v29, $0xF424C;
	v31 =	vmul.u32 $0x1A, v31  }
0x48c: {  	v32 =	vsel vm0, $0x0, v2  }
0x48d: {  	v29 =	vadd.s32 v29, v32;
	v31 =	vbroadcast v31, $0x0  }
0x48e: {  	v29 =	vadd.s32 v29, v30  }
0x48f: {  	[tilespmem:s19+$0x0] =	vst v29;
	v29 =	vadd.s32 v0, v31  }
0x490: {  	[tilespmem:s14], [sflag:$0x2] =	stream.indirect.gather [hbm4b:s4+s10], $0x1, s13, s10, $0xb8;
	[tilespmem:$0x5080] =	vst v63  }
0x491: {  	v30 =	vadd.s32 v3, v31;
	_ =	swait.ge [sflag:s15], $0x680  }
0x492: {  	[sflag:s15] =	ssyncset.done $0x0  }
0x493: {  	v54 =	vadd.s32 v4, v31;
	[sflag:s15] =	ssyncadd.s32 $0xFFFFF980  }
0x494: {  	v29 =	vld.idx.msk [tilespmem:v29+s12+$0x0], $0xffff  }
0x495: {  	v33 =	vadd.s32 v5, v31  }
0x496: {  	v30 =	vld.idx.msk [tilespmem:v30+s12+$0x0], $0xffff  }
0x497: {  	v34 =	vadd.s32 v6, v31  }
0x498: {  	v32 =	vld.idx.msk [tilespmem:v54+s12+$0x0], $0xffff  }
0x499: {  	v35 =	vadd.s32 v7, v31;
	v29 =	vadd.f32 v29, v28  }
0x49a: {  	v33 =	vld.idx.msk [tilespmem:v33+s12+$0x0], $0xffff  }
0x49b: {  	v36 =	vadd.s32 v8, v31;
	v29 =	vadd.f32 v30, v29  }
0x49c: {  	v30 =	vld.idx.msk [tilespmem:v34+s12+$0x0], $0xffff  }
0x49d: {  	v55 =	vadd.s32 v9, v31;
	v29 =	vadd.f32 v32, v29  }
0x49e: {  	v56 =	vld.idx.msk [tilespmem:v35+s12+$0x0], $0xffff  }
0x49f: {  	v57 =	vadd.s32 v10, v31;
	v29 =	vadd.f32 v33, v29  }
0x4a0: {  	v58 =	vld.idx.msk [tilespmem:v36+s12+$0x0], $0xffff  }
0x4a1: {  	v59 =	vadd.s32 v11, v31;
	v29 =	vadd.f32 v30, v29  }
0x4a2: {  	v30 =	vld.idx.msk [tilespmem:v55+s12+$0x0], $0xffff  }
0x4a3: {  	v60 =	vadd.s32 v12, v31;
	v29 =	vadd.f32 v56, v29  }
0x4a4: {  	v61 =	vld.idx.msk [tilespmem:v57+s12+$0x0], $0xffff  }
0x4a5: {  	v62 =	vadd.s32 v13, v31;
	v29 =	vadd.f32 v58, v29  }
0x4a6: {  	v63 =	vld.idx.msk [tilespmem:v59+s12+$0x0], $0xffff  }
0x4a7: {  	v40 =	vadd.s32 v14, v31;
	v29 =	vadd.f32 v30, v29  }
0x4a8: {  	v30 =	vld.idx.msk [tilespmem:v60+s12+$0x0], $0xffff  }
0x4a9: {  	v41 =	vadd.s32 v15, v31;
	v29 =	vadd.f32 v61, v29  }
0x4aa: {  	v42 =	vld.idx.msk [tilespmem:v62+s12+$0x0], $0xffff  }
0x4ab: {  	v43 =	vadd.s32 v16, v31;
	v29 =	vadd.f32 v63, v29  }
0x4ac: {  	v44 =	vld.idx.msk [tilespmem:v40+s12+$0x0], $0xffff  }
0x4ad: {  	v45 =	vadd.s32 v17, v31;
	v29 =	vadd.f32 v30, v29  }
0x4ae: {  	v30 =	vld.idx.msk [tilespmem:v41+s12+$0x0], $0xffff  }
0x4af: {  	v46 =	vadd.s32 v18, v31;
	v29 =	vadd.f32 v42, v29  }
0x4b0: {  	v47 =	vld.idx.msk [tilespmem:v43+s12+$0x0], $0xffff  }
0x4b1: {  	v48 =	vadd.s32 v19, v31;
	v29 =	vadd.f32 v44, v29  }
0x4b2: {  	v49 =	vld.idx.msk [tilespmem:v45+s12+$0x0], $0xffff  }
0x4b3: {  	v50 =	vadd.s32 v20, v31;
	v29 =	vadd.f32 v30, v29  }
0x4b4: {  	v30 =	vld.idx.msk [tilespmem:v46+s12+$0x0], $0xffff  }
0x4b5: {  	v51 =	vadd.s32 v21, v31;
	v29 =	vadd.f32 v47, v29  }
0x4b6: {  	v52 =	vld.idx.msk [tilespmem:v48+s12+$0x0], $0xffff  }
0x4b7: {  	v53 =	vadd.s32 v22, v31;
	v29 =	vadd.f32 v49, v29  }
0x4b8: {  	v54 =	vld.idx.msk [tilespmem:v50+s12+$0x0], $0xffff  }
0x4b9: {  	v55 =	vadd.s32 v23, v31;
	v29 =	vadd.f32 v30, v29  }
0x4ba: {  	v30 =	vld.idx.msk [tilespmem:v51+s12+$0x0], $0xffff  }
0x4bb: {  	v56 =	vadd.s32 v24, v31;
	v29 =	vadd.f32 v52, v29  }
0x4bc: {  	v57 =	vld.idx.msk [tilespmem:v53+s12+$0x0], $0xffff  }
0x4bd: {  	v58 =	vadd.s32 v25, v31;
	v29 =	vadd.f32 v54, v29  }
0x4be: {  	v59 =	vld.idx.msk [tilespmem:v55+s12+$0x0], $0xffff  }
0x4bf: {  	v60 =	vadd.s32 v26, v31;
	v29 =	vadd.f32 v30, v29  }
0x4c0: {  	v30 =	vld.idx.msk [tilespmem:v56+s12+$0x0], $0xffff  }
0x4c1: {  	v31 =	vadd.s32 v27, v31;
	v29 =	vadd.f32 v57, v29  }
0x4c2: {  	s31 =	simm.s32 $0x10;
	v61 =	vld.idx.msk [tilespmem:v58+s12+$0x0], $0xffff  }
0x4c3: {  	v63 =	vmov s31;
	v29 =	vadd.f32 v59, v29  }
0x4c4: {  	v62 =	vld.idx.msk [tilespmem:v60+s12+$0x0], $0xffff;
	v34 =	vmul.u32 $0x1A, v63  }
0x4c5: {  	v30 =	vadd.f32 v30, v29  }
0x4c6: {  	v31 =	vld.idx.msk [tilespmem:v31+s12+$0x0], $0xffff;
	v29 =	vbroadcast v34, $0x0  }
0x4c7: {  	v30 =	vadd.f32 v61, v30  }
0x4c8: {  	v39 =	vadd.s32 v0, v29;
	v38 =	vadd.s32 v3, v29;
	v37 =	vadd.s32 v4, v29  }
0x4c9: {  	v36 =	vadd.s32 v5, v29;
	v35 =	vadd.s32 v6, v29;
	v30 =	vadd.f32 v62, v30  }
0x4ca: {  	v34 =	vadd.s32 v7, v29;
	v32 =	vadd.s32 v8, v29;
	v33 =	vadd.s32 v9, v29  }
0x4cb: {  	s20 =	simm.s32 $0x20;
	s19 =	simm.s32 $0x4F80;
	v40 =	vadd.f32 v31, v30;
	v31 =	vadd.s32 v10, v29;
	v30 =	vadd.s32 v11, v29  }
.LBB2_30:
0x4cc: {  	p0 =	sne.s32 s20, $0x30  }
0x4cd: {  	v41 =	vadd.s32 v12, v29;
	v42 =	vadd.s32 v13, v29;
	v43 =	vadd.s32 v14, v29;
	[tilespmem:s19+$0x0] =	vst v40;
	s19 =	sadd.s32 $0x10, s19;
	s21 =	smov.u32 s20;
	s20 =	sadd.s32 $0x10, s20  }
0x4ce: {  	v40 =	vadd.s32 v15, v29;
	v44 =	vadd.s32 v16, v29;
	v45 =	vadd.s32 v17, v29;
	v39 =	vld.idx.msk [tilespmem:v39+s12+$0x0], $0xffff  }
0x4cf: {  	v46 =	vadd.s32 v18, v29;
	v47 =	vadd.s32 v19, v29;
	v48 =	vadd.s32 v20, v29  }
0x4d0: {  	v49 =	vadd.s32 v21, v29;
	v50 =	vadd.s32 v22, v29;
	v51 =	vadd.s32 v23, v29;
	v38 =	vld.idx.msk [tilespmem:v38+s12+$0x0], $0xffff  }
0x4d1: {  	v52 =	vadd.s32 v24, v29;
	v53 =	vadd.s32 v25, v29;
	v54 =	vadd.s32 v26, v29  }
0x4d2: {  	v29 =	vadd.s32 v27, v29;
	v37 =	vld.idx.msk [tilespmem:v37+s12+$0x0], $0xffff;
	_ =	sdelay $0x1  }
0x4d3: {  	v39 =	vadd.f32 v39, v28;
	v36 =	vld.idx.msk [tilespmem:v36+s12+$0x0], $0xffff;
	_ =	sdelay $0x1  }
0x4d4: {  	v38 =	vadd.f32 v38, v39;
	v35 =	vld.idx.msk [tilespmem:v35+s12+$0x0], $0xffff;
	_ =	sdelay $0x1  }
0x4d5: {  	v37 =	vadd.f32 v37, v38;
	v34 =	vld.idx.msk [tilespmem:v34+s12+$0x0], $0xffff;
	_ =	sdelay $0x1  }
0x4d6: {  	v36 =	vadd.f32 v36, v37;
	v32 =	vld.idx.msk [tilespmem:v32+s12+$0x0], $0xffff;
	_ =	sdelay $0x1  }
0x4d7: {  	v35 =	vadd.f32 v35, v36;
	v33 =	vld.idx.msk [tilespmem:v33+s12+$0x0], $0xffff;
	_ =	sdelay $0x1  }
0x4d8: {  	v34 =	vadd.f32 v34, v35;
	v31 =	vld.idx.msk [tilespmem:v31+s12+$0x0], $0xffff;
	_ =	sdelay $0x1  }
0x4d9: {  	v32 =	vadd.f32 v32, v34;
	v30 =	vld.idx.msk [tilespmem:v30+s12+$0x0], $0xffff;
	_ =	sdelay $0x1  }
0x4da: {  	v32 =	vadd.f32 v33, v32;
	v33 =	vld.idx.msk [tilespmem:v41+s12+$0x0], $0xffff;
	_ =	sdelay $0x1  }
0x4db: {  	v31 =	vadd.f32 v31, v32;
	v32 =	vld.idx.msk [tilespmem:v42+s12+$0x0], $0xffff;
	_ =	sdelay $0x1  }
0x4dc: {  	v30 =	vadd.f32 v30, v31;
	v31 =	vld.idx.msk [tilespmem:v43+s12+$0x0], $0xffff;
	_ =	sdelay $0x1  }
0x4dd: {  	v30 =	vadd.f32 v33, v30;
	v33 =	vld.idx.msk [tilespmem:v40+s12+$0x0], $0xffff;
	_ =	sdelay $0x1  }
0x4de: {  	v30 =	vadd.f32 v32, v30;
	v32 =	vld.idx.msk [tilespmem:v44+s12+$0x0], $0xffff;
	_ =	sdelay $0x1  }
0x4df: {  	v30 =	vadd.f32 v31, v30;
	v31 =	vld.idx.msk [tilespmem:v45+s12+$0x0], $0xffff;
	_ =	sdelay $0x1  }
0x4e0: {  	v30 =	vadd.f32 v33, v30;
	v33 =	vld.idx.msk [tilespmem:v46+s12+$0x0], $0xffff;
	_ =	sdelay $0x1  }
0x4e1: {  	v30 =	vadd.f32 v32, v30;
	v32 =	vld.idx.msk [tilespmem:v47+s12+$0x0], $0xffff;
	_ =	sdelay $0x1  }
0x4e2: {  	v30 =	vadd.f32 v31, v30;
	v31 =	vld.idx.msk [tilespmem:v48+s12+$0x0], $0xffff;
	_ =	sdelay $0x1  }
0x4e3: {  	v30 =	vadd.f32 v33, v30;
	v33 =	vld.idx.msk [tilespmem:v49+s12+$0x0], $0xffff;
	_ =	sdelay $0x1  }
0x4e4: {  	v30 =	vadd.f32 v32, v30;
	v32 =	vld.idx.msk [tilespmem:v50+s12+$0x0], $0xffff;
	_ =	sdelay $0x1  }
0x4e5: {  	v30 =	vadd.f32 v31, v30;
	v31 =	vld.idx.msk [tilespmem:v51+s12+$0x0], $0xffff;
	_ =	sdelay $0x1  }
0x4e6: {  	v30 =	vadd.f32 v33, v30;
	v33 =	vld.idx.msk [tilespmem:v52+s12+$0x0], $0xffff;
	_ =	sdelay $0x1  }
0x4e7: {  	v30 =	vadd.f32 v32, v30;
	v32 =	vld.idx.msk [tilespmem:v53+s12+$0x0], $0xffff;
	_ =	sdelay $0x1  }
0x4e8: {  	v30 =	vadd.f32 v31, v30;
	v31 =	vld.idx.msk [tilespmem:v54+s12+$0x0], $0xffff  }
0x4e9: {  	v34 =	vmov s21  }
0x4ea: {  	v34 =	vmul.u32 $0x1A, v34;
	v30 =	vadd.f32 v33, v30;
	v33 =	vld.idx.msk [tilespmem:v29+s12+$0x0], $0xffff;
	_ =	sdelay $0x1  }
0x4eb: {  	v29 =	vbroadcast v34, $0x0;
	v30 =	vadd.f32 v32, v30  }
.Ltmp14:
0x4ec: {  	(pc) =	sbr.rel @p0 .LBB2_30-.Ltmp14, $4  }
0x4ed: {  	v39 =	vadd.s32 v0, v29;
	v38 =	vadd.s32 v3, v29;
	v30 =	vadd.f32 v31, v30  }
0x4ee: {  	v37 =	vadd.s32 v4, v29;
	v36 =	vadd.s32 v5, v29;
	v35 =	vadd.s32 v6, v29  }
0x4ef: {  	v34 =	vadd.s32 v7, v29;
	v32 =	vadd.s32 v8, v29;
	v40 =	vadd.f32 v33, v30  }
0x4f0: {  	v31 =	vadd.s32 v10, v29;
	v33 =	vadd.s32 v9, v29;
	v30 =	vadd.s32 v11, v29  }
0x4f1: {  	_ =	sdelay $0x2  }
0x4f2: {  	[tilespmem:s19+$0x0] =	vst v40  }
0x4f3: {  	v39 =	vld.idx.msk [tilespmem:v39+s12+$0x0], $0xffff;
	_ =	sdelay $0x1  }
0x4f4: {  	v38 =	vld.idx.msk [tilespmem:v38+s12+$0x0], $0xffff;
	_ =	sdelay $0x1  }
0x4f5: {  	v37 =	vld.idx.msk [tilespmem:v37+s12+$0x0], $0xffff  }
0x4f6: {  	v39 =	vadd.f32 v39, v28  }
0x4f7: {  	v36 =	vld.idx.msk [tilespmem:v36+s12+$0x0], $0xffff  }
0x4f8: {  	v38 =	vadd.f32 v38, v39  }
0x4f9: {  	v35 =	vld.idx.msk [tilespmem:v35+s12+$0x0], $0xffff  }
0x4fa: {  	v37 =	vadd.f32 v37, v38  }
0x4fb: {  	v34 =	vld.idx.msk [tilespmem:v34+s12+$0x0], $0xffff  }
0x4fc: {  	v36 =	vadd.f32 v36, v37  }
0x4fd: {  	v32 =	vld.idx.msk [tilespmem:v32+s12+$0x0], $0xffff  }
0x4fe: {  	v35 =	vadd.f32 v35, v36  }
0x4ff: {  	v33 =	vld.idx.msk [tilespmem:v33+s12+$0x0], $0xffff  }
0x500: {  	v49 =	vadd.s32 v12, v29;
	v34 =	vadd.f32 v34, v35  }
0x501: {  	v31 =	vld.idx.msk [tilespmem:v31+s12+$0x0], $0xffff  }
0x502: {  	v50 =	vadd.s32 v13, v29;
	v32 =	vadd.f32 v32, v34  }
0x503: {  	v30 =	vld.idx.msk [tilespmem:v30+s12+$0x0], $0xffff  }
0x504: {  	v51 =	vadd.s32 v14, v29;
	v32 =	vadd.f32 v33, v32  }
0x505: {  	v52 =	vld.idx.msk [tilespmem:v49+s12+$0x0], $0xffff  }
0x506: {  	v53 =	vadd.s32 v15, v29;
	v31 =	vadd.f32 v31, v32  }
0x507: {  	v54 =	vld.idx.msk [tilespmem:v50+s12+$0x0], $0xffff  }
0x508: {  	v55 =	vadd.s32 v16, v29;
	v30 =	vadd.f32 v30, v31  }
0x509: {  	v31 =	vld.idx.msk [tilespmem:v51+s12+$0x0], $0xffff  }
0x50a: {  	v56 =	vadd.s32 v17, v29;
	v30 =	vadd.f32 v52, v30  }
0x50b: {  	v57 =	vld.idx.msk [tilespmem:v53+s12+$0x0], $0xffff  }
0x50c: {  	v58 =	vadd.s32 v18, v29;
	v30 =	vadd.f32 v54, v30  }
0x50d: {  	v59 =	vld.idx.msk [tilespmem:v55+s12+$0x0], $0xffff  }
0x50e: {  	v60 =	vadd.s32 v19, v29;
	v30 =	vadd.f32 v31, v30  }
0x50f: {  	v31 =	vld.idx.msk [tilespmem:v56+s12+$0x0], $0xffff  }
0x510: {  	v61 =	vadd.s32 v20, v29;
	v30 =	vadd.f32 v57, v30  }
0x511: {  	v62 =	vld.idx.msk [tilespmem:v58+s12+$0x0], $0xffff  }
0x512: {  	v63 =	vadd.s32 v21, v29;
	v30 =	vadd.f32 v59, v30  }
0x513: {  	v40 =	vld.idx.msk [tilespmem:v60+s12+$0x0], $0xffff  }
0x514: {  	v41 =	vadd.s32 v22, v29;
	v30 =	vadd.f32 v31, v30  }
0x515: {  	v31 =	vld.idx.msk [tilespmem:v61+s12+$0x0], $0xffff  }
0x516: {  	v42 =	vadd.s32 v23, v29;
	v30 =	vadd.f32 v62, v30  }
0x517: {  	v43 =	vld.idx.msk [tilespmem:v63+s12+$0x0], $0xffff  }
0x518: {  	v44 =	vadd.s32 v24, v29;
	v30 =	vadd.f32 v40, v30  }
0x519: {  	v45 =	vld.idx.msk [tilespmem:v41+s12+$0x0], $0xffff  }
0x51a: {  	v46 =	vadd.s32 v25, v29;
	v30 =	vadd.f32 v31, v30  }
0x51b: {  	v31 =	vld.idx.msk [tilespmem:v42+s12+$0x0], $0xffff  }
0x51c: {  	v47 =	vadd.s32 v26, v29;
	v30 =	vadd.f32 v43, v30  }
0x51d: {  	v48 =	vld.idx.msk [tilespmem:v44+s12+$0x0], $0xffff  }
0x51e: {  	v29 =	vadd.s32 v27, v29;
	v30 =	vadd.f32 v45, v30  }
0x51f: {  	v49 =	vld.idx.msk [tilespmem:v46+s12+$0x0], $0xffff  }
0x520: {  	v30 =	vadd.f32 v31, v30  }
0x521: {  	v31 =	vld.idx.msk [tilespmem:v47+s12+$0x0], $0xffff  }
0x522: {  	v30 =	vadd.f32 v48, v30  }
0x523: {  	s20 =	simm.s32 $0x0;
	v29 =	vld.idx.msk [tilespmem:v29+s12+$0x0], $0xffff  }
0x524: {  	v50 =	vmov s20;
	v30 =	vadd.f32 v49, v30  }
0x525: {  	v32 =	vmul.u32 $0x1A, v50  }
0x526: {  	v30 =	vadd.f32 v31, v30  }
0x527: {  	v31 =	vbroadcast v32, $0x0  }
0x528: {  	v29 =	vadd.f32 v29, v30  }
0x529: {  	s30 =	sadd.s32 $0x10, s19;
	v30 =	vadd.s32 v0, v31  }
0x52a: {  	[tilespmem:s30+$0x0] =	vst v29  }
0x52b: {  	v29 =	vadd.s32 v3, v31;
	_ =	swait.ge [sflag:s16], $0x680  }
0x52c: {  	[sflag:s16] =	ssyncset.done $0x0  }
0x52d: {  	v32 =	vadd.s32 v4, v31;
	[sflag:s16] =	ssyncadd.s32 $0xFFFFF980  }
0x52e: {  	v30 =	vld.idx.msk [tilespmem:v30+s14+$0x0], $0xffff  }
0x52f: {  	v51 =	vadd.s32 v5, v31  }
0x530: {  	v29 =	vld.idx.msk [tilespmem:v29+s14+$0x0], $0xffff  }
0x531: {  	v52 =	vadd.s32 v6, v31  }
0x532: {  	v32 =	vld.idx.msk [tilespmem:v32+s14+$0x0], $0xffff  }
0x533: {  	v53 =	vadd.s32 v7, v31;
	v30 =	vadd.f32 v30, v28  }
0x534: {  	v33 =	vld.idx.msk [tilespmem:v51+s14+$0x0], $0xffff  }
0x535: {  	v54 =	vadd.s32 v8, v31;
	v29 =	vadd.f32 v29, v30  }
0x536: {  	v30 =	vld.idx.msk [tilespmem:v52+s14+$0x0], $0xffff  }
0x537: {  	v55 =	vadd.s32 v9, v31;
	v29 =	vadd.f32 v32, v29  }
0x538: {  	v56 =	vld.idx.msk [tilespmem:v53+s14+$0x0], $0xffff  }
0x539: {  	v57 =	vadd.s32 v10, v31;
	v29 =	vadd.f32 v33, v29  }
0x53a: {  	v58 =	vld.idx.msk [tilespmem:v54+s14+$0x0], $0xffff  }
0x53b: {  	v59 =	vadd.s32 v11, v31;
	v29 =	vadd.f32 v30, v29  }
0x53c: {  	v30 =	vld.idx.msk [tilespmem:v55+s14+$0x0], $0xffff  }
0x53d: {  	v60 =	vadd.s32 v12, v31;
	v29 =	vadd.f32 v56, v29  }
0x53e: {  	v61 =	vld.idx.msk [tilespmem:v57+s14+$0x0], $0xffff  }
0x53f: {  	v62 =	vadd.s32 v13, v31;
	v29 =	vadd.f32 v58, v29  }
0x540: {  	v63 =	vld.idx.msk [tilespmem:v59+s14+$0x0], $0xffff  }
0x541: {  	v40 =	vadd.s32 v14, v31;
	v29 =	vadd.f32 v30, v29  }
0x542: {  	v30 =	vld.idx.msk [tilespmem:v60+s14+$0x0], $0xffff  }
0x543: {  	v41 =	vadd.s32 v15, v31;
	v29 =	vadd.f32 v61, v29  }
0x544: {  	v42 =	vld.idx.msk [tilespmem:v62+s14+$0x0], $0xffff  }
0x545: {  	v43 =	vadd.s32 v16, v31;
	v29 =	vadd.f32 v63, v29  }
0x546: {  	v44 =	vld.idx.msk [tilespmem:v40+s14+$0x0], $0xffff  }
0x547: {  	v45 =	vadd.s32 v17, v31;
	v29 =	vadd.f32 v30, v29  }
0x548: {  	v30 =	vld.idx.msk [tilespmem:v41+s14+$0x0], $0xffff  }
0x549: {  	v46 =	vadd.s32 v18, v31;
	v29 =	vadd.f32 v42, v29  }
0x54a: {  	v47 =	vld.idx.msk [tilespmem:v43+s14+$0x0], $0xffff  }
0x54b: {  	v48 =	vadd.s32 v19, v31;
	v29 =	vadd.f32 v44, v29  }
0x54c: {  	v49 =	vld.idx.msk [tilespmem:v45+s14+$0x0], $0xffff  }
0x54d: {  	v50 =	vadd.s32 v20, v31;
	v29 =	vadd.f32 v30, v29  }
0x54e: {  	v30 =	vld.idx.msk [tilespmem:v46+s14+$0x0], $0xffff  }
0x54f: {  	v51 =	vadd.s32 v21, v31;
	v29 =	vadd.f32 v47, v29  }
0x550: {  	v52 =	vld.idx.msk [tilespmem:v48+s14+$0x0], $0xffff  }
0x551: {  	v53 =	vadd.s32 v22, v31;
	v29 =	vadd.f32 v49, v29  }
0x552: {  	v54 =	vld.idx.msk [tilespmem:v50+s14+$0x0], $0xffff  }
0x553: {  	v55 =	vadd.s32 v23, v31;
	v29 =	vadd.f32 v30, v29  }
0x554: {  	v30 =	vld.idx.msk [tilespmem:v51+s14+$0x0], $0xffff  }
0x555: {  	v56 =	vadd.s32 v24, v31;
	v29 =	vadd.f32 v52, v29  }
0x556: {  	v57 =	vld.idx.msk [tilespmem:v53+s14+$0x0], $0xffff  }
0x557: {  	v58 =	vadd.s32 v25, v31;
	v29 =	vadd.f32 v54, v29  }
0x558: {  	v59 =	vld.idx.msk [tilespmem:v55+s14+$0x0], $0xffff  }
0x559: {  	v60 =	vadd.s32 v26, v31;
	v29 =	vadd.f32 v30, v29  }
0x55a: {  	v30 =	vld.idx.msk [tilespmem:v56+s14+$0x0], $0xffff  }
0x55b: {  	v31 =	vadd.s32 v27, v31;
	v29 =	vadd.f32 v57, v29  }
0x55c: {  	s31 =	simm.s32 $0x10;
	v61 =	vld.idx.msk [tilespmem:v58+s14+$0x0], $0xffff  }
0x55d: {  	v63 =	vmov s31;
	v29 =	vadd.f32 v59, v29  }
0x55e: {  	v62 =	vld.idx.msk [tilespmem:v60+s14+$0x0], $0xffff;
	v34 =	vmul.u32 $0x1A, v63  }
0x55f: {  	v30 =	vadd.f32 v30, v29  }
0x560: {  	v31 =	vld.idx.msk [tilespmem:v31+s14+$0x0], $0xffff;
	v29 =	vbroadcast v34, $0x0  }
0x561: {  	v30 =	vadd.f32 v61, v30  }
0x562: {  	v39 =	vadd.s32 v0, v29;
	v38 =	vadd.s32 v3, v29;
	v37 =	vadd.s32 v4, v29  }
0x563: {  	v36 =	vadd.s32 v5, v29;
	v35 =	vadd.s32 v6, v29;
	v30 =	vadd.f32 v62, v30  }
0x564: {  	v34 =	vadd.s32 v7, v29;
	v32 =	vadd.s32 v8, v29;
	v33 =	vadd.s32 v9, v29  }
0x565: {  	s19 =	simm.s32 $0x4FC0;
	s20 =	simm.s32 $0x20;
	v40 =	vadd.f32 v31, v30;
	v31 =	vadd.s32 v10, v29;
	v30 =	vadd.s32 v11, v29  }
.LBB2_32:
0x566: {  	p0 =	sne.s32 s20, $0x30  }
0x567: {  	v41 =	vadd.s32 v12, v29;
	v42 =	vadd.s32 v13, v29;
	v43 =	vadd.s32 v14, v29;
	[tilespmem:s19+$0x0] =	vst v40;
	s19 =	sadd.s32 $0x10, s19;
	s21 =	smov.u32 s20;
	s20 =	sadd.s32 $0x10, s20  }
0x568: {  	v40 =	vadd.s32 v15, v29;
	v44 =	vadd.s32 v16, v29;
	v45 =	vadd.s32 v17, v29;
	v39 =	vld.idx.msk [tilespmem:v39+s14+$0x0], $0xffff  }
0x569: {  	v46 =	vadd.s32 v18, v29;
	v47 =	vadd.s32 v19, v29;
	v48 =	vadd.s32 v20, v29  }
0x56a: {  	v49 =	vadd.s32 v21, v29;
	v50 =	vadd.s32 v22, v29;
	v51 =	vadd.s32 v23, v29;
	v38 =	vld.idx.msk [tilespmem:v38+s14+$0x0], $0xffff  }
0x56b: {  	v52 =	vadd.s32 v24, v29;
	v53 =	vadd.s32 v25, v29;
	v54 =	vadd.s32 v26, v29  }
0x56c: {  	v29 =	vadd.s32 v27, v29;
	v37 =	vld.idx.msk [tilespmem:v37+s14+$0x0], $0xffff;
	_ =	sdelay $0x1  }
0x56d: {  	v39 =	vadd.f32 v39, v28;
	v36 =	vld.idx.msk [tilespmem:v36+s14+$0x0], $0xffff;
	_ =	sdelay $0x1  }
0x56e: {  	v38 =	vadd.f32 v38, v39;
	v35 =	vld.idx.msk [tilespmem:v35+s14+$0x0], $0xffff;
	_ =	sdelay $0x1  }
0x56f: {  	v37 =	vadd.f32 v37, v38;
	v34 =	vld.idx.msk [tilespmem:v34+s14+$0x0], $0xffff;
	_ =	sdelay $0x1  }
0x570: {  	v36 =	vadd.f32 v36, v37;
	v32 =	vld.idx.msk [tilespmem:v32+s14+$0x0], $0xffff;
	_ =	sdelay $0x1  }
0x571: {  	v35 =	vadd.f32 v35, v36;
	v33 =	vld.idx.msk [tilespmem:v33+s14+$0x0], $0xffff;
	_ =	sdelay $0x1  }
0x572: {  	v34 =	vadd.f32 v34, v35;
	v31 =	vld.idx.msk [tilespmem:v31+s14+$0x0], $0xffff;
	_ =	sdelay $0x1  }
0x573: {  	v32 =	vadd.f32 v32, v34;
	v30 =	vld.idx.msk [tilespmem:v30+s14+$0x0], $0xffff;
	_ =	sdelay $0x1  }
0x574: {  	v32 =	vadd.f32 v33, v32;
	v33 =	vld.idx.msk [tilespmem:v41+s14+$0x0], $0xffff;
	_ =	sdelay $0x1  }
0x575: {  	v31 =	vadd.f32 v31, v32;
	v32 =	vld.idx.msk [tilespmem:v42+s14+$0x0], $0xffff;
	_ =	sdelay $0x1  }
0x576: {  	v30 =	vadd.f32 v30, v31;
	v31 =	vld.idx.msk [tilespmem:v43+s14+$0x0], $0xffff;
	_ =	sdelay $0x1  }
0x577: {  	v30 =	vadd.f32 v33, v30;
	v33 =	vld.idx.msk [tilespmem:v40+s14+$0x0], $0xffff;
	_ =	sdelay $0x1  }
0x578: {  	v30 =	vadd.f32 v32, v30;
	v32 =	vld.idx.msk [tilespmem:v44+s14+$0x0], $0xffff;
	_ =	sdelay $0x1  }
0x579: {  	v30 =	vadd.f32 v31, v30;
	v31 =	vld.idx.msk [tilespmem:v45+s14+$0x0], $0xffff;
	_ =	sdelay $0x1  }
0x57a: {  	v30 =	vadd.f32 v33, v30;
	v33 =	vld.idx.msk [tilespmem:v46+s14+$0x0], $0xffff;
	_ =	sdelay $0x1  }
0x57b: {  	v30 =	vadd.f32 v32, v30;
	v32 =	vld.idx.msk [tilespmem:v47+s14+$0x0], $0xffff;
	_ =	sdelay $0x1  }
0x57c: {  	v30 =	vadd.f32 v31, v30;
	v31 =	vld.idx.msk [tilespmem:v48+s14+$0x0], $0xffff;
	_ =	sdelay $0x1  }
0x57d: {  	v30 =	vadd.f32 v33, v30;
	v33 =	vld.idx.msk [tilespmem:v49+s14+$0x0], $0xffff;
	_ =	sdelay $0x1  }
0x57e: {  	v30 =	vadd.f32 v32, v30;
	v32 =	vld.idx.msk [tilespmem:v50+s14+$0x0], $0xffff;
	_ =	sdelay $0x1  }
0x57f: {  	v30 =	vadd.f32 v31, v30;
	v31 =	vld.idx.msk [tilespmem:v51+s14+$0x0], $0xffff;
	_ =	sdelay $0x1  }
0x580: {  	v30 =	vadd.f32 v33, v30;
	v33 =	vld.idx.msk [tilespmem:v52+s14+$0x0], $0xffff;
	_ =	sdelay $0x1  }
0x581: {  	v30 =	vadd.f32 v32, v30;
	v32 =	vld.idx.msk [tilespmem:v53+s14+$0x0], $0xffff;
	_ =	sdelay $0x1  }
0x582: {  	v30 =	vadd.f32 v31, v30;
	v31 =	vld.idx.msk [tilespmem:v54+s14+$0x0], $0xffff  }
0x583: {  	v34 =	vmov s21  }
0x584: {  	v34 =	vmul.u32 $0x1A, v34;
	v30 =	vadd.f32 v33, v30;
	v33 =	vld.idx.msk [tilespmem:v29+s14+$0x0], $0xffff;
	_ =	sdelay $0x1  }
0x585: {  	v29 =	vbroadcast v34, $0x0;
	v30 =	vadd.f32 v32, v30  }
.Ltmp15:
0x586: {  	(pc) =	sbr.rel @p0 .LBB2_32-.Ltmp15, $4  }
0x587: {  	v39 =	vadd.s32 v0, v29;
	v38 =	vadd.s32 v3, v29;
	v30 =	vadd.f32 v31, v30  }
0x588: {  	v37 =	vadd.s32 v4, v29;
	v36 =	vadd.s32 v5, v29;
	v35 =	vadd.s32 v6, v29  }
0x589: {  	v34 =	vadd.s32 v7, v29;
	v32 =	vadd.s32 v8, v29;
	v40 =	vadd.f32 v33, v30  }
0x58a: {  	v31 =	vadd.s32 v10, v29;
	v33 =	vadd.s32 v9, v29;
	v30 =	vadd.s32 v11, v29  }
0x58b: {  	_ =	sdelay $0x2  }
0x58c: {  	[tilespmem:s19+$0x0] =	vst v40  }
0x58d: {  	v39 =	vld.idx.msk [tilespmem:v39+s14+$0x0], $0xffff;
	_ =	sdelay $0x1  }
0x58e: {  	v38 =	vld.idx.msk [tilespmem:v38+s14+$0x0], $0xffff;
	_ =	sdelay $0x1  }
0x58f: {  	v37 =	vld.idx.msk [tilespmem:v37+s14+$0x0], $0xffff  }
0x590: {  	v28 =	vadd.f32 v39, v28  }
0x591: {  	v36 =	vld.idx.msk [tilespmem:v36+s14+$0x0], $0xffff  }
0x592: {  	v28 =	vadd.f32 v38, v28  }
0x593: {  	v35 =	vld.idx.msk [tilespmem:v35+s14+$0x0], $0xffff  }
0x594: {  	v28 =	vadd.f32 v37, v28  }
0x595: {  	v34 =	vld.idx.msk [tilespmem:v34+s14+$0x0], $0xffff  }
0x596: {  	v28 =	vadd.f32 v36, v28  }
0x597: {  	v32 =	vld.idx.msk [tilespmem:v32+s14+$0x0], $0xffff  }
0x598: {  	v28 =	vadd.f32 v35, v28  }
0x599: {  	v33 =	vld.idx.msk [tilespmem:v33+s14+$0x0], $0xffff  }
0x59a: {  	v62 =	vadd.s32 v12, v29;
	v28 =	vadd.f32 v34, v28  }
0x59b: {  	v31 =	vld.idx.msk [tilespmem:v31+s14+$0x0], $0xffff  }
0x59c: {  	v63 =	vadd.s32 v13, v29;
	v28 =	vadd.f32 v32, v28  }
0x59d: {  	v30 =	vld.idx.msk [tilespmem:v30+s14+$0x0], $0xffff  }
0x59e: {  	v36 =	vadd.s32 v14, v29;
	v28 =	vadd.f32 v33, v28  }
0x59f: {  	v37 =	vld.idx.msk [tilespmem:v62+s14+$0x0], $0xffff  }
0x5a0: {  	v38 =	vadd.s32 v15, v29;
	v28 =	vadd.f32 v31, v28  }
0x5a1: {  	v39 =	vld.idx.msk [tilespmem:v63+s14+$0x0], $0xffff  }
0x5a2: {  	v40 =	vadd.s32 v16, v29;
	v28 =	vadd.f32 v30, v28  }
0x5a3: {  	v41 =	vld.idx.msk [tilespmem:v36+s14+$0x0], $0xffff  }
0x5a4: {  	v42 =	vadd.s32 v17, v29;
	v28 =	vadd.f32 v37, v28  }
0x5a5: {  	v43 =	vld.idx.msk [tilespmem:v38+s14+$0x0], $0xffff  }
0x5a6: {  	v44 =	vadd.s32 v18, v29;
	v28 =	vadd.f32 v39, v28  }
0x5a7: {  	v45 =	vld.idx.msk [tilespmem:v40+s14+$0x0], $0xffff  }
0x5a8: {  	v46 =	vadd.s32 v19, v29;
	v28 =	vadd.f32 v41, v28  }
0x5a9: {  	v47 =	vld.idx.msk [tilespmem:v42+s14+$0x0], $0xffff  }
0x5aa: {  	v48 =	vadd.s32 v20, v29;
	v28 =	vadd.f32 v43, v28  }
0x5ab: {  	v49 =	vld.idx.msk [tilespmem:v44+s14+$0x0], $0xffff  }
0x5ac: {  	v50 =	vadd.s32 v21, v29;
	v28 =	vadd.f32 v45, v28  }
0x5ad: {  	v51 =	vld.idx.msk [tilespmem:v46+s14+$0x0], $0xffff  }
0x5ae: {  	v52 =	vadd.s32 v22, v29;
	v28 =	vadd.f32 v47, v28  }
0x5af: {  	v53 =	vld.idx.msk [tilespmem:v48+s14+$0x0], $0xffff  }
0x5b0: {  	v54 =	vadd.s32 v23, v29;
	v28 =	vadd.f32 v49, v28  }
0x5b1: {  	v55 =	vld.idx.msk [tilespmem:v50+s14+$0x0], $0xffff  }
0x5b2: {  	v56 =	vadd.s32 v24, v29;
	v28 =	vadd.f32 v51, v28  }
0x5b3: {  	v57 =	vld.idx.msk [tilespmem:v52+s14+$0x0], $0xffff  }
0x5b4: {  	v58 =	vadd.s32 v25, v29;
	v28 =	vadd.f32 v53, v28  }
0x5b5: {  	v59 =	vld.idx.msk [tilespmem:v54+s14+$0x0], $0xffff  }
0x5b6: {  	v60 =	vadd.s32 v26, v29;
	v28 =	vadd.f32 v55, v28  }
0x5b7: {  	v61 =	vld.idx.msk [tilespmem:v56+s14+$0x0], $0xffff  }
0x5b8: {  	v29 =	vadd.s32 v27, v29;
	v28 =	vadd.f32 v57, v28  }
0x5b9: {  	v62 =	vld.idx.msk [tilespmem:v58+s14+$0x0], $0xffff  }
0x5ba: {  	v28 =	vadd.f32 v59, v28  }
0x5bb: {  	v63 =	vld.idx.msk [tilespmem:v60+s14+$0x0], $0xffff  }
0x5bc: {  	v28 =	vadd.f32 v61, v28  }
0x5bd: {  	v29 =	vld.idx.msk [tilespmem:v29+s14+$0x0], $0xffff  }
0x5be: {  	v28 =	vadd.f32 v62, v28;
	_ =	sdelay $0x1  }
0x5bf: {  	v28 =	vadd.f32 v63, v28;
	_ =	sdelay $0x1  }
0x5c0: {  	s18 =	sadd.s32 $0x1, s18;
	v28 =	vadd.f32 v29, v28  }
0x5c1: {  	s31 =	sadd.s32 $0x10, s19;
	p0 =	sne.s32 s18, s7  }
.Ltmp16:
0x5c2: {  	[tilespmem:s31+$0x0] =	vst v28;
	(pc) =	sbr.rel @p0 .LBB2_1-.Ltmp16, $4  }
0x5c3: {  	[hbm4b:s6+s3] =	stream.linear.scatter [tilespmem:s17], [sflag:$0x3], $0x200, $0x38;
	[tilespmem:$0x5080] =	vst v63  }
0x5c4: {  	_ =	swait.ge [sflag:s8], $0x200  }
0x5c5: {  	[sflag:s8] =	ssyncset.done $0x0  }
0x5c6: {  	[sflag:s8] =	ssyncadd.s32 $0xFFFFFE00  }
0x5c7: {  	_ =	sfence.sel $0x180000  }
0x5c8: {  	[bflag:$0x0] =	sbarrier.arrive $0xFFFF  }
0x5c9: {  	p0 =	sne.s32 s0, $0x0;
	_ =	strace $0x90000047  }
0x5ca: {  	s0 =	sadd.s32 @!p0 $0x100000, s1;
	[bflag:$0x2] =	sbarrier.arrive $0xFFFF  }
0x5cb: {  	[sflag:s0] =	ssyncadd.tile.s32 @!p0 $0x1;
	_ =	shalt  }
.Lfunc_end2:
_tile_overlayer_lowered:
.L_overlay_start_2:
0x5cc: {  	(tag) =	ssettag $0x2  }
0x5cd: {  	s0 =	rddreg [dreg:$0x0];
	s2 =	stileid.u32  }
0x5ce: {  	s1 =	rddreg [dreg:$0x1];
	p0 =	sne.s32 s2, $0x0  }
0x5cf: {  	s3 =	rddreg [dreg:$0x2];
	[bflag:$0x3] =	sbarrier.arrive $0xFFFF;
	s2 =	simm.s32 @!p0 $0x1C03  }
0x5d0: {  	[timem:s3], [sflag:s2] =	dma.local @!p0 [hbm:s0], s1  }
0x5d1: {  	s0 =	simm.s32 @!p0 $0x3  }
0x5d2: {  	_ =	swait.ge @!p0 [sflag:s0], s1  }
0x5d3: {  	s1 =	ssub.s32 @!p0 $0x0, s1;
	[sflag:s0] =	ssyncset.done @!p0 $0x0  }
0x5d4: {  	[sflag:s0] =	ssyncadd.s32 @!p0 s1  }
0x5d5: {  	[bflag:$0x3] =	sbarrier.arrive $0xFFFF  }
0x5d6: {  	_ =	shalt  }

</sc_bundles>
